<compile_context>
chip_gen: v7x
topology: tpu7x:2x2x1
jax: 0.10.2.dev20260603
libtpu: 0.0.44.dev20260713+nightly
codegen_flags: <defaults>
</compile_context>

<pallas_src>
import functools

import jax
import jax.numpy as jnp
from jax import lax
from jax.experimental import pallas as pl
from jax.experimental.pallas import tpu as pltpu
from jax.experimental.pallas import tpu_sc as plsc

_RADIUS = 0.2
_NSAMPLE = 32
_NC = 2
_NS = 16
_NW = _NC * _NS
_L = 16
_G = 8


def _bf(x):
    u = plsc.bitcast(x, jnp.uint32)
    lsb = (u >> jnp.full(x.shape, 16, jnp.uint32)) & jnp.full(
        x.shape, 1, jnp.uint32)
    r = (u + jnp.full(x.shape, 0x7FFF, jnp.uint32) + lsb) & jnp.full(
        x.shape, 0xFFFF0000, jnp.uint32)
    return plsc.bitcast(r, jnp.float32)


def _sc_body(coord_hbm, samples_hbm, out_hbm, cvm, svm, ovm,
             cxb, cyb, czb, c2v, *, n, s, rows_per_w):
    wid = lax.axis_index("s") * _NC + lax.axis_index("c")
    row0 = wid * rows_per_w
    batch = row0 // s
    srow0 = row0 % s
    r2 = _RADIUS * _RADIUS

    pltpu.sync_copy(coord_hbm.at[batch], cvm)
    pltpu.sync_copy(samples_hbm.at[batch], svm)

    lanes = lax.iota(jnp.int32, 16)
    nv = jnp.full((_L,), n, jnp.int32)
    onesv = jnp.full((_L,), 1, jnp.int32)

    def pre_body(t, carry):
        jb = t * _L
        cx = cvm[0, pl.ds(jb, _L)]
        cy = cvm[1, pl.ds(jb, _L)]
        cz = cvm[2, pl.ds(jb, _L)]
        cxb[pl.ds(jb, _L)] = _bf(cx)
        cyb[pl.ds(jb, _L)] = _bf(cy)
        czb[pl.ds(jb, _L)] = _bf(cz)
        c2v[pl.ds(jb, _L)] = cx * cx + cy * cy + cz * cz
        return carry

    lax.fori_loop(0, n // _L, pre_body, 0)

    def load_row(i):
        sidx = jnp.full((_L,), srow0 + i, jnp.int32)
        sx = plsc.load_gather(svm, [sidx])
        sy = plsc.load_gather(svm, [sidx + jnp.full((_L,), s, jnp.int32)])
        sz = plsc.load_gather(svm, [sidx + jnp.full((_L,), 2 * s, jnp.int32)])
        s2 = sx * sx + sy * sy + sz * sz
        base = i * _NSAMPLE
        ovm[pl.ds(base, _L)] = nv
        ovm[pl.ds(base + _L, _L)] = nv
        basem1 = jnp.full((_L,), -1, jnp.int32) + base
        return (_bf(sx), _bf(sy), _bf(sz), s2, basem1)

    def fix_row(i):
        base = i * _NSAMPLE
        first = plsc.load_gather(ovm, [jnp.full((_L,), base, jnp.int32)])
        o1 = ovm[pl.ds(base, _L)]
        o2 = ovm[pl.ds(base + _L, _L)]
        ovm[pl.ds(base, _L)] = jnp.where(o1 == nv, first, o1)
        ovm[pl.ds(base + _L, _L)] = jnp.where(o2 == nv, first, o2)

    def pair_body(i2, carry):
        rows = [load_row(_G * i2 + g) for g in range(_G)]

        def step(jb, row, have_v, cxv, cyv, czv, c2, vals):
            sxb, syb, szb, s2, basem1 = row
            mm = sxb * cxv
            mm = mm + syb * cyv
            mm = mm + szb * czv
            d = (-2.0 * mm + s2) + c2
            msk = d <= r2
            ranks = plsc.cumsum(onesv, mask=msk)
            pos = have_v + ranks
            wmask = msk & (pos <= _NSAMPLE)
            idx = pos + basem1
            plsc.store_scatter(ovm, [idx], vals, mask=wmask)
            cnt = plsc.all_reduce_population_count(msk)
            return have_v + cnt

        def cond(st):
            return jnp.logical_and(st[0] < n, jnp.logical_not(st[-1]))

        def body(st):
            jb = st[0]
            haves = list(st[1:1 + _G])
            for u in range(2):
                jbu = jb + u * _L
                cxv = cxb[pl.ds(jbu, _L)]
                cyv = cyb[pl.ds(jbu, _L)]
                czv = czb[pl.ds(jbu, _L)]
                c2 = c2v[pl.ds(jbu, _L)]
                vals = jbu + lanes
                for g in range(_G):
                    haves[g] = step(jbu, rows[g], haves[g],
                                    cxv, cyv, czv, c2, vals)
            done = jnp.any(haves[0] >= _NSAMPLE)
            for g in range(1, _G):
                done = jnp.logical_and(done, jnp.any(haves[g] >= _NSAMPLE))
            return (jb + 2 * _L, *haves, done)

        init = (jnp.int32(0),) + tuple(
            jnp.zeros((_L,), jnp.int32) for _ in range(_G)) + (False,)
        lax.while_loop(cond, body, init)

        for g in range(_G):
            fix_row(_G * i2 + g)
        return carry

    lax.fori_loop(0, rows_per_w // _G, pair_body, 0)
    pltpu.sync_copy(ovm, out_hbm.at[pl.ds(row0 * _NSAMPLE,
                                          rows_per_w * _NSAMPLE)])


def kernel(coord, samples):
    b, n, _ = coord.shape
    s = samples.shape[1]
    rows_per_w = (b * s) // _NW

    r = _RADIUS
    ov = jnp.clip(jnp.minimum(samples + r, 1.0) - jnp.maximum(samples - r, 0.0),
                  0.0, None)
    score = ov[..., 0] * ov[..., 1] * ov[..., 2]
    order = jnp.argsort(-score, axis=1)
    og = order.reshape(b, s // _G, _G)
    perm = jnp.concatenate(
        [og[:, 0::2].reshape(b, s // 2), og[:, 1::2].reshape(b, s // 2)],
        axis=1)
    row_iota = jnp.broadcast_to(jnp.arange(s, dtype=perm.dtype)[None], (b, s))
    inv = jnp.zeros_like(perm).at[
        jnp.arange(b)[:, None], perm].set(row_iota)
    samples_p = jnp.take_along_axis(samples, perm[..., None], axis=1)

    coord_t = jnp.transpose(coord, (0, 2, 1))
    samples_t = jnp.transpose(samples_p, (0, 2, 1)).reshape(b, 3 * s)

    mesh = plsc.VectorSubcoreMesh(core_axis_name="c", subcore_axis_name="s",
                                  num_cores=_NC, num_subcores=_NS)
    out = pl.kernel(
        functools.partial(_sc_body, n=n, s=s, rows_per_w=rows_per_w),
        out_type=jax.ShapeDtypeStruct((b * s * _NSAMPLE,), jnp.int32),
        mesh=mesh,
        compiler_params=pltpu.CompilerParams(needs_layout_passes=False),
        scratch_types=[
            pltpu.VMEM((3, n), jnp.float32),
            pltpu.VMEM((3 * s,), jnp.float32),
            pltpu.VMEM((rows_per_w * _NSAMPLE,), jnp.int32),
            pltpu.VMEM((n,), jnp.float32),
            pltpu.VMEM((n,), jnp.float32),
            pltpu.VMEM((n,), jnp.float32),
            pltpu.VMEM((n,), jnp.float32),
        ],
    )(coord_t, samples_t)
    out = out.reshape(b, s, _NSAMPLE)
    return jnp.take_along_axis(out, inv[..., None], axis=1)

# --- scband reference (transcript-rebuilt; emitter-appended) ---
"""Pipeline reference for scband-eps-ball-points-37812892074552 (READ-ONLY COPY).

The authoritative reference and input builder live on the scoring server;
editing this copy changes nothing except your own understanding.
"""

import jax, jax.numpy as jnp
import numpy as np

RADIUS = 0.2
NSAMPLE = 32


def square_distance(src, dst):
    # src: [B, N, C], dst: [B, M, C] -> [B, N, M]
    dist = -2.0 * jnp.matmul(src, jnp.transpose(dst, (0, 2, 1)))
    dist = dist + jnp.sum(src ** 2, axis=-1)[:, :, None]
    dist = dist + jnp.sum(dst ** 2, axis=-1)[:, None, :]
    return dist


def setup_inputs(seed: int = 0) -> dict:
    key = jax.random.key(seed)
    k1, k2 = jax.random.split(key)
    # Point cloud in unit cube; samples are the FPS-sampled query centers.
    coord = jax.random.uniform(k1, (16, 4096, 3), dtype=jnp.float32)
    samples = jax.random.uniform(k2, (16, 1024, 3), dtype=jnp.float32)
    return {"coord": coord, "samples": samples}


def reference(coord, samples):
    # Faithful translation of EpsBallPoints.forward (after unpacking the DGL
    # graph: coord = g.ndata['x'].view(B,-1,3); samples = sampled subset).
    B, N, C = coord.shape
    S = samples.shape[1]
    group_idx = jnp.broadcast_to(jnp.arange(N)[None, None, :], (B, S, N))
    sqrdists = square_distance(samples, coord)
    # group_idx[sqrdists > radius**2] = N
    group_idx = jnp.where(sqrdists > RADIUS ** 2, N, group_idx)
    # sort along last dim and keep first nsample
    group_idx = jnp.sort(group_idx, axis=-1)[:, :, :NSAMPLE]
    # replace out-of-ball sentinel N with the first (closest valid) index
    group_first = jnp.broadcast_to(group_idx[:, :, 0:1], (B, S, NSAMPLE))
    mask = group_idx == N
    group_idx = jnp.where(mask, group_first, group_idx)
    return group_idx

if __name__ == "__main__":
    import jax
    _d = setup_inputs()
    print(jax.jit(kernel)(*tuple(_d.values())))

</pallas_src>

<mosaic_0001>
#map = affine_map<(d0, d1) -> (0, 0, 0)>
#map1 = affine_map<(d0, d1) -> (0, 0)>
#map2 = affine_map<(d0, d1) -> (0)>
module attributes {stable_mosaic.version = 14 : i64} {
  func.func @_sc_body(%arg0: i32, %arg1: i32, %arg2: memref<16x3x4096xf32, #tpu.memory_space<hbm>>, %arg3: memref<16x3072xf32, #tpu.memory_space<hbm>>, %arg4: memref<524288xi32, #tpu.memory_space<hbm>>, %arg5: memref<3x4096xf32, #tpu.memory_space<vmem>>, %arg6: memref<3072xf32, #tpu.memory_space<vmem>>, %arg7: memref<16384xi32, #tpu.memory_space<vmem>>, %arg8: memref<4096xf32, #tpu.memory_space<vmem>>, %arg9: memref<4096xf32, #tpu.memory_space<vmem>>, %arg10: memref<4096xf32, #tpu.memory_space<vmem>>, %arg11: memref<4096xf32, #tpu.memory_space<vmem>>) attributes {dimension_semantics = [#tpu.dimension_semantics<core_parallel>, #tpu.dimension_semantics<subcore_parallel>], iteration_bounds = array<i64: 2, 16>, scalar_prefetch = 0 : i64, scratch_operands = 7 : i64, tpu.core_type = #tpu.core_type<sc_vector_subcore>, window_params = [{transform_indices = #map}, {transform_indices = #map1}, {transform_indices = #map2}]} {
    %mul3A = arith.constant 2 : i32
    %mul3A_0 = arith.muli %arg1, %mul3A : i32
    %add3A = arith.addi %mul3A_0, %arg0 : i32
    %mul3A_1 = arith.constant 512 : i32
    %mul3A_2 = arith.muli %add3A, %mul3A_1 : i32
    %jit3A = arith.constant 1024 : i32
    %div3A = arith.divsi %mul3A_2, %jit3A : i32
    %sign3A = arith.constant 0 : i32
    %sign3A_3 = arith.cmpi sgt, %mul3A_2, %sign3A : i32
    %sign3A_4 = arith.extui %sign3A_3 : i1 to i32
    %sign3A_5 = arith.constant 0 : i32
    %sign3A_6 = arith.cmpi slt, %mul3A_2, %sign3A_5 : i32
    %sign3A_7 = arith.extui %sign3A_6 : i1 to i32
    %sign3A_8 = arith.subi %sign3A_4, %sign3A_7 : i32
    %sign3A_9 = arith.constant 0 : i32
    %sign3A_10 = arith.cmpi sgt, %jit3A, %sign3A_9 : i32
    %sign3A_11 = arith.extui %sign3A_10 : i1 to i32
    %sign3A_12 = arith.constant 0 : i32
    %sign3A_13 = arith.cmpi slt, %jit3A, %sign3A_12 : i32
    %sign3A_14 = arith.extui %sign3A_13 : i1 to i32
    %sign3A_15 = arith.subi %sign3A_11, %sign3A_14 : i32
    %ne3A = arith.cmpi ne, %sign3A_8, %sign3A_15 : i32
    %rem3A = arith.remsi %mul3A_2, %jit3A : i32
    %ne3A_16 = arith.constant 0 : i32
    %ne3A_17 = arith.cmpi ne, %rem3A, %ne3A_16 : i32
    %and3A = arith.andi %ne3A, %ne3A_17 : i1
    %sub3A = arith.constant 1 : i32
    %sub3A_18 = arith.subi %div3A, %sub3A : i32
    %select_n3A = arith.select %and3A, %sub3A_18, %div3A : i32
    %jit3A_19 = arith.constant 1024 : i32
    %eq3A = arith.constant 0 : i32
    %eq3A_20 = arith.cmpi eq, %jit3A_19, %eq3A : i32
    %jit3A_21 = arith.constant 1 : i32
    %select_n3A_22 = arith.select %eq3A_20, %jit3A_21, %jit3A_19 : i32
    %rem3A_23 = arith.remsi %mul3A_2, %select_n3A_22 : i32
    %ne3A_24 = arith.constant 0 : i32
    %ne3A_25 = arith.cmpi ne, %rem3A_23, %ne3A_24 : i32
    %lt3A = arith.constant 0 : i32
    %lt3A_26 = arith.cmpi slt, %rem3A_23, %lt3A : i32
    %lt3A_27 = arith.constant 0 : i32
    %lt3A_28 = arith.cmpi slt, %select_n3A_22, %lt3A_27 : i32
    %ne3A_29 = arith.xori %lt3A_26, %lt3A_28 : i1
    %and3A_30 = arith.andi %ne3A_29, %ne3A_25 : i1
    %add3A_31 = arith.addi %rem3A_23, %select_n3A_22 : i32
    %select_n3A_32 = arith.select %and3A_30, %add3A_31, %rem3A_23 : i32
    "tpu.region"() ({
      %run_scoped3A = tpu.sem_alloc : memref<!tpu.dma_semaphore, #tpu.memory_space<semaphore_mem>>
      %dma_start3A = arith.constant 0 : i32
      %dma_start3A_49 = arith.constant 0 : i32
      %dma_start3A_50 = tpu.memref_slice %arg2[%select_n3A, %dma_start3A, %dma_start3A_49] : memref<16x3x4096xf32, #tpu.memory_space<hbm>> -> memref<1x3x4096xf32, #tpu.memory_space<hbm>>
      %dma_start3A_51 = tpu.memref_squeeze %dma_start3A_50 : memref<1x3x4096xf32, #tpu.memory_space<hbm>> -> memref<3x4096xf32, #tpu.memory_space<hbm>>
      %dma_start3A_52 = arith.constant 0 : i32
      %dma_start3A_53 = arith.constant 0 : i32
      %dma_start3A_54 = tpu.memref_slice %arg2[%select_n3A, %dma_start3A_52, %dma_start3A_53] : memref<16x3x4096xf32, #tpu.memory_space<hbm>> -> memref<1x3x4096xf32, #tpu.memory_space<hbm>>
      %dma_start3A_55 = tpu.memref_squeeze %dma_start3A_54 : memref<1x3x4096xf32, #tpu.memory_space<hbm>> -> memref<3x4096xf32, #tpu.memory_space<hbm>>
      tpu.enqueue_dma source(%dma_start3A_55 : memref<3x4096xf32, #tpu.memory_space<hbm>>) target(%arg5 : memref<3x4096xf32, #tpu.memory_space<vmem>>) target_semaphore(%run_scoped3A : memref<!tpu.dma_semaphore, #tpu.memory_space<semaphore_mem>>)
      %dma_wait3A = arith.constant 0 : i32
      %dma_wait3A_56 = arith.constant 0 : i32
      %dma_wait3A_57 = tpu.memref_slice %arg2[%select_n3A, %dma_wait3A, %dma_wait3A_56] : memref<16x3x4096xf32, #tpu.memory_space<hbm>> -> memref<1x3x4096xf32, #tpu.memory_space<hbm>>
      %dma_wait3A_58 = tpu.memref_squeeze %dma_wait3A_57 : memref<1x3x4096xf32, #tpu.memory_space<hbm>> -> memref<3x4096xf32, #tpu.memory_space<hbm>>
      %dma_wait3A_59 = arith.constant 0 : i32
      %dma_wait3A_60 = arith.constant 0 : i32
      %dma_wait3A_61 = tpu.memref_slice %arg2[%select_n3A, %dma_wait3A_59, %dma_wait3A_60] : memref<16x3x4096xf32, #tpu.memory_space<hbm>> -> memref<1x3x4096xf32, #tpu.memory_space<hbm>>
      %dma_wait3A_62 = tpu.memref_squeeze %dma_wait3A_61 : memref<1x3x4096xf32, #tpu.memory_space<hbm>> -> memref<3x4096xf32, #tpu.memory_space<hbm>>
      tpu.wait_dma2 semaphore(%run_scoped3A : memref<!tpu.dma_semaphore, #tpu.memory_space<semaphore_mem>>) src(%dma_wait3A_62 : memref<3x4096xf32, #tpu.memory_space<hbm>>) dst(%arg5 : memref<3x4096xf32, #tpu.memory_space<vmem>>)
      tpu.yield
    }) : () -> ()
    "tpu.region"() ({
      %run_scoped3A = tpu.sem_alloc : memref<!tpu.dma_semaphore, #tpu.memory_space<semaphore_mem>>
      %dma_start3A = arith.constant 0 : i32
      %dma_start3A_49 = tpu.memref_slice %arg3[%select_n3A, %dma_start3A] : memref<16x3072xf32, #tpu.memory_space<hbm>> -> memref<1x3072xf32, #tpu.memory_space<hbm>>
      %dma_start3A_50 = tpu.memref_squeeze %dma_start3A_49 : memref<1x3072xf32, #tpu.memory_space<hbm>> -> memref<3072xf32, #tpu.memory_space<hbm>>
      %dma_start3A_51 = arith.constant 0 : i32
      %dma_start3A_52 = tpu.memref_slice %arg3[%select_n3A, %dma_start3A_51] : memref<16x3072xf32, #tpu.memory_space<hbm>> -> memref<1x3072xf32, #tpu.memory_space<hbm>>
      %dma_start3A_53 = tpu.memref_squeeze %dma_start3A_52 : memref<1x3072xf32, #tpu.memory_space<hbm>> -> memref<3072xf32, #tpu.memory_space<hbm>>
      tpu.enqueue_dma source(%dma_start3A_53 : memref<3072xf32, #tpu.memory_space<hbm>>) target(%arg6 : memref<3072xf32, #tpu.memory_space<vmem>>) target_semaphore(%run_scoped3A : memref<!tpu.dma_semaphore, #tpu.memory_space<semaphore_mem>>)
      %dma_wait3A = arith.constant 0 : i32
      %dma_wait3A_54 = tpu.memref_slice %arg3[%select_n3A, %dma_wait3A] : memref<16x3072xf32, #tpu.memory_space<hbm>> -> memref<1x3072xf32, #tpu.memory_space<hbm>>
      %dma_wait3A_55 = tpu.memref_squeeze %dma_wait3A_54 : memref<1x3072xf32, #tpu.memory_space<hbm>> -> memref<3072xf32, #tpu.memory_space<hbm>>
      %dma_wait3A_56 = arith.constant 0 : i32
      %dma_wait3A_57 = tpu.memref_slice %arg3[%select_n3A, %dma_wait3A_56] : memref<16x3072xf32, #tpu.memory_space<hbm>> -> memref<1x3072xf32, #tpu.memory_space<hbm>>
      %dma_wait3A_58 = tpu.memref_squeeze %dma_wait3A_57 : memref<1x3072xf32, #tpu.memory_space<hbm>> -> memref<3072xf32, #tpu.memory_space<hbm>>
      tpu.wait_dma2 semaphore(%run_scoped3A : memref<!tpu.dma_semaphore, #tpu.memory_space<semaphore_mem>>) src(%dma_wait3A_58 : memref<3072xf32, #tpu.memory_space<hbm>>) dst(%arg6 : memref<3072xf32, #tpu.memory_space<vmem>>)
      tpu.yield
    }) : () -> ()
    %iota3A = tpu.iota {dimensions = array<i32: 0>} : vector<16xi32>
    %broadcast_in_dim3A = arith.constant 4096 : i32
    %broadcast_in_dim3A_33 = vector.broadcast %broadcast_in_dim3A : i32 to vector<16xi32>
    %broadcast_in_dim3A_34 = arith.constant 1 : i32
    %broadcast_in_dim3A_35 = vector.broadcast %broadcast_in_dim3A_34 : i32 to vector<16xi32>
    %scan3A = arith.constant 0 : i32
    %scan3A_36 = arith.constant 0 : i32
    %scan3A_37 = arith.constant 256 : i32
    %scan3A_38 = arith.addi %scan3A_36, %scan3A_37 : i32
    %scan3A_39 = arith.constant 1 : i32
    scf.for %scan3A_49 = %scan3A_36 to %scan3A_38 step %scan3A_39  : i32 {
      %mul3A_50 = arith.constant 16 : i32
      %mul3A_51 = arith.muli %scan3A_49, %mul3A_50 : i32
      %get3A = arith.constant 0 : i32
      %get3A_52 = arith.index_cast %get3A : i32 to index
      %get3A_53 = arith.index_cast %mul3A_51 : i32 to index
      %get3A_54 = tpu.vector_load %arg5[%get3A_52, %get3A_53] {strides = array<i32>} : memref<3x4096xf32, #tpu.memory_space<vmem>>, vector<16xf32>,
      %get3A_55 = arith.constant 1 : i32
      %get3A_56 = arith.index_cast %get3A_55 : i32 to index
      %get3A_57 = arith.index_cast %mul3A_51 : i32 to index
      %get3A_58 = tpu.vector_load %arg5[%get3A_56, %get3A_57] {strides = array<i32>} : memref<3x4096xf32, #tpu.memory_space<vmem>>, vector<16xf32>,
      %get3A_59 = arith.constant 2 : i32
      %get3A_60 = arith.index_cast %get3A_59 : i32 to index
      %get3A_61 = arith.index_cast %mul3A_51 : i32 to index
      %get3A_62 = tpu.vector_load %arg5[%get3A_60, %get3A_61] {strides = array<i32>} : memref<3x4096xf32, #tpu.memory_space<vmem>>, vector<16xf32>,
      %bitcast3A = vector.bitcast %get3A_54 : vector<16xf32> to vector<16xi32>
      %broadcast_in_dim3A_63 = arith.constant 16 : i32
      %broadcast_in_dim3A_64 = vector.broadcast %broadcast_in_dim3A_63 : i32 to vector<16xi32>
      %shift_right_logical3A = arith.shrui %bitcast3A, %broadcast_in_dim3A_64 : vector<16xi32>
      %broadcast_in_dim3A_65 = arith.constant 1 : i32
      %broadcast_in_dim3A_66 = vector.broadcast %broadcast_in_dim3A_65 : i32 to vector<16xi32>
      %and3A_67 = arith.andi %shift_right_logical3A, %broadcast_in_dim3A_66 : vector<16xi32>
      %broadcast_in_dim3A_68 = arith.constant 32767 : i32
      %broadcast_in_dim3A_69 = vector.broadcast %broadcast_in_dim3A_68 : i32 to vector<16xi32>
      %add3A_70 = arith.addi %bitcast3A, %broadcast_in_dim3A_69 : vector<16xi32>
      %add3A_71 = arith.addi %add3A_70, %and3A_67 : vector<16xi32>
      %broadcast_in_dim3A_72 = arith.constant -65536 : i32
      %broadcast_in_dim3A_73 = vector.broadcast %broadcast_in_dim3A_72 : i32 to vector<16xi32>
      %and3A_74 = arith.andi %add3A_71, %broadcast_in_dim3A_73 : vector<16xi32>
      %bitcast3A_75 = vector.bitcast %and3A_74 : vector<16xi32> to vector<16xf32>
      %swap3A = arith.index_cast %mul3A_51 : i32 to index
      %swap3A_76 = tpu.vector_load %arg8[%swap3A] {strides = array<i32>} : memref<4096xf32, #tpu.memory_space<vmem>>, vector<16xf32>,
      tpu.vector_store %arg8[%swap3A], %bitcast3A_75 {strides = array<i32>} : memref<4096xf32, #tpu.memory_space<vmem>>, vector<16xf32>,
      %bitcast3A_77 = vector.bitcast %get3A_58 : vector<16xf32> to vector<16xi32>
      %broadcast_in_dim3A_78 = arith.constant 16 : i32
      %broadcast_in_dim3A_79 = vector.broadcast %broadcast_in_dim3A_78 : i32 to vector<16xi32>
      %shift_right_logical3A_80 = arith.shrui %bitcast3A_77, %broadcast_in_dim3A_79 : vector<16xi32>
      %broadcast_in_dim3A_81 = arith.constant 1 : i32
      %broadcast_in_dim3A_82 = vector.broadcast %broadcast_in_dim3A_81 : i32 to vector<16xi32>
      %and3A_83 = arith.andi %shift_right_logical3A_80, %broadcast_in_dim3A_82 : vector<16xi32>
      %broadcast_in_dim3A_84 = arith.constant 32767 : i32
      %broadcast_in_dim3A_85 = vector.broadcast %broadcast_in_dim3A_84 : i32 to vector<16xi32>
      %add3A_86 = arith.addi %bitcast3A_77, %broadcast_in_dim3A_85 : vector<16xi32>
      %add3A_87 = arith.addi %add3A_86, %and3A_83 : vector<16xi32>
      %broadcast_in_dim3A_88 = arith.constant -65536 : i32
      %broadcast_in_dim3A_89 = vector.broadcast %broadcast_in_dim3A_88 : i32 to vector<16xi32>
      %and3A_90 = arith.andi %add3A_87, %broadcast_in_dim3A_89 : vector<16xi32>
      %bitcast3A_91 = vector.bitcast %and3A_90 : vector<16xi32> to vector<16xf32>
      %swap3A_92 = arith.index_cast %mul3A_51 : i32 to index
      %swap3A_93 = tpu.vector_load %arg9[%swap3A_92] {strides = array<i32>} : memref<4096xf32, #tpu.memory_space<vmem>>, vector<16xf32>,
      tpu.vector_store %arg9[%swap3A_92], %bitcast3A_91 {strides = array<i32>} : memref<4096xf32, #tpu.memory_space<vmem>>, vector<16xf32>,
      %bitcast3A_94 = vector.bitcast %get3A_62 : vector<16xf32> to vector<16xi32>
      %broadcast_in_dim3A_95 = arith.constant 16 : i32
      %broadcast_in_dim3A_96 = vector.broadcast %broadcast_in_dim3A_95 : i32 to vector<16xi32>
      %shift_right_logical3A_97 = arith.shrui %bitcast3A_94, %broadcast_in_dim3A_96 : vector<16xi32>
      %broadcast_in_dim3A_98 = arith.constant 1 : i32
      %broadcast_in_dim3A_99 = vector.broadcast %broadcast_in_dim3A_98 : i32 to vector<16xi32>
      %and3A_100 = arith.andi %shift_right_logical3A_97, %broadcast_in_dim3A_99 : vector<16xi32>
      %broadcast_in_dim3A_101 = arith.constant 32767 : i32
      %broadcast_in_dim3A_102 = vector.broadcast %broadcast_in_dim3A_101 : i32 to vector<16xi32>
      %add3A_103 = arith.addi %bitcast3A_94, %broadcast_in_dim3A_102 : vector<16xi32>
      %add3A_104 = arith.addi %add3A_103, %and3A_100 : vector<16xi32>
      %broadcast_in_dim3A_105 = arith.constant -65536 : i32
      %broadcast_in_dim3A_106 = vector.broadcast %broadcast_in_dim3A_105 : i32 to vector<16xi32>
      %and3A_107 = arith.andi %add3A_104, %broadcast_in_dim3A_106 : vector<16xi32>
      %bitcast3A_108 = vector.bitcast %and3A_107 : vector<16xi32> to vector<16xf32>
      %swap3A_109 = arith.index_cast %mul3A_51 : i32 to index
      %swap3A_110 = tpu.vector_load %arg10[%swap3A_109] {strides = array<i32>} : memref<4096xf32, #tpu.memory_space<vmem>>, vector<16xf32>,
      tpu.vector_store %arg10[%swap3A_109], %bitcast3A_108 {strides = array<i32>} : memref<4096xf32, #tpu.memory_space<vmem>>, vector<16xf32>,
      %mul3A_111 = arith.mulf %get3A_54, %get3A_54 : vector<16xf32>
      %mul3A_112 = arith.mulf %get3A_58, %get3A_58 : vector<16xf32>
      %add3A_113 = arith.addf %mul3A_111, %mul3A_112 : vector<16xf32>
      %mul3A_114 = arith.mulf %get3A_62, %get3A_62 : vector<16xf32>
      %add3A_115 = arith.addf %add3A_113, %mul3A_114 : vector<16xf32>
      %swap3A_116 = arith.index_cast %mul3A_51 : i32 to index
      %swap3A_117 = tpu.vector_load %arg11[%swap3A_116] {strides = array<i32>} : memref<4096xf32, #tpu.memory_space<vmem>>, vector<16xf32>,
      tpu.vector_store %arg11[%swap3A_116], %add3A_115 {strides = array<i32>} : memref<4096xf32, #tpu.memory_space<vmem>>, vector<16xf32>,
    }
    %scan3A_40 = arith.constant 256 : i32
    %scan3A_41 = arith.constant 0 : i32
    %scan3A_42 = arith.constant 0 : i32
    %scan3A_43 = arith.constant 64 : i32
    %scan3A_44 = arith.addi %scan3A_42, %scan3A_43 : i32
    %scan3A_45 = arith.constant 1 : i32
    scf.for %scan3A_49 = %scan3A_42 to %scan3A_44 step %scan3A_45  : i32 {
      %mul3A_50 = arith.constant 8 : i32
      %mul3A_51 = arith.muli %mul3A_50, %scan3A_49 : i32
      %add3A_52 = arith.constant 0 : i32
      %add3A_53 = arith.addi %mul3A_51, %add3A_52 : i32
      %add3A_54 = arith.addi %select_n3A_32, %add3A_53 : i32
      %broadcast_in_dim3A_55 = vector.broadcast %add3A_54 : i32 to vector<16xi32>
      %gather3A = tpu.vector_load_idx %arg6[%broadcast_in_dim3A_55] : memref<3072xf32, #tpu.memory_space<vmem>>[vector<16xi32>], vector<16xf32>,
      %broadcast_in_dim3A_56 = arith.constant 1024 : i32
      %broadcast_in_dim3A_57 = vector.broadcast %broadcast_in_dim3A_56 : i32 to vector<16xi32>
      %add3A_58 = arith.addi %broadcast_in_dim3A_55, %broadcast_in_dim3A_57 : vector<16xi32>
      %gather3A_59 = tpu.vector_load_idx %arg6[%add3A_58] : memref<3072xf32, #tpu.memory_space<vmem>>[vector<16xi32>], vector<16xf32>,
      %broadcast_in_dim3A_60 = arith.constant 2048 : i32
      %broadcast_in_dim3A_61 = vector.broadcast %broadcast_in_dim3A_60 : i32 to vector<16xi32>
      %add3A_62 = arith.addi %broadcast_in_dim3A_55, %broadcast_in_dim3A_61 : vector<16xi32>
      %gather3A_63 = tpu.vector_load_idx %arg6[%add3A_62] : memref<3072xf32, #tpu.memory_space<vmem>>[vector<16xi32>], vector<16xf32>,
      %mul3A_64 = arith.mulf %gather3A, %gather3A : vector<16xf32>
      %mul3A_65 = arith.mulf %gather3A_59, %gather3A_59 : vector<16xf32>
      %add3A_66 = arith.addf %mul3A_64, %mul3A_65 : vector<16xf32>
      %mul3A_67 = arith.mulf %gather3A_63, %gather3A_63 : vector<16xf32>
      %add3A_68 = arith.addf %add3A_66, %mul3A_67 : vector<16xf32>
      %mul3A_69 = arith.constant 32 : i32
      %mul3A_70 = arith.muli %add3A_53, %mul3A_69 : i32
      %swap3A = arith.index_cast %mul3A_70 : i32 to index
      %swap3A_71 = tpu.vector_load %arg7[%swap3A] {strides = array<i32>} : memref<16384xi32, #tpu.memory_space<vmem>>, vector<16xi32>,
      tpu.vector_store %arg7[%swap3A], %broadcast_in_dim3A_33 {strides = array<i32>} : memref<16384xi32, #tpu.memory_space<vmem>>, vector<16xi32>,
      %add3A_72 = arith.constant 16 : i32
      %add3A_73 = arith.addi %mul3A_70, %add3A_72 : i32
      %swap3A_74 = arith.index_cast %add3A_73 : i32 to index
      %swap3A_75 = tpu.vector_load %arg7[%swap3A_74] {strides = array<i32>} : memref<16384xi32, #tpu.memory_space<vmem>>, vector<16xi32>,
      tpu.vector_store %arg7[%swap3A_74], %broadcast_in_dim3A_33 {strides = array<i32>} : memref<16384xi32, #tpu.memory_space<vmem>>, vector<16xi32>,
      %broadcast_in_dim3A_76 = arith.constant -1 : i32
      %broadcast_in_dim3A_77 = vector.broadcast %broadcast_in_dim3A_76 : i32 to vector<16xi32>
      %add3A_78 = vector.broadcast %mul3A_70 : i32 to vector<16xi32>
      %add3A_79 = arith.addi %broadcast_in_dim3A_77, %add3A_78 : vector<16xi32>
      %bitcast3A = vector.bitcast %gather3A : vector<16xf32> to vector<16xi32>
      %broadcast_in_dim3A_80 = arith.constant 16 : i32
      %broadcast_in_dim3A_81 = vector.broadcast %broadcast_in_dim3A_80 : i32 to vector<16xi32>
      %shift_right_logical3A = arith.shrui %bitcast3A, %broadcast_in_dim3A_81 : vector<16xi32>
      %broadcast_in_dim3A_82 = arith.constant 1 : i32
      %broadcast_in_dim3A_83 = vector.broadcast %broadcast_in_dim3A_82 : i32 to vector<16xi32>
      %and3A_84 = arith.andi %shift_right_logical3A, %broadcast_in_dim3A_83 : vector<16xi32>
      %broadcast_in_dim3A_85 = arith.constant 32767 : i32
      %broadcast_in_dim3A_86 = vector.broadcast %broadcast_in_dim3A_85 : i32 to vector<16xi32>
      %add3A_87 = arith.addi %bitcast3A, %broadcast_in_dim3A_86 : vector<16xi32>
      %add3A_88 = arith.addi %add3A_87, %and3A_84 : vector<16xi32>
      %broadcast_in_dim3A_89 = arith.constant -65536 : i32
      %broadcast_in_dim3A_90 = vector.broadcast %broadcast_in_dim3A_89 : i32 to vector<16xi32>
      %and3A_91 = arith.andi %add3A_88, %broadcast_in_dim3A_90 : vector<16xi32>
      %bitcast3A_92 = vector.bitcast %and3A_91 : vector<16xi32> to vector<16xf32>
      %bitcast3A_93 = vector.bitcast %gather3A_59 : vector<16xf32> to vector<16xi32>
      %broadcast_in_dim3A_94 = arith.constant 16 : i32
      %broadcast_in_dim3A_95 = vector.broadcast %broadcast_in_dim3A_94 : i32 to vector<16xi32>
      %shift_right_logical3A_96 = arith.shrui %bitcast3A_93, %broadcast_in_dim3A_95 : vector<16xi32>
      %broadcast_in_dim3A_97 = arith.constant 1 : i32
      %broadcast_in_dim3A_98 = vector.broadcast %broadcast_in_dim3A_97 : i32 to vector<16xi32>
      %and3A_99 = arith.andi %shift_right_logical3A_96, %broadcast_in_dim3A_98 : vector<16xi32>
      %broadcast_in_dim3A_100 = arith.constant 32767 : i32
      %broadcast_in_dim3A_101 = vector.broadcast %broadcast_in_dim3A_100 : i32 to vector<16xi32>
      %add3A_102 = arith.addi %bitcast3A_93, %broadcast_in_dim3A_101 : vector<16xi32>
      %add3A_103 = arith.addi %add3A_102, %and3A_99 : vector<16xi32>
      %broadcast_in_dim3A_104 = arith.constant -65536 : i32
      %broadcast_in_dim3A_105 = vector.broadcast %broadcast_in_dim3A_104 : i32 to vector<16xi32>
      %and3A_106 = arith.andi %add3A_103, %broadcast_in_dim3A_105 : vector<16xi32>
      %bitcast3A_107 = vector.bitcast %and3A_106 : vector<16xi32> to vector<16xf32>
      %bitcast3A_108 = vector.bitcast %gather3A_63 : vector<16xf32> to vector<16xi32>
      %broadcast_in_dim3A_109 = arith.constant 16 : i32
      %broadcast_in_dim3A_110 = vector.broadcast %broadcast_in_dim3A_109 : i32 to vector<16xi32>
      %shift_right_logical3A_111 = arith.shrui %bitcast3A_108, %broadcast_in_dim3A_110 : vector<16xi32>
      %broadcast_in_dim3A_112 = arith.constant 1 : i32
      %broadcast_in_dim3A_113 = vector.broadcast %broadcast_in_dim3A_112 : i32 to vector<16xi32>
      %and3A_114 = arith.andi %shift_right_logical3A_111, %broadcast_in_dim3A_113 : vector<16xi32>
      %broadcast_in_dim3A_115 = arith.constant 32767 : i32
      %broadcast_in_dim3A_116 = vector.broadcast %broadcast_in_dim3A_115 : i32 to vector<16xi32>
      %add3A_117 = arith.addi %bitcast3A_108, %broadcast_in_dim3A_116 : vector<16xi32>
      %add3A_118 = arith.addi %add3A_117, %and3A_114 : vector<16xi32>
      %broadcast_in_dim3A_119 = arith.constant -65536 : i32
      %broadcast_in_dim3A_120 = vector.broadcast %broadcast_in_dim3A_119 : i32 to vector<16xi32>
      %and3A_121 = arith.andi %add3A_118, %broadcast_in_dim3A_120 : vector<16xi32>
      %bitcast3A_122 = vector.bitcast %and3A_121 : vector<16xi32> to vector<16xf32>
      %mul3A_123 = arith.constant 8 : i32
      %mul3A_124 = arith.muli %mul3A_123, %scan3A_49 : i32
      %add3A_125 = arith.constant 1 : i32
      %add3A_126 = arith.addi %mul3A_124, %add3A_125 : i32
      %add3A_127 = arith.addi %select_n3A_32, %add3A_126 : i32
      %broadcast_in_dim3A_128 = vector.broadcast %add3A_127 : i32 to vector<16xi32>
      %gather3A_129 = tpu.vector_load_idx %arg6[%broadcast_in_dim3A_128] : memref<3072xf32, #tpu.memory_space<vmem>>[vector<16xi32>], vector<16xf32>,
      %broadcast_in_dim3A_130 = arith.constant 1024 : i32
      %broadcast_in_dim3A_131 = vector.broadcast %broadcast_in_dim3A_130 : i32 to vector<16xi32>
      %add3A_132 = arith.addi %broadcast_in_dim3A_128, %broadcast_in_dim3A_131 : vector<16xi32>
      %gather3A_133 = tpu.vector_load_idx %arg6[%add3A_132] : memref<3072xf32, #tpu.memory_space<vmem>>[vector<16xi32>], vector<16xf32>,
      %broadcast_in_dim3A_134 = arith.constant 2048 : i32
      %broadcast_in_dim3A_135 = vector.broadcast %broadcast_in_dim3A_134 : i32 to vector<16xi32>
      %add3A_136 = arith.addi %broadcast_in_dim3A_128, %broadcast_in_dim3A_135 : vector<16xi32>
      %gather3A_137 = tpu.vector_load_idx %arg6[%add3A_136] : memref<3072xf32, #tpu.memory_space<vmem>>[vector<16xi32>], vector<16xf32>,
      %mul3A_138 = arith.mulf %gather3A_129, %gather3A_129 : vector<16xf32>
      %mul3A_139 = arith.mulf %gather3A_133, %gather3A_133 : vector<16xf32>
      %add3A_140 = arith.addf %mul3A_138, %mul3A_139 : vector<16xf32>
      %mul3A_141 = arith.mulf %gather3A_137, %gather3A_137 : vector<16xf32>
      %add3A_142 = arith.addf %add3A_140, %mul3A_141 : vector<16xf32>
      %mul3A_143 = arith.constant 32 : i32
      %mul3A_144 = arith.muli %add3A_126, %mul3A_143 : i32
      %swap3A_145 = arith.index_cast %mul3A_144 : i32 to index
      %swap3A_146 = tpu.vector_load %arg7[%swap3A_145] {strides = array<i32>} : memref<16384xi32, #tpu.memory_space<vmem>>, vector<16xi32>,
      tpu.vector_store %arg7[%swap3A_145], %broadcast_in_dim3A_33 {strides = array<i32>} : memref<16384xi32, #tpu.memory_space<vmem>>, vector<16xi32>,
      %add3A_147 = arith.constant 16 : i32
      %add3A_148 = arith.addi %mul3A_144, %add3A_147 : i32
      %swap3A_149 = arith.index_cast %add3A_148 : i32 to index
      %swap3A_150 = tpu.vector_load %arg7[%swap3A_149] {strides = array<i32>} : memref<16384xi32, #tpu.memory_space<vmem>>, vector<16xi32>,
      tpu.vector_store %arg7[%swap3A_149], %broadcast_in_dim3A_33 {strides = array<i32>} : memref<16384xi32, #tpu.memory_space<vmem>>, vector<16xi32>,
      %broadcast_in_dim3A_151 = arith.constant -1 : i32
      %broadcast_in_dim3A_152 = vector.broadcast %broadcast_in_dim3A_151 : i32 to vector<16xi32>
      %add3A_153 = vector.broadcast %mul3A_144 : i32 to vector<16xi32>
      %add3A_154 = arith.addi %broadcast_in_dim3A_152, %add3A_153 : vector<16xi32>
      %bitcast3A_155 = vector.bitcast %gather3A_129 : vector<16xf32> to vector<16xi32>
      %broadcast_in_dim3A_156 = arith.constant 16 : i32
      %broadcast_in_dim3A_157 = vector.broadcast %broadcast_in_dim3A_156 : i32 to vector<16xi32>
      %shift_right_logical3A_158 = arith.shrui %bitcast3A_155, %broadcast_in_dim3A_157 : vector<16xi32>
      %broadcast_in_dim3A_159 = arith.constant 1 : i32
      %broadcast_in_dim3A_160 = vector.broadcast %broadcast_in_dim3A_159 : i32 to vector<16xi32>
      %and3A_161 = arith.andi %shift_right_logical3A_158, %broadcast_in_dim3A_160 : vector<16xi32>
      %broadcast_in_dim3A_162 = arith.constant 32767 : i32
      %broadcast_in_dim3A_163 = vector.broadcast %broadcast_in_dim3A_162 : i32 to vector<16xi32>
      %add3A_164 = arith.addi %bitcast3A_155, %broadcast_in_dim3A_163 : vector<16xi32>
      %add3A_165 = arith.addi %add3A_164, %and3A_161 : vector<16xi32>
      %broadcast_in_dim3A_166 = arith.constant -65536 : i32
      %broadcast_in_dim3A_167 = vector.broadcast %broadcast_in_dim3A_166 : i32 to vector<16xi32>
      %and3A_168 = arith.andi %add3A_165, %broadcast_in_dim3A_167 : vector<16xi32>
      %bitcast3A_169 = vector.bitcast %and3A_168 : vector<16xi32> to vector<16xf32>
      %bitcast3A_170 = vector.bitcast %gather3A_133 : vector<16xf32> to vector<16xi32>
      %broadcast_in_dim3A_171 = arith.constant 16 : i32
      %broadcast_in_dim3A_172 = vector.broadcast %broadcast_in_dim3A_171 : i32 to vector<16xi32>
      %shift_right_logical3A_173 = arith.shrui %bitcast3A_170, %broadcast_in_dim3A_172 : vector<16xi32>
      %broadcast_in_dim3A_174 = arith.constant 1 : i32
      %broadcast_in_dim3A_175 = vector.broadcast %broadcast_in_dim3A_174 : i32 to vector<16xi32>
      %and3A_176 = arith.andi %shift_right_logical3A_173, %broadcast_in_dim3A_175 : vector<16xi32>
      %broadcast_in_dim3A_177 = arith.constant 32767 : i32
      %broadcast_in_dim3A_178 = vector.broadcast %broadcast_in_dim3A_177 : i32 to vector<16xi32>
      %add3A_179 = arith.addi %bitcast3A_170, %broadcast_in_dim3A_178 : vector<16xi32>
      %add3A_180 = arith.addi %add3A_179, %and3A_176 : vector<16xi32>
      %broadcast_in_dim3A_181 = arith.constant -65536 : i32
      %broadcast_in_dim3A_182 = vector.broadcast %broadcast_in_dim3A_181 : i32 to vector<16xi32>
      %and3A_183 = arith.andi %add3A_180, %broadcast_in_dim3A_182 : vector<16xi32>
      %bitcast3A_184 = vector.bitcast %and3A_183 : vector<16xi32> to vector<16xf32>
      %bitcast3A_185 = vector.bitcast %gather3A_137 : vector<16xf32> to vector<16xi32>
      %broadcast_in_dim3A_186 = arith.constant 16 : i32
      %broadcast_in_dim3A_187 = vector.broadcast %broadcast_in_dim3A_186 : i32 to vector<16xi32>
      %shift_right_logical3A_188 = arith.shrui %bitcast3A_185, %broadcast_in_dim3A_187 : vector<16xi32>
      %broadcast_in_dim3A_189 = arith.constant 1 : i32
      %broadcast_in_dim3A_190 = vector.broadcast %broadcast_in_dim3A_189 : i32 to vector<16xi32>
      %and3A_191 = arith.andi %shift_right_logical3A_188, %broadcast_in_dim3A_190 : vector<16xi32>
      %broadcast_in_dim3A_192 = arith.constant 32767 : i32
      %broadcast_in_dim3A_193 = vector.broadcast %broadcast_in_dim3A_192 : i32 to vector<16xi32>
      %add3A_194 = arith.addi %bitcast3A_185, %broadcast_in_dim3A_193 : vector<16xi32>
      %add3A_195 = arith.addi %add3A_194, %and3A_191 : vector<16xi32>
      %broadcast_in_dim3A_196 = arith.constant -65536 : i32
      %broadcast_in_dim3A_197 = vector.broadcast %broadcast_in_dim3A_196 : i32 to vector<16xi32>
      %and3A_198 = arith.andi %add3A_195, %broadcast_in_dim3A_197 : vector<16xi32>
      %bitcast3A_199 = vector.bitcast %and3A_198 : vector<16xi32> to vector<16xf32>
      %mul3A_200 = arith.constant 8 : i32
      %mul3A_201 = arith.muli %mul3A_200, %scan3A_49 : i32
      %add3A_202 = arith.constant 2 : i32
      %add3A_203 = arith.addi %mul3A_201, %add3A_202 : i32
      %add3A_204 = arith.addi %select_n3A_32, %add3A_203 : i32
      %broadcast_in_dim3A_205 = vector.broadcast %add3A_204 : i32 to vector<16xi32>
      %gather3A_206 = tpu.vector_load_idx %arg6[%broadcast_in_dim3A_205] : memref<3072xf32, #tpu.memory_space<vmem>>[vector<16xi32>], vector<16xf32>,
      %broadcast_in_dim3A_207 = arith.constant 1024 : i32
      %broadcast_in_dim3A_208 = vector.broadcast %broadcast_in_dim3A_207 : i32 to vector<16xi32>
      %add3A_209 = arith.addi %broadcast_in_dim3A_205, %broadcast_in_dim3A_208 : vector<16xi32>
      %gather3A_210 = tpu.vector_load_idx %arg6[%add3A_209] : memref<3072xf32, #tpu.memory_space<vmem>>[vector<16xi32>], vector<16xf32>,
      %broadcast_in_dim3A_211 = arith.constant 2048 : i32
      %broadcast_in_dim3A_212 = vector.broadcast %broadcast_in_dim3A_211 : i32 to vector<16xi32>
      %add3A_213 = arith.addi %broadcast_in_dim3A_205, %broadcast_in_dim3A_212 : vector<16xi32>
      %gather3A_214 = tpu.vector_load_idx %arg6[%add3A_213] : memref<3072xf32, #tpu.memory_space<vmem>>[vector<16xi32>], vector<16xf32>,
      %mul3A_215 = arith.mulf %gather3A_206, %gather3A_206 : vector<16xf32>
      %mul3A_216 = arith.mulf %gather3A_210, %gather3A_210 : vector<16xf32>
      %add3A_217 = arith.addf %mul3A_215, %mul3A_216 : vector<16xf32>
      %mul3A_218 = arith.mulf %gather3A_214, %gather3A_214 : vector<16xf32>
      %add3A_219 = arith.addf %add3A_217, %mul3A_218 : vector<16xf32>
      %mul3A_220 = arith.constant 32 : i32
      %mul3A_221 = arith.muli %add3A_203, %mul3A_220 : i32
      %swap3A_222 = arith.index_cast %mul3A_221 : i32 to index
      %swap3A_223 = tpu.vector_load %arg7[%swap3A_222] {strides = array<i32>} : memref<16384xi32, #tpu.memory_space<vmem>>, vector<16xi32>,
      tpu.vector_store %arg7[%swap3A_222], %broadcast_in_dim3A_33 {strides = array<i32>} : memref<16384xi32, #tpu.memory_space<vmem>>, vector<16xi32>,
      %add3A_224 = arith.constant 16 : i32
      %add3A_225 = arith.addi %mul3A_221, %add3A_224 : i32
      %swap3A_226 = arith.index_cast %add3A_225 : i32 to index
      %swap3A_227 = tpu.vector_load %arg7[%swap3A_226] {strides = array<i32>} : memref<16384xi32, #tpu.memory_space<vmem>>, vector<16xi32>,
      tpu.vector_store %arg7[%swap3A_226], %broadcast_in_dim3A_33 {strides = array<i32>} : memref<16384xi32, #tpu.memory_space<vmem>>, vector<16xi32>,
      %broadcast_in_dim3A_228 = arith.constant -1 : i32
      %broadcast_in_dim3A_229 = vector.broadcast %broadcast_in_dim3A_228 : i32 to vector<16xi32>
      %add3A_230 = vector.broadcast %mul3A_221 : i32 to vector<16xi32>
      %add3A_231 = arith.addi %broadcast_in_dim3A_229, %add3A_230 : vector<16xi32>
      %bitcast3A_232 = vector.bitcast %gather3A_206 : vector<16xf32> to vector<16xi32>
      %broadcast_in_dim3A_233 = arith.constant 16 : i32
      %broadcast_in_dim3A_234 = vector.broadcast %broadcast_in_dim3A_233 : i32 to vector<16xi32>
      %shift_right_logical3A_235 = arith.shrui %bitcast3A_232, %broadcast_in_dim3A_234 : vector<16xi32>
      %broadcast_in_dim3A_236 = arith.constant 1 : i32
      %broadcast_in_dim3A_237 = vector.broadcast %broadcast_in_dim3A_236 : i32 to vector<16xi32>
      %and3A_238 = arith.andi %shift_right_logical3A_235, %broadcast_in_dim3A_237 : vector<16xi32>
      %broadcast_in_dim3A_239 = arith.constant 32767 : i32
      %broadcast_in_dim3A_240 = vector.broadcast %broadcast_in_dim3A_239 : i32 to vector<16xi32>
      %add3A_241 = arith.addi %bitcast3A_232, %broadcast_in_dim3A_240 : vector<16xi32>
      %add3A_242 = arith.addi %add3A_241, %and3A_238 : vector<16xi32>
      %broadcast_in_dim3A_243 = arith.constant -65536 : i32
      %broadcast_in_dim3A_244 = vector.broadcast %broadcast_in_dim3A_243 : i32 to vector<16xi32>
      %and3A_245 = arith.andi %add3A_242, %broadcast_in_dim3A_244 : vector<16xi32>
      %bitcast3A_246 = vector.bitcast %and3A_245 : vector<16xi32> to vector<16xf32>
      %bitcast3A_247 = vector.bitcast %gather3A_210 : vector<16xf32> to vector<16xi32>
      %broadcast_in_dim3A_248 = arith.constant 16 : i32
      %broadcast_in_dim3A_249 = vector.broadcast %broadcast_in_dim3A_248 : i32 to vector<16xi32>
      %shift_right_logical3A_250 = arith.shrui %bitcast3A_247, %broadcast_in_dim3A_249 : vector<16xi32>
      %broadcast_in_dim3A_251 = arith.constant 1 : i32
      %broadcast_in_dim3A_252 = vector.broadcast %broadcast_in_dim3A_251 : i32 to vector<16xi32>
      %and3A_253 = arith.andi %shift_right_logical3A_250, %broadcast_in_dim3A_252 : vector<16xi32>
      %broadcast_in_dim3A_254 = arith.constant 32767 : i32
      %broadcast_in_dim3A_255 = vector.broadcast %broadcast_in_dim3A_254 : i32 to vector<16xi32>
      %add3A_256 = arith.addi %bitcast3A_247, %broadcast_in_dim3A_255 : vector<16xi32>
      %add3A_257 = arith.addi %add3A_256, %and3A_253 : vector<16xi32>
      %broadcast_in_dim3A_258 = arith.constant -65536 : i32
      %broadcast_in_dim3A_259 = vector.broadcast %broadcast_in_dim3A_258 : i32 to vector<16xi32>
      %and3A_260 = arith.andi %add3A_257, %broadcast_in_dim3A_259 : vector<16xi32>
      %bitcast3A_261 = vector.bitcast %and3A_260 : vector<16xi32> to vector<16xf32>
      %bitcast3A_262 = vector.bitcast %gather3A_214 : vector<16xf32> to vector<16xi32>
      %broadcast_in_dim3A_263 = arith.constant 16 : i32
      %broadcast_in_dim3A_264 = vector.broadcast %broadcast_in_dim3A_263 : i32 to vector<16xi32>
      %shift_right_logical3A_265 = arith.shrui %bitcast3A_262, %broadcast_in_dim3A_264 : vector<16xi32>
      %broadcast_in_dim3A_266 = arith.constant 1 : i32
      %broadcast_in_dim3A_267 = vector.broadcast %broadcast_in_dim3A_266 : i32 to vector<16xi32>
      %and3A_268 = arith.andi %shift_right_logical3A_265, %broadcast_in_dim3A_267 : vector<16xi32>
      %broadcast_in_dim3A_269 = arith.constant 32767 : i32
      %broadcast_in_dim3A_270 = vector.broadcast %broadcast_in_dim3A_269 : i32 to vector<16xi32>
      %add3A_271 = arith.addi %bitcast3A_262, %broadcast_in_dim3A_270 : vector<16xi32>
      %add3A_272 = arith.addi %add3A_271, %and3A_268 : vector<16xi32>
      %broadcast_in_dim3A_273 = arith.constant -65536 : i32
      %broadcast_in_dim3A_274 = vector.broadcast %broadcast_in_dim3A_273 : i32 to vector<16xi32>
      %and3A_275 = arith.andi %add3A_272, %broadcast_in_dim3A_274 : vector<16xi32>
      %bitcast3A_276 = vector.bitcast %and3A_275 : vector<16xi32> to vector<16xf32>
      %mul3A_277 = arith.constant 8 : i32
      %mul3A_278 = arith.muli %mul3A_277, %scan3A_49 : i32
      %add3A_279 = arith.constant 3 : i32
      %add3A_280 = arith.addi %mul3A_278, %add3A_279 : i32
      %add3A_281 = arith.addi %select_n3A_32, %add3A_280 : i32
      %broadcast_in_dim3A_282 = vector.broadcast %add3A_281 : i32 to vector<16xi32>
      %gather3A_283 = tpu.vector_load_idx %arg6[%broadcast_in_dim3A_282] : memref<3072xf32, #tpu.memory_space<vmem>>[vector<16xi32>], vector<16xf32>,
      %broadcast_in_dim3A_284 = arith.constant 1024 : i32
      %broadcast_in_dim3A_285 = vector.broadcast %broadcast_in_dim3A_284 : i32 to vector<16xi32>
      %add3A_286 = arith.addi %broadcast_in_dim3A_282, %broadcast_in_dim3A_285 : vector<16xi32>
      %gather3A_287 = tpu.vector_load_idx %arg6[%add3A_286] : memref<3072xf32, #tpu.memory_space<vmem>>[vector<16xi32>], vector<16xf32>,
      %broadcast_in_dim3A_288 = arith.constant 2048 : i32
      %broadcast_in_dim3A_289 = vector.broadcast %broadcast_in_dim3A_288 : i32 to vector<16xi32>
      %add3A_290 = arith.addi %broadcast_in_dim3A_282, %broadcast_in_dim3A_289 : vector<16xi32>
      %gather3A_291 = tpu.vector_load_idx %arg6[%add3A_290] : memref<3072xf32, #tpu.memory_space<vmem>>[vector<16xi32>], vector<16xf32>,
      %mul3A_292 = arith.mulf %gather3A_283, %gather3A_283 : vector<16xf32>
      %mul3A_293 = arith.mulf %gather3A_287, %gather3A_287 : vector<16xf32>
      %add3A_294 = arith.addf %mul3A_292, %mul3A_293 : vector<16xf32>
      %mul3A_295 = arith.mulf %gather3A_291, %gather3A_291 : vector<16xf32>
      %add3A_296 = arith.addf %add3A_294, %mul3A_295 : vector<16xf32>
      %mul3A_297 = arith.constant 32 : i32
      %mul3A_298 = arith.muli %add3A_280, %mul3A_297 : i32
      %swap3A_299 = arith.index_cast %mul3A_298 : i32 to index
      %swap3A_300 = tpu.vector_load %arg7[%swap3A_299] {strides = array<i32>} : memref<16384xi32, #tpu.memory_space<vmem>>, vector<16xi32>,
      tpu.vector_store %arg7[%swap3A_299], %broadcast_in_dim3A_33 {strides = array<i32>} : memref<16384xi32, #tpu.memory_space<vmem>>, vector<16xi32>,
      %add3A_301 = arith.constant 16 : i32
      %add3A_302 = arith.addi %mul3A_298, %add3A_301 : i32
      %swap3A_303 = arith.index_cast %add3A_302 : i32 to index
      %swap3A_304 = tpu.vector_load %arg7[%swap3A_303] {strides = array<i32>} : memref<16384xi32, #tpu.memory_space<vmem>>, vector<16xi32>,
      tpu.vector_store %arg7[%swap3A_303], %broadcast_in_dim3A_33 {strides = array<i32>} : memref<16384xi32, #tpu.memory_space<vmem>>, vector<16xi32>,
      %broadcast_in_dim3A_305 = arith.constant -1 : i32
      %broadcast_in_dim3A_306 = vector.broadcast %broadcast_in_dim3A_305 : i32 to vector<16xi32>
      %add3A_307 = vector.broadcast %mul3A_298 : i32 to vector<16xi32>
      %add3A_308 = arith.addi %broadcast_in_dim3A_306, %add3A_307 : vector<16xi32>
      %bitcast3A_309 = vector.bitcast %gather3A_283 : vector<16xf32> to vector<16xi32>
      %broadcast_in_dim3A_310 = arith.constant 16 : i32
      %broadcast_in_dim3A_311 = vector.broadcast %broadcast_in_dim3A_310 : i32 to vector<16xi32>
      %shift_right_logical3A_312 = arith.shrui %bitcast3A_309, %broadcast_in_dim3A_311 : vector<16xi32>
      %broadcast_in_dim3A_313 = arith.constant 1 : i32
      %broadcast_in_dim3A_314 = vector.broadcast %broadcast_in_dim3A_313 : i32 to vector<16xi32>
      %and3A_315 = arith.andi %shift_right_logical3A_312, %broadcast_in_dim3A_314 : vector<16xi32>
      %broadcast_in_dim3A_316 = arith.constant 32767 : i32
      %broadcast_in_dim3A_317 = vector.broadcast %broadcast_in_dim3A_316 : i32 to vector<16xi32>
      %add3A_318 = arith.addi %bitcast3A_309, %broadcast_in_dim3A_317 : vector<16xi32>
      %add3A_319 = arith.addi %add3A_318, %and3A_315 : vector<16xi32>
      %broadcast_in_dim3A_320 = arith.constant -65536 : i32
      %broadcast_in_dim3A_321 = vector.broadcast %broadcast_in_dim3A_320 : i32 to vector<16xi32>
      %and3A_322 = arith.andi %add3A_319, %broadcast_in_dim3A_321 : vector<16xi32>
      %bitcast3A_323 = vector.bitcast %and3A_322 : vector<16xi32> to vector<16xf32>
      %bitcast3A_324 = vector.bitcast %gather3A_287 : vector<16xf32> to vector<16xi32>
      %broadcast_in_dim3A_325 = arith.constant 16 : i32
      %broadcast_in_dim3A_326 = vector.broadcast %broadcast_in_dim3A_325 : i32 to vector<16xi32>
      %shift_right_logical3A_327 = arith.shrui %bitcast3A_324, %broadcast_in_dim3A_326 : vector<16xi32>
      %broadcast_in_dim3A_328 = arith.constant 1 : i32
      %broadcast_in_dim3A_329 = vector.broadcast %broadcast_in_dim3A_328 : i32 to vector<16xi32>
      %and3A_330 = arith.andi %shift_right_logical3A_327, %broadcast_in_dim3A_329 : vector<16xi32>
      %broadcast_in_dim3A_331 = arith.constant 32767 : i32
      %broadcast_in_dim3A_332 = vector.broadcast %broadcast_in_dim3A_331 : i32 to vector<16xi32>
      %add3A_333 = arith.addi %bitcast3A_324, %broadcast_in_dim3A_332 : vector<16xi32>
      %add3A_334 = arith.addi %add3A_333, %and3A_330 : vector<16xi32>
      %broadcast_in_dim3A_335 = arith.constant -65536 : i32
      %broadcast_in_dim3A_336 = vector.broadcast %broadcast_in_dim3A_335 : i32 to vector<16xi32>
      %and3A_337 = arith.andi %add3A_334, %broadcast_in_dim3A_336 : vector<16xi32>
      %bitcast3A_338 = vector.bitcast %and3A_337 : vector<16xi32> to vector<16xf32>
      %bitcast3A_339 = vector.bitcast %gather3A_291 : vector<16xf32> to vector<16xi32>
      %broadcast_in_dim3A_340 = arith.constant 16 : i32
      %broadcast_in_dim3A_341 = vector.broadcast %broadcast_in_dim3A_340 : i32 to vector<16xi32>
      %shift_right_logical3A_342 = arith.shrui %bitcast3A_339, %broadcast_in_dim3A_341 : vector<16xi32>
      %broadcast_in_dim3A_343 = arith.constant 1 : i32
      %broadcast_in_dim3A_344 = vector.broadcast %broadcast_in_dim3A_343 : i32 to vector<16xi32>
      %and3A_345 = arith.andi %shift_right_logical3A_342, %broadcast_in_dim3A_344 : vector<16xi32>
      %broadcast_in_dim3A_346 = arith.constant 32767 : i32
      %broadcast_in_dim3A_347 = vector.broadcast %broadcast_in_dim3A_346 : i32 to vector<16xi32>
      %add3A_348 = arith.addi %bitcast3A_339, %broadcast_in_dim3A_347 : vector<16xi32>
      %add3A_349 = arith.addi %add3A_348, %and3A_345 : vector<16xi32>
      %broadcast_in_dim3A_350 = arith.constant -65536 : i32
      %broadcast_in_dim3A_351 = vector.broadcast %broadcast_in_dim3A_350 : i32 to vector<16xi32>
      %and3A_352 = arith.andi %add3A_349, %broadcast_in_dim3A_351 : vector<16xi32>
      %bitcast3A_353 = vector.bitcast %and3A_352 : vector<16xi32> to vector<16xf32>
      %mul3A_354 = arith.constant 8 : i32
      %mul3A_355 = arith.muli %mul3A_354, %scan3A_49 : i32
      %add3A_356 = arith.constant 4 : i32
      %add3A_357 = arith.addi %mul3A_355, %add3A_356 : i32
      %add3A_358 = arith.addi %select_n3A_32, %add3A_357 : i32
      %broadcast_in_dim3A_359 = vector.broadcast %add3A_358 : i32 to vector<16xi32>
      %gather3A_360 = tpu.vector_load_idx %arg6[%broadcast_in_dim3A_359] : memref<3072xf32, #tpu.memory_space<vmem>>[vector<16xi32>], vector<16xf32>,
      %broadcast_in_dim3A_361 = arith.constant 1024 : i32
      %broadcast_in_dim3A_362 = vector.broadcast %broadcast_in_dim3A_361 : i32 to vector<16xi32>
      %add3A_363 = arith.addi %broadcast_in_dim3A_359, %broadcast_in_dim3A_362 : vector<16xi32>
      %gather3A_364 = tpu.vector_load_idx %arg6[%add3A_363] : memref<3072xf32, #tpu.memory_space<vmem>>[vector<16xi32>], vector<16xf32>,
      %broadcast_in_dim3A_365 = arith.constant 2048 : i32
      %broadcast_in_dim3A_366 = vector.broadcast %broadcast_in_dim3A_365 : i32 to vector<16xi32>
      %add3A_367 = arith.addi %broadcast_in_dim3A_359, %broadcast_in_dim3A_366 : vector<16xi32>
      %gather3A_368 = tpu.vector_load_idx %arg6[%add3A_367] : memref<3072xf32, #tpu.memory_space<vmem>>[vector<16xi32>], vector<16xf32>,
      %mul3A_369 = arith.mulf %gather3A_360, %gather3A_360 : vector<16xf32>
      %mul3A_370 = arith.mulf %gather3A_364, %gather3A_364 : vector<16xf32>
      %add3A_371 = arith.addf %mul3A_369, %mul3A_370 : vector<16xf32>
      %mul3A_372 = arith.mulf %gather3A_368, %gather3A_368 : vector<16xf32>
      %add3A_373 = arith.addf %add3A_371, %mul3A_372 : vector<16xf32>
      %mul3A_374 = arith.constant 32 : i32
      %mul3A_375 = arith.muli %add3A_357, %mul3A_374 : i32
      %swap3A_376 = arith.index_cast %mul3A_375 : i32 to index
      %swap3A_377 = tpu.vector_load %arg7[%swap3A_376] {strides = array<i32>} : memref<16384xi32, #tpu.memory_space<vmem>>, vector<16xi32>,
      tpu.vector_store %arg7[%swap3A_376], %broadcast_in_dim3A_33 {strides = array<i32>} : memref<16384xi32, #tpu.memory_space<vmem>>, vector<16xi32>,
      %add3A_378 = arith.constant 16 : i32
      %add3A_379 = arith.addi %mul3A_375, %add3A_378 : i32
      %swap3A_380 = arith.index_cast %add3A_379 : i32 to index
      %swap3A_381 = tpu.vector_load %arg7[%swap3A_380] {strides = array<i32>} : memref<16384xi32, #tpu.memory_space<vmem>>, vector<16xi32>,
      tpu.vector_store %arg7[%swap3A_380], %broadcast_in_dim3A_33 {strides = array<i32>} : memref<16384xi32, #tpu.memory_space<vmem>>, vector<16xi32>,
      %broadcast_in_dim3A_382 = arith.constant -1 : i32
      %broadcast_in_dim3A_383 = vector.broadcast %broadcast_in_dim3A_382 : i32 to vector<16xi32>
      %add3A_384 = vector.broadcast %mul3A_375 : i32 to vector<16xi32>
      %add3A_385 = arith.addi %broadcast_in_dim3A_383, %add3A_384 : vector<16xi32>
      %bitcast3A_386 = vector.bitcast %gather3A_360 : vector<16xf32> to vector<16xi32>
      %broadcast_in_dim3A_387 = arith.constant 16 : i32
      %broadcast_in_dim3A_388 = vector.broadcast %broadcast_in_dim3A_387 : i32 to vector<16xi32>
      %shift_right_logical3A_389 = arith.shrui %bitcast3A_386, %broadcast_in_dim3A_388 : vector<16xi32>
      %broadcast_in_dim3A_390 = arith.constant 1 : i32
      %broadcast_in_dim3A_391 = vector.broadcast %broadcast_in_dim3A_390 : i32 to vector<16xi32>
      %and3A_392 = arith.andi %shift_right_logical3A_389, %broadcast_in_dim3A_391 : vector<16xi32>
      %broadcast_in_dim3A_393 = arith.constant 32767 : i32
      %broadcast_in_dim3A_394 = vector.broadcast %broadcast_in_dim3A_393 : i32 to vector<16xi32>
      %add3A_395 = arith.addi %bitcast3A_386, %broadcast_in_dim3A_394 : vector<16xi32>
      %add3A_396 = arith.addi %add3A_395, %and3A_392 : vector<16xi32>
      %broadcast_in_dim3A_397 = arith.constant -65536 : i32
      %broadcast_in_dim3A_398 = vector.broadcast %broadcast_in_dim3A_397 : i32 to vector<16xi32>
      %and3A_399 = arith.andi %add3A_396, %broadcast_in_dim3A_398 : vector<16xi32>
      %bitcast3A_400 = vector.bitcast %and3A_399 : vector<16xi32> to vector<16xf32>
      %bitcast3A_401 = vector.bitcast %gather3A_364 : vector<16xf32> to vector<16xi32>
      %broadcast_in_dim3A_402 = arith.constant 16 : i32
      %broadcast_in_dim3A_403 = vector.broadcast %broadcast_in_dim3A_402 : i32 to vector<16xi32>
      %shift_right_logical3A_404 = arith.shrui %bitcast3A_401, %broadcast_in_dim3A_403 : vector<16xi32>
      %broadcast_in_dim3A_405 = arith.constant 1 : i32
      %broadcast_in_dim3A_406 = vector.broadcast %broadcast_in_dim3A_405 : i32 to vector<16xi32>
      %and3A_407 = arith.andi %shift_right_logical3A_404, %broadcast_in_dim3A_406 : vector<16xi32>
      %broadcast_in_dim3A_408 = arith.constant 32767 : i32
      %broadcast_in_dim3A_409 = vector.broadcast %broadcast_in_dim3A_408 : i32 to vector<16xi32>
      %add3A_410 = arith.addi %bitcast3A_401, %broadcast_in_dim3A_409 : vector<16xi32>
      %add3A_411 = arith.addi %add3A_410, %and3A_407 : vector<16xi32>
      %broadcast_in_dim3A_412 = arith.constant -65536 : i32
      %broadcast_in_dim3A_413 = vector.broadcast %broadcast_in_dim3A_412 : i32 to vector<16xi32>
      %and3A_414 = arith.andi %add3A_411, %broadcast_in_dim3A_413 : vector<16xi32>
      %bitcast3A_415 = vector.bitcast %and3A_414 : vector<16xi32> to vector<16xf32>
      %bitcast3A_416 = vector.bitcast %gather3A_368 : vector<16xf32> to vector<16xi32>
      %broadcast_in_dim3A_417 = arith.constant 16 : i32
      %broadcast_in_dim3A_418 = vector.broadcast %broadcast_in_dim3A_417 : i32 to vector<16xi32>
      %shift_right_logical3A_419 = arith.shrui %bitcast3A_416, %broadcast_in_dim3A_418 : vector<16xi32>
      %broadcast_in_dim3A_420 = arith.constant 1 : i32
      %broadcast_in_dim3A_421 = vector.broadcast %broadcast_in_dim3A_420 : i32 to vector<16xi32>
      %and3A_422 = arith.andi %shift_right_logical3A_419, %broadcast_in_dim3A_421 : vector<16xi32>
      %broadcast_in_dim3A_423 = arith.constant 32767 : i32
      %broadcast_in_dim3A_424 = vector.broadcast %broadcast_in_dim3A_423 : i32 to vector<16xi32>
      %add3A_425 = arith.addi %bitcast3A_416, %broadcast_in_dim3A_424 : vector<16xi32>
      %add3A_426 = arith.addi %add3A_425, %and3A_422 : vector<16xi32>
      %broadcast_in_dim3A_427 = arith.constant -65536 : i32
      %broadcast_in_dim3A_428 = vector.broadcast %broadcast_in_dim3A_427 : i32 to vector<16xi32>
      %and3A_429 = arith.andi %add3A_426, %broadcast_in_dim3A_428 : vector<16xi32>
      %bitcast3A_430 = vector.bitcast %and3A_429 : vector<16xi32> to vector<16xf32>
      %mul3A_431 = arith.constant 8 : i32
      %mul3A_432 = arith.muli %mul3A_431, %scan3A_49 : i32
      %add3A_433 = arith.constant 5 : i32
      %add3A_434 = arith.addi %mul3A_432, %add3A_433 : i32
      %add3A_435 = arith.addi %select_n3A_32, %add3A_434 : i32
      %broadcast_in_dim3A_436 = vector.broadcast %add3A_435 : i32 to vector<16xi32>
      %gather3A_437 = tpu.vector_load_idx %arg6[%broadcast_in_dim3A_436] : memref<3072xf32, #tpu.memory_space<vmem>>[vector<16xi32>], vector<16xf32>,
      %broadcast_in_dim3A_438 = arith.constant 1024 : i32
      %broadcast_in_dim3A_439 = vector.broadcast %broadcast_in_dim3A_438 : i32 to vector<16xi32>
      %add3A_440 = arith.addi %broadcast_in_dim3A_436, %broadcast_in_dim3A_439 : vector<16xi32>
      %gather3A_441 = tpu.vector_load_idx %arg6[%add3A_440] : memref<3072xf32, #tpu.memory_space<vmem>>[vector<16xi32>], vector<16xf32>,
      %broadcast_in_dim3A_442 = arith.constant 2048 : i32
      %broadcast_in_dim3A_443 = vector.broadcast %broadcast_in_dim3A_442 : i32 to vector<16xi32>
      %add3A_444 = arith.addi %broadcast_in_dim3A_436, %broadcast_in_dim3A_443 : vector<16xi32>
      %gather3A_445 = tpu.vector_load_idx %arg6[%add3A_444] : memref<3072xf32, #tpu.memory_space<vmem>>[vector<16xi32>], vector<16xf32>,
      %mul3A_446 = arith.mulf %gather3A_437, %gather3A_437 : vector<16xf32>
      %mul3A_447 = arith.mulf %gather3A_441, %gather3A_441 : vector<16xf32>
      %add3A_448 = arith.addf %mul3A_446, %mul3A_447 : vector<16xf32>
      %mul3A_449 = arith.mulf %gather3A_445, %gather3A_445 : vector<16xf32>
      %add3A_450 = arith.addf %add3A_448, %mul3A_449 : vector<16xf32>
      %mul3A_451 = arith.constant 32 : i32
      %mul3A_452 = arith.muli %add3A_434, %mul3A_451 : i32
      %swap3A_453 = arith.index_cast %mul3A_452 : i32 to index
      %swap3A_454 = tpu.vector_load %arg7[%swap3A_453] {strides = array<i32>} : memref<16384xi32, #tpu.memory_space<vmem>>, vector<16xi32>,
      tpu.vector_store %arg7[%swap3A_453], %broadcast_in_dim3A_33 {strides = array<i32>} : memref<16384xi32, #tpu.memory_space<vmem>>, vector<16xi32>,
      %add3A_455 = arith.constant 16 : i32
      %add3A_456 = arith.addi %mul3A_452, %add3A_455 : i32
      %swap3A_457 = arith.index_cast %add3A_456 : i32 to index
      %swap3A_458 = tpu.vector_load %arg7[%swap3A_457] {strides = array<i32>} : memref<16384xi32, #tpu.memory_space<vmem>>, vector<16xi32>,
      tpu.vector_store %arg7[%swap3A_457], %broadcast_in_dim3A_33 {strides = array<i32>} : memref<16384xi32, #tpu.memory_space<vmem>>, vector<16xi32>,
      %broadcast_in_dim3A_459 = arith.constant -1 : i32
      %broadcast_in_dim3A_460 = vector.broadcast %broadcast_in_dim3A_459 : i32 to vector<16xi32>
      %add3A_461 = vector.broadcast %mul3A_452 : i32 to vector<16xi32>
      %add3A_462 = arith.addi %broadcast_in_dim3A_460, %add3A_461 : vector<16xi32>
      %bitcast3A_463 = vector.bitcast %gather3A_437 : vector<16xf32> to vector<16xi32>
      %broadcast_in_dim3A_464 = arith.constant 16 : i32
      %broadcast_in_dim3A_465 = vector.broadcast %broadcast_in_dim3A_464 : i32 to vector<16xi32>
      %shift_right_logical3A_466 = arith.shrui %bitcast3A_463, %broadcast_in_dim3A_465 : vector<16xi32>
      %broadcast_in_dim3A_467 = arith.constant 1 : i32
      %broadcast_in_dim3A_468 = vector.broadcast %broadcast_in_dim3A_467 : i32 to vector<16xi32>
      %and3A_469 = arith.andi %shift_right_logical3A_466, %broadcast_in_dim3A_468 : vector<16xi32>
      %broadcast_in_dim3A_470 = arith.constant 32767 : i32
      %broadcast_in_dim3A_471 = vector.broadcast %broadcast_in_dim3A_470 : i32 to vector<16xi32>
      %add3A_472 = arith.addi %bitcast3A_463, %broadcast_in_dim3A_471 : vector<16xi32>
      %add3A_473 = arith.addi %add3A_472, %and3A_469 : vector<16xi32>
      %broadcast_in_dim3A_474 = arith.constant -65536 : i32
      %broadcast_in_dim3A_475 = vector.broadcast %broadcast_in_dim3A_474 : i32 to vector<16xi32>
      %and3A_476 = arith.andi %add3A_473, %broadcast_in_dim3A_475 : vector<16xi32>
      %bitcast3A_477 = vector.bitcast %and3A_476 : vector<16xi32> to vector<16xf32>
      %bitcast3A_478 = vector.bitcast %gather3A_441 : vector<16xf32> to vector<16xi32>
      %broadcast_in_dim3A_479 = arith.constant 16 : i32
      %broadcast_in_dim3A_480 = vector.broadcast %broadcast_in_dim3A_479 : i32 to vector<16xi32>
      %shift_right_logical3A_481 = arith.shrui %bitcast3A_478, %broadcast_in_dim3A_480 : vector<16xi32>
      %broadcast_in_dim3A_482 = arith.constant 1 : i32
      %broadcast_in_dim3A_483 = vector.broadcast %broadcast_in_dim3A_482 : i32 to vector<16xi32>
      %and3A_484 = arith.andi %shift_right_logical3A_481, %broadcast_in_dim3A_483 : vector<16xi32>
      %broadcast_in_dim3A_485 = arith.constant 32767 : i32
      %broadcast_in_dim3A_486 = vector.broadcast %broadcast_in_dim3A_485 : i32 to vector<16xi32>
      %add3A_487 = arith.addi %bitcast3A_478, %broadcast_in_dim3A_486 : vector<16xi32>
      %add3A_488 = arith.addi %add3A_487, %and3A_484 : vector<16xi32>
      %broadcast_in_dim3A_489 = arith.constant -65536 : i32
      %broadcast_in_dim3A_490 = vector.broadcast %broadcast_in_dim3A_489 : i32 to vector<16xi32>
      %and3A_491 = arith.andi %add3A_488, %broadcast_in_dim3A_490 : vector<16xi32>
      %bitcast3A_492 = vector.bitcast %and3A_491 : vector<16xi32> to vector<16xf32>
      %bitcast3A_493 = vector.bitcast %gather3A_445 : vector<16xf32> to vector<16xi32>
      %broadcast_in_dim3A_494 = arith.constant 16 : i32
      %broadcast_in_dim3A_495 = vector.broadcast %broadcast_in_dim3A_494 : i32 to vector<16xi32>
      %shift_right_logical3A_496 = arith.shrui %bitcast3A_493, %broadcast_in_dim3A_495 : vector<16xi32>
      %broadcast_in_dim3A_497 = arith.constant 1 : i32
      %broadcast_in_dim3A_498 = vector.broadcast %broadcast_in_dim3A_497 : i32 to vector<16xi32>
      %and3A_499 = arith.andi %shift_right_logical3A_496, %broadcast_in_dim3A_498 : vector<16xi32>
      %broadcast_in_dim3A_500 = arith.constant 32767 : i32
      %broadcast_in_dim3A_501 = vector.broadcast %broadcast_in_dim3A_500 : i32 to vector<16xi32>
      %add3A_502 = arith.addi %bitcast3A_493, %broadcast_in_dim3A_501 : vector<16xi32>
      %add3A_503 = arith.addi %add3A_502, %and3A_499 : vector<16xi32>
      %broadcast_in_dim3A_504 = arith.constant -65536 : i32
      %broadcast_in_dim3A_505 = vector.broadcast %broadcast_in_dim3A_504 : i32 to vector<16xi32>
      %and3A_506 = arith.andi %add3A_503, %broadcast_in_dim3A_505 : vector<16xi32>
      %bitcast3A_507 = vector.bitcast %and3A_506 : vector<16xi32> to vector<16xf32>
      %mul3A_508 = arith.constant 8 : i32
      %mul3A_509 = arith.muli %mul3A_508, %scan3A_49 : i32
      %add3A_510 = arith.constant 6 : i32
      %add3A_511 = arith.addi %mul3A_509, %add3A_510 : i32
      %add3A_512 = arith.addi %select_n3A_32, %add3A_511 : i32
      %broadcast_in_dim3A_513 = vector.broadcast %add3A_512 : i32 to vector<16xi32>
      %gather3A_514 = tpu.vector_load_idx %arg6[%broadcast_in_dim3A_513] : memref<3072xf32, #tpu.memory_space<vmem>>[vector<16xi32>], vector<16xf32>,
      %broadcast_in_dim3A_515 = arith.constant 1024 : i32
      %broadcast_in_dim3A_516 = vector.broadcast %broadcast_in_dim3A_515 : i32 to vector<16xi32>
      %add3A_517 = arith.addi %broadcast_in_dim3A_513, %broadcast_in_dim3A_516 : vector<16xi32>
      %gather3A_518 = tpu.vector_load_idx %arg6[%add3A_517] : memref<3072xf32, #tpu.memory_space<vmem>>[vector<16xi32>], vector<16xf32>,
      %broadcast_in_dim3A_519 = arith.constant 2048 : i32
      %broadcast_in_dim3A_520 = vector.broadcast %broadcast_in_dim3A_519 : i32 to vector<16xi32>
      %add3A_521 = arith.addi %broadcast_in_dim3A_513, %broadcast_in_dim3A_520 : vector<16xi32>
      %gather3A_522 = tpu.vector_load_idx %arg6[%add3A_521] : memref<3072xf32, #tpu.memory_space<vmem>>[vector<16xi32>], vector<16xf32>,
      %mul3A_523 = arith.mulf %gather3A_514, %gather3A_514 : vector<16xf32>
      %mul3A_524 = arith.mulf %gather3A_518, %gather3A_518 : vector<16xf32>
      %add3A_525 = arith.addf %mul3A_523, %mul3A_524 : vector<16xf32>
      %mul3A_526 = arith.mulf %gather3A_522, %gather3A_522 : vector<16xf32>
      %add3A_527 = arith.addf %add3A_525, %mul3A_526 : vector<16xf32>
      %mul3A_528 = arith.constant 32 : i32
      %mul3A_529 = arith.muli %add3A_511, %mul3A_528 : i32
      %swap3A_530 = arith.index_cast %mul3A_529 : i32 to index
      %swap3A_531 = tpu.vector_load %arg7[%swap3A_530] {strides = array<i32>} : memref<16384xi32, #tpu.memory_space<vmem>>, vector<16xi32>,
      tpu.vector_store %arg7[%swap3A_530], %broadcast_in_dim3A_33 {strides = array<i32>} : memref<16384xi32, #tpu.memory_space<vmem>>, vector<16xi32>,
      %add3A_532 = arith.constant 16 : i32
      %add3A_533 = arith.addi %mul3A_529, %add3A_532 : i32
      %swap3A_534 = arith.index_cast %add3A_533 : i32 to index
      %swap3A_535 = tpu.vector_load %arg7[%swap3A_534] {strides = array<i32>} : memref<16384xi32, #tpu.memory_space<vmem>>, vector<16xi32>,
      tpu.vector_store %arg7[%swap3A_534], %broadcast_in_dim3A_33 {strides = array<i32>} : memref<16384xi32, #tpu.memory_space<vmem>>, vector<16xi32>,
      %broadcast_in_dim3A_536 = arith.constant -1 : i32
      %broadcast_in_dim3A_537 = vector.broadcast %broadcast_in_dim3A_536 : i32 to vector<16xi32>
      %add3A_538 = vector.broadcast %mul3A_529 : i32 to vector<16xi32>
      %add3A_539 = arith.addi %broadcast_in_dim3A_537, %add3A_538 : vector<16xi32>
      %bitcast3A_540 = vector.bitcast %gather3A_514 : vector<16xf32> to vector<16xi32>
      %broadcast_in_dim3A_541 = arith.constant 16 : i32
      %broadcast_in_dim3A_542 = vector.broadcast %broadcast_in_dim3A_541 : i32 to vector<16xi32>
      %shift_right_logical3A_543 = arith.shrui %bitcast3A_540, %broadcast_in_dim3A_542 : vector<16xi32>
      %broadcast_in_dim3A_544 = arith.constant 1 : i32
      %broadcast_in_dim3A_545 = vector.broadcast %broadcast_in_dim3A_544 : i32 to vector<16xi32>
      %and3A_546 = arith.andi %shift_right_logical3A_543, %broadcast_in_dim3A_545 : vector<16xi32>
      %broadcast_in_dim3A_547 = arith.constant 32767 : i32
      %broadcast_in_dim3A_548 = vector.broadcast %broadcast_in_dim3A_547 : i32 to vector<16xi32>
      %add3A_549 = arith.addi %bitcast3A_540, %broadcast_in_dim3A_548 : vector<16xi32>
      %add3A_550 = arith.addi %add3A_549, %and3A_546 : vector<16xi32>
      %broadcast_in_dim3A_551 = arith.constant -65536 : i32
      %broadcast_in_dim3A_552 = vector.broadcast %broadcast_in_dim3A_551 : i32 to vector<16xi32>
      %and3A_553 = arith.andi %add3A_550, %broadcast_in_dim3A_552 : vector<16xi32>
      %bitcast3A_554 = vector.bitcast %and3A_553 : vector<16xi32> to vector<16xf32>
      %bitcast3A_555 = vector.bitcast %gather3A_518 : vector<16xf32> to vector<16xi32>
      %broadcast_in_dim3A_556 = arith.constant 16 : i32
      %broadcast_in_dim3A_557 = vector.broadcast %broadcast_in_dim3A_556 : i32 to vector<16xi32>
      %shift_right_logical3A_558 = arith.shrui %bitcast3A_555, %broadcast_in_dim3A_557 : vector<16xi32>
      %broadcast_in_dim3A_559 = arith.constant 1 : i32
      %broadcast_in_dim3A_560 = vector.broadcast %broadcast_in_dim3A_559 : i32 to vector<16xi32>
      %and3A_561 = arith.andi %shift_right_logical3A_558, %broadcast_in_dim3A_560 : vector<16xi32>
      %broadcast_in_dim3A_562 = arith.constant 32767 : i32
      %broadcast_in_dim3A_563 = vector.broadcast %broadcast_in_dim3A_562 : i32 to vector<16xi32>
      %add3A_564 = arith.addi %bitcast3A_555, %broadcast_in_dim3A_563 : vector<16xi32>
      %add3A_565 = arith.addi %add3A_564, %and3A_561 : vector<16xi32>
      %broadcast_in_dim3A_566 = arith.constant -65536 : i32
      %broadcast_in_dim3A_567 = vector.broadcast %broadcast_in_dim3A_566 : i32 to vector<16xi32>
      %and3A_568 = arith.andi %add3A_565, %broadcast_in_dim3A_567 : vector<16xi32>
      %bitcast3A_569 = vector.bitcast %and3A_568 : vector<16xi32> to vector<16xf32>
      %bitcast3A_570 = vector.bitcast %gather3A_522 : vector<16xf32> to vector<16xi32>
      %broadcast_in_dim3A_571 = arith.constant 16 : i32
      %broadcast_in_dim3A_572 = vector.broadcast %broadcast_in_dim3A_571 : i32 to vector<16xi32>
      %shift_right_logical3A_573 = arith.shrui %bitcast3A_570, %broadcast_in_dim3A_572 : vector<16xi32>
      %broadcast_in_dim3A_574 = arith.constant 1 : i32
      %broadcast_in_dim3A_575 = vector.broadcast %broadcast_in_dim3A_574 : i32 to vector<16xi32>
      %and3A_576 = arith.andi %shift_right_logical3A_573, %broadcast_in_dim3A_575 : vector<16xi32>
      %broadcast_in_dim3A_577 = arith.constant 32767 : i32
      %broadcast_in_dim3A_578 = vector.broadcast %broadcast_in_dim3A_577 : i32 to vector<16xi32>
      %add3A_579 = arith.addi %bitcast3A_570, %broadcast_in_dim3A_578 : vector<16xi32>
      %add3A_580 = arith.addi %add3A_579, %and3A_576 : vector<16xi32>
      %broadcast_in_dim3A_581 = arith.constant -65536 : i32
      %broadcast_in_dim3A_582 = vector.broadcast %broadcast_in_dim3A_581 : i32 to vector<16xi32>
      %and3A_583 = arith.andi %add3A_580, %broadcast_in_dim3A_582 : vector<16xi32>
      %bitcast3A_584 = vector.bitcast %and3A_583 : vector<16xi32> to vector<16xf32>
      %mul3A_585 = arith.constant 8 : i32
      %mul3A_586 = arith.muli %mul3A_585, %scan3A_49 : i32
      %add3A_587 = arith.constant 7 : i32
      %add3A_588 = arith.addi %mul3A_586, %add3A_587 : i32
      %add3A_589 = arith.addi %select_n3A_32, %add3A_588 : i32
      %broadcast_in_dim3A_590 = vector.broadcast %add3A_589 : i32 to vector<16xi32>
      %gather3A_591 = tpu.vector_load_idx %arg6[%broadcast_in_dim3A_590] : memref<3072xf32, #tpu.memory_space<vmem>>[vector<16xi32>], vector<16xf32>,
      %broadcast_in_dim3A_592 = arith.constant 1024 : i32
      %broadcast_in_dim3A_593 = vector.broadcast %broadcast_in_dim3A_592 : i32 to vector<16xi32>
      %add3A_594 = arith.addi %broadcast_in_dim3A_590, %broadcast_in_dim3A_593 : vector<16xi32>
      %gather3A_595 = tpu.vector_load_idx %arg6[%add3A_594] : memref<3072xf32, #tpu.memory_space<vmem>>[vector<16xi32>], vector<16xf32>,
      %broadcast_in_dim3A_596 = arith.constant 2048 : i32
      %broadcast_in_dim3A_597 = vector.broadcast %broadcast_in_dim3A_596 : i32 to vector<16xi32>
      %add3A_598 = arith.addi %broadcast_in_dim3A_590, %broadcast_in_dim3A_597 : vector<16xi32>
      %gather3A_599 = tpu.vector_load_idx %arg6[%add3A_598] : memref<3072xf32, #tpu.memory_space<vmem>>[vector<16xi32>], vector<16xf32>,
      %mul3A_600 = arith.mulf %gather3A_591, %gather3A_591 : vector<16xf32>
      %mul3A_601 = arith.mulf %gather3A_595, %gather3A_595 : vector<16xf32>
      %add3A_602 = arith.addf %mul3A_600, %mul3A_601 : vector<16xf32>
      %mul3A_603 = arith.mulf %gather3A_599, %gather3A_599 : vector<16xf32>
      %add3A_604 = arith.addf %add3A_602, %mul3A_603 : vector<16xf32>
      %mul3A_605 = arith.constant 32 : i32
      %mul3A_606 = arith.muli %add3A_588, %mul3A_605 : i32
      %swap3A_607 = arith.index_cast %mul3A_606 : i32 to index
      %swap3A_608 = tpu.vector_load %arg7[%swap3A_607] {strides = array<i32>} : memref<16384xi32, #tpu.memory_space<vmem>>, vector<16xi32>,
      tpu.vector_store %arg7[%swap3A_607], %broadcast_in_dim3A_33 {strides = array<i32>} : memref<16384xi32, #tpu.memory_space<vmem>>, vector<16xi32>,
      %add3A_609 = arith.constant 16 : i32
      %add3A_610 = arith.addi %mul3A_606, %add3A_609 : i32
      %swap3A_611 = arith.index_cast %add3A_610 : i32 to index
      %swap3A_612 = tpu.vector_load %arg7[%swap3A_611] {strides = array<i32>} : memref<16384xi32, #tpu.memory_space<vmem>>, vector<16xi32>,
      tpu.vector_store %arg7[%swap3A_611], %broadcast_in_dim3A_33 {strides = array<i32>} : memref<16384xi32, #tpu.memory_space<vmem>>, vector<16xi32>,
      %broadcast_in_dim3A_613 = arith.constant -1 : i32
      %broadcast_in_dim3A_614 = vector.broadcast %broadcast_in_dim3A_613 : i32 to vector<16xi32>
      %add3A_615 = vector.broadcast %mul3A_606 : i32 to vector<16xi32>
      %add3A_616 = arith.addi %broadcast_in_dim3A_614, %add3A_615 : vector<16xi32>
      %bitcast3A_617 = vector.bitcast %gather3A_591 : vector<16xf32> to vector<16xi32>
      %broadcast_in_dim3A_618 = arith.constant 16 : i32
      %broadcast_in_dim3A_619 = vector.broadcast %broadcast_in_dim3A_618 : i32 to vector<16xi32>
      %shift_right_logical3A_620 = arith.shrui %bitcast3A_617, %broadcast_in_dim3A_619 : vector<16xi32>
      %broadcast_in_dim3A_621 = arith.constant 1 : i32
      %broadcast_in_dim3A_622 = vector.broadcast %broadcast_in_dim3A_621 : i32 to vector<16xi32>
      %and3A_623 = arith.andi %shift_right_logical3A_620, %broadcast_in_dim3A_622 : vector<16xi32>
      %broadcast_in_dim3A_624 = arith.constant 32767 : i32
      %broadcast_in_dim3A_625 = vector.broadcast %broadcast_in_dim3A_624 : i32 to vector<16xi32>
      %add3A_626 = arith.addi %bitcast3A_617, %broadcast_in_dim3A_625 : vector<16xi32>
      %add3A_627 = arith.addi %add3A_626, %and3A_623 : vector<16xi32>
      %broadcast_in_dim3A_628 = arith.constant -65536 : i32
      %broadcast_in_dim3A_629 = vector.broadcast %broadcast_in_dim3A_628 : i32 to vector<16xi32>
      %and3A_630 = arith.andi %add3A_627, %broadcast_in_dim3A_629 : vector<16xi32>
      %bitcast3A_631 = vector.bitcast %and3A_630 : vector<16xi32> to vector<16xf32>
      %bitcast3A_632 = vector.bitcast %gather3A_595 : vector<16xf32> to vector<16xi32>
      %broadcast_in_dim3A_633 = arith.constant 16 : i32
      %broadcast_in_dim3A_634 = vector.broadcast %broadcast_in_dim3A_633 : i32 to vector<16xi32>
      %shift_right_logical3A_635 = arith.shrui %bitcast3A_632, %broadcast_in_dim3A_634 : vector<16xi32>
      %broadcast_in_dim3A_636 = arith.constant 1 : i32
      %broadcast_in_dim3A_637 = vector.broadcast %broadcast_in_dim3A_636 : i32 to vector<16xi32>
      %and3A_638 = arith.andi %shift_right_logical3A_635, %broadcast_in_dim3A_637 : vector<16xi32>
      %broadcast_in_dim3A_639 = arith.constant 32767 : i32
      %broadcast_in_dim3A_640 = vector.broadcast %broadcast_in_dim3A_639 : i32 to vector<16xi32>
      %add3A_641 = arith.addi %bitcast3A_632, %broadcast_in_dim3A_640 : vector<16xi32>
      %add3A_642 = arith.addi %add3A_641, %and3A_638 : vector<16xi32>
      %broadcast_in_dim3A_643 = arith.constant -65536 : i32
      %broadcast_in_dim3A_644 = vector.broadcast %broadcast_in_dim3A_643 : i32 to vector<16xi32>
      %and3A_645 = arith.andi %add3A_642, %broadcast_in_dim3A_644 : vector<16xi32>
      %bitcast3A_646 = vector.bitcast %and3A_645 : vector<16xi32> to vector<16xf32>
      %bitcast3A_647 = vector.bitcast %gather3A_599 : vector<16xf32> to vector<16xi32>
      %broadcast_in_dim3A_648 = arith.constant 16 : i32
      %broadcast_in_dim3A_649 = vector.broadcast %broadcast_in_dim3A_648 : i32 to vector<16xi32>
      %shift_right_logical3A_650 = arith.shrui %bitcast3A_647, %broadcast_in_dim3A_649 : vector<16xi32>
      %broadcast_in_dim3A_651 = arith.constant 1 : i32
      %broadcast_in_dim3A_652 = vector.broadcast %broadcast_in_dim3A_651 : i32 to vector<16xi32>
      %and3A_653 = arith.andi %shift_right_logical3A_650, %broadcast_in_dim3A_652 : vector<16xi32>
      %broadcast_in_dim3A_654 = arith.constant 32767 : i32
      %broadcast_in_dim3A_655 = vector.broadcast %broadcast_in_dim3A_654 : i32 to vector<16xi32>
      %add3A_656 = arith.addi %bitcast3A_647, %broadcast_in_dim3A_655 : vector<16xi32>
      %add3A_657 = arith.addi %add3A_656, %and3A_653 : vector<16xi32>
      %broadcast_in_dim3A_658 = arith.constant -65536 : i32
      %broadcast_in_dim3A_659 = vector.broadcast %broadcast_in_dim3A_658 : i32 to vector<16xi32>
      %and3A_660 = arith.andi %add3A_657, %broadcast_in_dim3A_659 : vector<16xi32>
      %bitcast3A_661 = vector.bitcast %and3A_660 : vector<16xi32> to vector<16xf32>
      %broadcast_in_dim3A_662 = arith.constant 0 : i32
      %broadcast_in_dim3A_663 = vector.broadcast %broadcast_in_dim3A_662 : i32 to vector<16xi32>
      %broadcast_in_dim3A_664 = arith.constant 0 : i32
      %broadcast_in_dim3A_665 = vector.broadcast %broadcast_in_dim3A_664 : i32 to vector<16xi32>
      %broadcast_in_dim3A_666 = arith.constant 0 : i32
      %broadcast_in_dim3A_667 = vector.broadcast %broadcast_in_dim3A_666 : i32 to vector<16xi32>
      %broadcast_in_dim3A_668 = arith.constant 0 : i32
      %broadcast_in_dim3A_669 = vector.broadcast %broadcast_in_dim3A_668 : i32 to vector<16xi32>
      %broadcast_in_dim3A_670 = arith.constant 0 : i32
      %broadcast_in_dim3A_671 = vector.broadcast %broadcast_in_dim3A_670 : i32 to vector<16xi32>
      %broadcast_in_dim3A_672 = arith.constant 0 : i32
      %broadcast_in_dim3A_673 = vector.broadcast %broadcast_in_dim3A_672 : i32 to vector<16xi32>
      %broadcast_in_dim3A_674 = arith.constant 0 : i32
      %broadcast_in_dim3A_675 = vector.broadcast %broadcast_in_dim3A_674 : i32 to vector<16xi32>
      %broadcast_in_dim3A_676 = arith.constant 0 : i32
      %broadcast_in_dim3A_677 = vector.broadcast %broadcast_in_dim3A_676 : i32 to vector<16xi32>
      %while3A = arith.constant 0 : i32
      %while3A_678 = arith.constant false
      %while3A_679:10 = scf.while (%while3A_871 = %while3A, %while3A_872 = %broadcast_in_dim3A_663, %while3A_873 = %broadcast_in_dim3A_665, %while3A_874 = %broadcast_in_dim3A_667, %while3A_875 = %broadcast_in_dim3A_669, %while3A_876 = %broadcast_in_dim3A_671, %while3A_877 = %broadcast_in_dim3A_673, %while3A_878 = %broadcast_in_dim3A_675, %while3A_879 = %broadcast_in_dim3A_677, %while3A_880 = %while3A_678) : (i32, vector<16xi32>, vector<16xi32>, vector<16xi32>, vector<16xi32>, vector<16xi32>, vector<16xi32>, vector<16xi32>, vector<16xi32>, i1) -> (i32, vector<16xi32>, vector<16xi32>, vector<16xi32>, vector<16xi32>, vector<16xi32>, vector<16xi32>, vector<16xi32>, vector<16xi32>, i1) {
        %lt3A_881 = arith.constant 4096 : i32
        %lt3A_882 = arith.cmpi slt, %while3A_871, %lt3A_881 : i32
        %not3A = arith.constant true
        %not3A_883 = arith.xori %while3A_880, %not3A : i1
        %and3A_884 = arith.andi %lt3A_882, %not3A_883 : i1
        scf.condition(%and3A_884) %while3A_871, %while3A_872, %while3A_873, %while3A_874, %while3A_875, %while3A_876, %while3A_877, %while3A_878, %while3A_879, %while3A_880 : i32, vector<16xi32>, vector<16xi32>, vector<16xi32>, vector<16xi32>, vector<16xi32>, vector<16xi32>, vector<16xi32>, vector<16xi32>, i1
      } do {
      ^bb0(%while3A_871: i32, %while3A_872: vector<16xi32>, %while3A_873: vector<16xi32>, %while3A_874: vector<16xi32>, %while3A_875: vector<16xi32>, %while3A_876: vector<16xi32>, %while3A_877: vector<16xi32>, %while3A_878: vector<16xi32>, %while3A_879: vector<16xi32>, %while3A_880: i1):
        %add3A_881 = arith.constant 0 : i32
        %add3A_882 = arith.addi %while3A_871, %add3A_881 : i32
        %get3A_883 = arith.index_cast %add3A_882 : i32 to index
        %get3A_884 = tpu.vector_load %arg8[%get3A_883] {strides = array<i32>} : memref<4096xf32, #tpu.memory_space<vmem>>, vector<16xf32>,
        %get3A_885 = arith.index_cast %add3A_882 : i32 to index
        %get3A_886 = tpu.vector_load %arg9[%get3A_885] {strides = array<i32>} : memref<4096xf32, #tpu.memory_space<vmem>>, vector<16xf32>,
        %get3A_887 = arith.index_cast %add3A_882 : i32 to index
        %get3A_888 = tpu.vector_load %arg10[%get3A_887] {strides = array<i32>} : memref<4096xf32, #tpu.memory_space<vmem>>, vector<16xf32>,
        %get3A_889 = arith.index_cast %add3A_882 : i32 to index
        %get3A_890 = tpu.vector_load %arg11[%get3A_889] {strides = array<i32>} : memref<4096xf32, #tpu.memory_space<vmem>>, vector<16xf32>,
        %add3A_891 = vector.broadcast %add3A_882 : i32 to vector<16xi32>
        %add3A_892 = arith.addi %add3A_891, %iota3A : vector<16xi32>
        %mul3A_893 = arith.mulf %bitcast3A_92, %get3A_884 : vector<16xf32>
        %mul3A_894 = arith.mulf %bitcast3A_107, %get3A_886 : vector<16xf32>
        %add3A_895 = arith.addf %mul3A_893, %mul3A_894 : vector<16xf32>
        %mul3A_896 = arith.mulf %bitcast3A_122, %get3A_888 : vector<16xf32>
        %add3A_897 = arith.addf %add3A_895, %mul3A_896 : vector<16xf32>
        %mul3A_898 = arith.constant -2.000000e+00 : f32
        %mul3A_899 = vector.broadcast %mul3A_898 : f32 to vector<16xf32>
        %mul3A_900 = arith.mulf %mul3A_899, %add3A_897 : vector<16xf32>
        %add3A_901 = arith.addf %mul3A_900, %add3A_68 : vector<16xf32>
        %add3A_902 = arith.addf %add3A_901, %get3A_890 : vector<16xf32>
        %le3A = arith.constant 4.000000e-02 : f32
        %le3A_903 = vector.broadcast %le3A : f32 to vector<16xf32>
        %le3A_904 = arith.cmpf ole, %add3A_902, %le3A_903 : vector<16xf32>
        %masked_cumsum3A = tpu.scan <sum>, %broadcast_in_dim3A_35 masked %le3A_904 : vector<16xi32>, vector<16xi1> -> vector<16xi32>
        %add3A_905 = arith.addi %while3A_872, %masked_cumsum3A : vector<16xi32>
        %le3A_906 = arith.constant 32 : i32
        %le3A_907 = vector.broadcast %le3A_906 : i32 to vector<16xi32>
        %le3A_908 = arith.cmpi sle, %add3A_905, %le3A_907 : vector<16xi32>
        %and3A_909 = arith.andi %le3A_904, %le3A_908 : vector<16xi1>
        %add3A_910 = arith.addi %add3A_905, %add3A_79 : vector<16xi32>
        tpu.vector_store_idx %arg7[%add3A_910], %add3A_892 masked %and3A_909 : memref<16384xi32, #tpu.memory_space<vmem>>[vector<16xi32>], vector<16xi32>, vector<16xi1>
        %all_reduce_population_count3A = tpu.all_reduce %le3A_904 {dim = 0 : i64, kind = #tpu.reduction_kind<sum>} : vector<16xi1> -> vector<16xi32>
        %add3A_911 = arith.addi %while3A_872, %all_reduce_population_count3A : vector<16xi32>
        %mul3A_912 = arith.mulf %bitcast3A_169, %get3A_884 : vector<16xf32>
        %mul3A_913 = arith.mulf %bitcast3A_184, %get3A_886 : vector<16xf32>
        %add3A_914 = arith.addf %mul3A_912, %mul3A_913 : vector<16xf32>
        %mul3A_915 = arith.mulf %bitcast3A_199, %get3A_888 : vector<16xf32>
        %add3A_916 = arith.addf %add3A_914, %mul3A_915 : vector<16xf32>
        %mul3A_917 = arith.constant -2.000000e+00 : f32
        %mul3A_918 = vector.broadcast %mul3A_917 : f32 to vector<16xf32>
        %mul3A_919 = arith.mulf %mul3A_918, %add3A_916 : vector<16xf32>
        %add3A_920 = arith.addf %mul3A_919, %add3A_142 : vector<16xf32>
        %add3A_921 = arith.addf %add3A_920, %get3A_890 : vector<16xf32>
        %le3A_922 = arith.constant 4.000000e-02 : f32
        %le3A_923 = vector.broadcast %le3A_922 : f32 to vector<16xf32>
        %le3A_924 = arith.cmpf ole, %add3A_921, %le3A_923 : vector<16xf32>
        %masked_cumsum3A_925 = tpu.scan <sum>, %broadcast_in_dim3A_35 masked %le3A_924 : vector<16xi32>, vector<16xi1> -> vector<16xi32>
        %add3A_926 = arith.addi %while3A_873, %masked_cumsum3A_925 : vector<16xi32>
        %le3A_927 = arith.constant 32 : i32
        %le3A_928 = vector.broadcast %le3A_927 : i32 to vector<16xi32>
        %le3A_929 = arith.cmpi sle, %add3A_926, %le3A_928 : vector<16xi32>
        %and3A_930 = arith.andi %le3A_924, %le3A_929 : vector<16xi1>
        %add3A_931 = arith.addi %add3A_926, %add3A_154 : vector<16xi32>
        tpu.vector_store_idx %arg7[%add3A_931], %add3A_892 masked %and3A_930 : memref<16384xi32, #tpu.memory_space<vmem>>[vector<16xi32>], vector<16xi32>, vector<16xi1>
        %all_reduce_population_count3A_932 = tpu.all_reduce %le3A_924 {dim = 0 : i64, kind = #tpu.reduction_kind<sum>} : vector<16xi1> -> vector<16xi32>
        %add3A_933 = arith.addi %while3A_873, %all_reduce_population_count3A_932 : vector<16xi32>
        %mul3A_934 = arith.mulf %bitcast3A_246, %get3A_884 : vector<16xf32>
        %mul3A_935 = arith.mulf %bitcast3A_261, %get3A_886 : vector<16xf32>
        %add3A_936 = arith.addf %mul3A_934, %mul3A_935 : vector<16xf32>
        %mul3A_937 = arith.mulf %bitcast3A_276, %get3A_888 : vector<16xf32>
        %add3A_938 = arith.addf %add3A_936, %mul3A_937 : vector<16xf32>
        %mul3A_939 = arith.constant -2.000000e+00 : f32
        %mul3A_940 = vector.broadcast %mul3A_939 : f32 to vector<16xf32>
        %mul3A_941 = arith.mulf %mul3A_940, %add3A_938 : vector<16xf32>
        %add3A_942 = arith.addf %mul3A_941, %add3A_219 : vector<16xf32>
        %add3A_943 = arith.addf %add3A_942, %get3A_890 : vector<16xf32>
        %le3A_944 = arith.constant 4.000000e-02 : f32
        %le3A_945 = vector.broadcast %le3A_944 : f32 to vector<16xf32>
        %le3A_946 = arith.cmpf ole, %add3A_943, %le3A_945 : vector<16xf32>
        %masked_cumsum3A_947 = tpu.scan <sum>, %broadcast_in_dim3A_35 masked %le3A_946 : vector<16xi32>, vector<16xi1> -> vector<16xi32>
        %add3A_948 = arith.addi %while3A_874, %masked_cumsum3A_947 : vector<16xi32>
        %le3A_949 = arith.constant 32 : i32
        %le3A_950 = vector.broadcast %le3A_949 : i32 to vector<16xi32>
        %le3A_951 = arith.cmpi sle, %add3A_948, %le3A_950 : vector<16xi32>
        %and3A_952 = arith.andi %le3A_946, %le3A_951 : vector<16xi1>
        %add3A_953 = arith.addi %add3A_948, %add3A_231 : vector<16xi32>
        tpu.vector_store_idx %arg7[%add3A_953], %add3A_892 masked %and3A_952 : memref<16384xi32, #tpu.memory_space<vmem>>[vector<16xi32>], vector<16xi32>, vector<16xi1>
        %all_reduce_population_count3A_954 = tpu.all_reduce %le3A_946 {dim = 0 : i64, kind = #tpu.reduction_kind<sum>} : vector<16xi1> -> vector<16xi32>
        %add3A_955 = arith.addi %while3A_874, %all_reduce_population_count3A_954 : vector<16xi32>
        %mul3A_956 = arith.mulf %bitcast3A_323, %get3A_884 : vector<16xf32>
        %mul3A_957 = arith.mulf %bitcast3A_338, %get3A_886 : vector<16xf32>
        %add3A_958 = arith.addf %mul3A_956, %mul3A_957 : vector<16xf32>
        %mul3A_959 = arith.mulf %bitcast3A_353, %get3A_888 : vector<16xf32>
        %add3A_960 = arith.addf %add3A_958, %mul3A_959 : vector<16xf32>
        %mul3A_961 = arith.constant -2.000000e+00 : f32
        %mul3A_962 = vector.broadcast %mul3A_961 : f32 to vector<16xf32>
        %mul3A_963 = arith.mulf %mul3A_962, %add3A_960 : vector<16xf32>
        %add3A_964 = arith.addf %mul3A_963, %add3A_296 : vector<16xf32>
        %add3A_965 = arith.addf %add3A_964, %get3A_890 : vector<16xf32>
        %le3A_966 = arith.constant 4.000000e-02 : f32
        %le3A_967 = vector.broadcast %le3A_966 : f32 to vector<16xf32>
        %le3A_968 = arith.cmpf ole, %add3A_965, %le3A_967 : vector<16xf32>
        %masked_cumsum3A_969 = tpu.scan <sum>, %broadcast_in_dim3A_35 masked %le3A_968 : vector<16xi32>, vector<16xi1> -> vector<16xi32>
        %add3A_970 = arith.addi %while3A_875, %masked_cumsum3A_969 : vector<16xi32>
        %le3A_971 = arith.constant 32 : i32
        %le3A_972 = vector.broadcast %le3A_971 : i32 to vector<16xi32>
        %le3A_973 = arith.cmpi sle, %add3A_970, %le3A_972 : vector<16xi32>
        %and3A_974 = arith.andi %le3A_968, %le3A_973 : vector<16xi1>
        %add3A_975 = arith.addi %add3A_970, %add3A_308 : vector<16xi32>
        tpu.vector_store_idx %arg7[%add3A_975], %add3A_892 masked %and3A_974 : memref<16384xi32, #tpu.memory_space<vmem>>[vector<16xi32>], vector<16xi32>, vector<16xi1>
        %all_reduce_population_count3A_976 = tpu.all_reduce %le3A_968 {dim = 0 : i64, kind = #tpu.reduction_kind<sum>} : vector<16xi1> -> vector<16xi32>
        %add3A_977 = arith.addi %while3A_875, %all_reduce_population_count3A_976 : vector<16xi32>
        %mul3A_978 = arith.mulf %bitcast3A_400, %get3A_884 : vector<16xf32>
        %mul3A_979 = arith.mulf %bitcast3A_415, %get3A_886 : vector<16xf32>
        %add3A_980 = arith.addf %mul3A_978, %mul3A_979 : vector<16xf32>
        %mul3A_981 = arith.mulf %bitcast3A_430, %get3A_888 : vector<16xf32>
        %add3A_982 = arith.addf %add3A_980, %mul3A_981 : vector<16xf32>
        %mul3A_983 = arith.constant -2.000000e+00 : f32
        %mul3A_984 = vector.broadcast %mul3A_983 : f32 to vector<16xf32>
        %mul3A_985 = arith.mulf %mul3A_984, %add3A_982 : vector<16xf32>
        %add3A_986 = arith.addf %mul3A_985, %add3A_373 : vector<16xf32>
        %add3A_987 = arith.addf %add3A_986, %get3A_890 : vector<16xf32>
        %le3A_988 = arith.constant 4.000000e-02 : f32
        %le3A_989 = vector.broadcast %le3A_988 : f32 to vector<16xf32>
        %le3A_990 = arith.cmpf ole, %add3A_987, %le3A_989 : vector<16xf32>
        %masked_cumsum3A_991 = tpu.scan <sum>, %broadcast_in_dim3A_35 masked %le3A_990 : vector<16xi32>, vector<16xi1> -> vector<16xi32>
        %add3A_992 = arith.addi %while3A_876, %masked_cumsum3A_991 : vector<16xi32>
        %le3A_993 = arith.constant 32 : i32
        %le3A_994 = vector.broadcast %le3A_993 : i32 to vector<16xi32>
        %le3A_995 = arith.cmpi sle, %add3A_992, %le3A_994 : vector<16xi32>
        %and3A_996 = arith.andi %le3A_990, %le3A_995 : vector<16xi1>
        %add3A_997 = arith.addi %add3A_992, %add3A_385 : vector<16xi32>
        tpu.vector_store_idx %arg7[%add3A_997], %add3A_892 masked %and3A_996 : memref<16384xi32, #tpu.memory_space<vmem>>[vector<16xi32>], vector<16xi32>, vector<16xi1>
        %all_reduce_population_count3A_998 = tpu.all_reduce %le3A_990 {dim = 0 : i64, kind = #tpu.reduction_kind<sum>} : vector<16xi1> -> vector<16xi32>
        %add3A_999 = arith.addi %while3A_876, %all_reduce_population_count3A_998 : vector<16xi32>
        %mul3A_1000 = arith.mulf %bitcast3A_477, %get3A_884 : vector<16xf32>
        %mul3A_1001 = arith.mulf %bitcast3A_492, %get3A_886 : vector<16xf32>
        %add3A_1002 = arith.addf %mul3A_1000, %mul3A_1001 : vector<16xf32>
        %mul3A_1003 = arith.mulf %bitcast3A_507, %get3A_888 : vector<16xf32>
        %add3A_1004 = arith.addf %add3A_1002, %mul3A_1003 : vector<16xf32>
        %mul3A_1005 = arith.constant -2.000000e+00 : f32
        %mul3A_1006 = vector.broadcast %mul3A_1005 : f32 to vector<16xf32>
        %mul3A_1007 = arith.mulf %mul3A_1006, %add3A_1004 : vector<16xf32>
        %add3A_1008 = arith.addf %mul3A_1007, %add3A_450 : vector<16xf32>
        %add3A_1009 = arith.addf %add3A_1008, %get3A_890 : vector<16xf32>
        %le3A_1010 = arith.constant 4.000000e-02 : f32
        %le3A_1011 = vector.broadcast %le3A_1010 : f32 to vector<16xf32>
        %le3A_1012 = arith.cmpf ole, %add3A_1009, %le3A_1011 : vector<16xf32>
        %masked_cumsum3A_1013 = tpu.scan <sum>, %broadcast_in_dim3A_35 masked %le3A_1012 : vector<16xi32>, vector<16xi1> -> vector<16xi32>
        %add3A_1014 = arith.addi %while3A_877, %masked_cumsum3A_1013 : vector<16xi32>
        %le3A_1015 = arith.constant 32 : i32
        %le3A_1016 = vector.broadcast %le3A_1015 : i32 to vector<16xi32>
        %le3A_1017 = arith.cmpi sle, %add3A_1014, %le3A_1016 : vector<16xi32>
        %and3A_1018 = arith.andi %le3A_1012, %le3A_1017 : vector<16xi1>
        %add3A_1019 = arith.addi %add3A_1014, %add3A_462 : vector<16xi32>
        tpu.vector_store_idx %arg7[%add3A_1019], %add3A_892 masked %and3A_1018 : memref<16384xi32, #tpu.memory_space<vmem>>[vector<16xi32>], vector<16xi32>, vector<16xi1>
        %all_reduce_population_count3A_1020 = tpu.all_reduce %le3A_1012 {dim = 0 : i64, kind = #tpu.reduction_kind<sum>} : vector<16xi1> -> vector<16xi32>
        %add3A_1021 = arith.addi %while3A_877, %all_reduce_population_count3A_1020 : vector<16xi32>
        %mul3A_1022 = arith.mulf %bitcast3A_554, %get3A_884 : vector<16xf32>
        %mul3A_1023 = arith.mulf %bitcast3A_569, %get3A_886 : vector<16xf32>
        %add3A_1024 = arith.addf %mul3A_1022, %mul3A_1023 : vector<16xf32>
        %mul3A_1025 = arith.mulf %bitcast3A_584, %get3A_888 : vector<16xf32>
        %add3A_1026 = arith.addf %add3A_1024, %mul3A_1025 : vector<16xf32>
        %mul3A_1027 = arith.constant -2.000000e+00 : f32
        %mul3A_1028 = vector.broadcast %mul3A_1027 : f32 to vector<16xf32>
        %mul3A_1029 = arith.mulf %mul3A_1028, %add3A_1026 : vector<16xf32>
        %add3A_1030 = arith.addf %mul3A_1029, %add3A_527 : vector<16xf32>
        %add3A_1031 = arith.addf %add3A_1030, %get3A_890 : vector<16xf32>
        %le3A_1032 = arith.constant 4.000000e-02 : f32
        %le3A_1033 = vector.broadcast %le3A_1032 : f32 to vector<16xf32>
        %le3A_1034 = arith.cmpf ole, %add3A_1031, %le3A_1033 : vector<16xf32>
        %masked_cumsum3A_1035 = tpu.scan <sum>, %broadcast_in_dim3A_35 masked %le3A_1034 : vector<16xi32>, vector<16xi1> -> vector<16xi32>
        %add3A_1036 = arith.addi %while3A_878, %masked_cumsum3A_1035 : vector<16xi32>
        %le3A_1037 = arith.constant 32 : i32
        %le3A_1038 = vector.broadcast %le3A_1037 : i32 to vector<16xi32>
        %le3A_1039 = arith.cmpi sle, %add3A_1036, %le3A_1038 : vector<16xi32>
        %and3A_1040 = arith.andi %le3A_1034, %le3A_1039 : vector<16xi1>
        %add3A_1041 = arith.addi %add3A_1036, %add3A_539 : vector<16xi32>
        tpu.vector_store_idx %arg7[%add3A_1041], %add3A_892 masked %and3A_1040 : memref<16384xi32, #tpu.memory_space<vmem>>[vector<16xi32>], vector<16xi32>, vector<16xi1>
        %all_reduce_population_count3A_1042 = tpu.all_reduce %le3A_1034 {dim = 0 : i64, kind = #tpu.reduction_kind<sum>} : vector<16xi1> -> vector<16xi32>
        %add3A_1043 = arith.addi %while3A_878, %all_reduce_population_count3A_1042 : vector<16xi32>
        %mul3A_1044 = arith.mulf %bitcast3A_631, %get3A_884 : vector<16xf32>
        %mul3A_1045 = arith.mulf %bitcast3A_646, %get3A_886 : vector<16xf32>
        %add3A_1046 = arith.addf %mul3A_1044, %mul3A_1045 : vector<16xf32>
        %mul3A_1047 = arith.mulf %bitcast3A_661, %get3A_888 : vector<16xf32>
        %add3A_1048 = arith.addf %add3A_1046, %mul3A_1047 : vector<16xf32>
        %mul3A_1049 = arith.constant -2.000000e+00 : f32
        %mul3A_1050 = vector.broadcast %mul3A_1049 : f32 to vector<16xf32>
        %mul3A_1051 = arith.mulf %mul3A_1050, %add3A_1048 : vector<16xf32>
        %add3A_1052 = arith.addf %mul3A_1051, %add3A_604 : vector<16xf32>
        %add3A_1053 = arith.addf %add3A_1052, %get3A_890 : vector<16xf32>
        %le3A_1054 = arith.constant 4.000000e-02 : f32
        %le3A_1055 = vector.broadcast %le3A_1054 : f32 to vector<16xf32>
        %le3A_1056 = arith.cmpf ole, %add3A_1053, %le3A_1055 : vector<16xf32>
        %masked_cumsum3A_1057 = tpu.scan <sum>, %broadcast_in_dim3A_35 masked %le3A_1056 : vector<16xi32>, vector<16xi1> -> vector<16xi32>
        %add3A_1058 = arith.addi %while3A_879, %masked_cumsum3A_1057 : vector<16xi32>
        %le3A_1059 = arith.constant 32 : i32
        %le3A_1060 = vector.broadcast %le3A_1059 : i32 to vector<16xi32>
        %le3A_1061 = arith.cmpi sle, %add3A_1058, %le3A_1060 : vector<16xi32>
        %and3A_1062 = arith.andi %le3A_1056, %le3A_1061 : vector<16xi1>
        %add3A_1063 = arith.addi %add3A_1058, %add3A_616 : vector<16xi32>
        tpu.vector_store_idx %arg7[%add3A_1063], %add3A_892 masked %and3A_1062 : memref<16384xi32, #tpu.memory_space<vmem>>[vector<16xi32>], vector<16xi32>, vector<16xi1>
        %all_reduce_population_count3A_1064 = tpu.all_reduce %le3A_1056 {dim = 0 : i64, kind = #tpu.reduction_kind<sum>} : vector<16xi1> -> vector<16xi32>
        %add3A_1065 = arith.addi %while3A_879, %all_reduce_population_count3A_1064 : vector<16xi32>
        %add3A_1066 = arith.constant 16 : i32
        %add3A_1067 = arith.addi %while3A_871, %add3A_1066 : i32
        %get3A_1068 = arith.index_cast %add3A_1067 : i32 to index
        %get3A_1069 = tpu.vector_load %arg8[%get3A_1068] {strides = array<i32>} : memref<4096xf32, #tpu.memory_space<vmem>>, vector<16xf32>,
        %get3A_1070 = arith.index_cast %add3A_1067 : i32 to index
        %get3A_1071 = tpu.vector_load %arg9[%get3A_1070] {strides = array<i32>} : memref<4096xf32, #tpu.memory_space<vmem>>, vector<16xf32>,
        %get3A_1072 = arith.index_cast %add3A_1067 : i32 to index
        %get3A_1073 = tpu.vector_load %arg10[%get3A_1072] {strides = array<i32>} : memref<4096xf32, #tpu.memory_space<vmem>>, vector<16xf32>,
        %get3A_1074 = arith.index_cast %add3A_1067 : i32 to index
        %get3A_1075 = tpu.vector_load %arg11[%get3A_1074] {strides = array<i32>} : memref<4096xf32, #tpu.memory_space<vmem>>, vector<16xf32>,
        %add3A_1076 = vector.broadcast %add3A_1067 : i32 to vector<16xi32>
        %add3A_1077 = arith.addi %add3A_1076, %iota3A : vector<16xi32>
        %mul3A_1078 = arith.mulf %bitcast3A_92, %get3A_1069 : vector<16xf32>
        %mul3A_1079 = arith.mulf %bitcast3A_107, %get3A_1071 : vector<16xf32>
        %add3A_1080 = arith.addf %mul3A_1078, %mul3A_1079 : vector<16xf32>
        %mul3A_1081 = arith.mulf %bitcast3A_122, %get3A_1073 : vector<16xf32>
        %add3A_1082 = arith.addf %add3A_1080, %mul3A_1081 : vector<16xf32>
        %mul3A_1083 = arith.constant -2.000000e+00 : f32
        %mul3A_1084 = vector.broadcast %mul3A_1083 : f32 to vector<16xf32>
        %mul3A_1085 = arith.mulf %mul3A_1084, %add3A_1082 : vector<16xf32>
        %add3A_1086 = arith.addf %mul3A_1085, %add3A_68 : vector<16xf32>
        %add3A_1087 = arith.addf %add3A_1086, %get3A_1075 : vector<16xf32>
        %le3A_1088 = arith.constant 4.000000e-02 : f32
        %le3A_1089 = vector.broadcast %le3A_1088 : f32 to vector<16xf32>
        %le3A_1090 = arith.cmpf ole, %add3A_1087, %le3A_1089 : vector<16xf32>
        %masked_cumsum3A_1091 = tpu.scan <sum>, %broadcast_in_dim3A_35 masked %le3A_1090 : vector<16xi32>, vector<16xi1> -> vector<16xi32>
        %add3A_1092 = arith.addi %add3A_911, %masked_cumsum3A_1091 : vector<16xi32>
        %le3A_1093 = arith.constant 32 : i32
        %le3A_1094 = vector.broadcast %le3A_1093 : i32 to vector<16xi32>
        %le3A_1095 = arith.cmpi sle, %add3A_1092, %le3A_1094 : vector<16xi32>
        %and3A_1096 = arith.andi %le3A_1090, %le3A_1095 : vector<16xi1>
        %add3A_1097 = arith.addi %add3A_1092, %add3A_79 : vector<16xi32>
        tpu.vector_store_idx %arg7[%add3A_1097], %add3A_1077 masked %and3A_1096 : memref<16384xi32, #tpu.memory_space<vmem>>[vector<16xi32>], vector<16xi32>, vector<16xi1>
        %all_reduce_population_count3A_1098 = tpu.all_reduce %le3A_1090 {dim = 0 : i64, kind = #tpu.reduction_kind<sum>} : vector<16xi1> -> vector<16xi32>
        %add3A_1099 = arith.addi %add3A_911, %all_reduce_population_count3A_1098 : vector<16xi32>
        %mul3A_1100 = arith.mulf %bitcast3A_169, %get3A_1069 : vector<16xf32>
        %mul3A_1101 = arith.mulf %bitcast3A_184, %get3A_1071 : vector<16xf32>
        %add3A_1102 = arith.addf %mul3A_1100, %mul3A_1101 : vector<16xf32>
        %mul3A_1103 = arith.mulf %bitcast3A_199, %get3A_1073 : vector<16xf32>
        %add3A_1104 = arith.addf %add3A_1102, %mul3A_1103 : vector<16xf32>
        %mul3A_1105 = arith.constant -2.000000e+00 : f32
        %mul3A_1106 = vector.broadcast %mul3A_1105 : f32 to vector<16xf32>
        %mul3A_1107 = arith.mulf %mul3A_1106, %add3A_1104 : vector<16xf32>
        %add3A_1108 = arith.addf %mul3A_1107, %add3A_142 : vector<16xf32>
        %add3A_1109 = arith.addf %add3A_1108, %get3A_1075 : vector<16xf32>
        %le3A_1110 = arith.constant 4.000000e-02 : f32
        %le3A_1111 = vector.broadcast %le3A_1110 : f32 to vector<16xf32>
        %le3A_1112 = arith.cmpf ole, %add3A_1109, %le3A_1111 : vector<16xf32>
        %masked_cumsum3A_1113 = tpu.scan <sum>, %broadcast_in_dim3A_35 masked %le3A_1112 : vector<16xi32>, vector<16xi1> -> vector<16xi32>
        %add3A_1114 = arith.addi %add3A_933, %masked_cumsum3A_1113 : vector<16xi32>
        %le3A_1115 = arith.constant 32 : i32
        %le3A_1116 = vector.broadcast %le3A_1115 : i32 to vector<16xi32>
        %le3A_1117 = arith.cmpi sle, %add3A_1114, %le3A_1116 : vector<16xi32>
        %and3A_1118 = arith.andi %le3A_1112, %le3A_1117 : vector<16xi1>
        %add3A_1119 = arith.addi %add3A_1114, %add3A_154 : vector<16xi32>
        tpu.vector_store_idx %arg7[%add3A_1119], %add3A_1077 masked %and3A_1118 : memref<16384xi32, #tpu.memory_space<vmem>>[vector<16xi32>], vector<16xi32>, vector<16xi1>
        %all_reduce_population_count3A_1120 = tpu.all_reduce %le3A_1112 {dim = 0 : i64, kind = #tpu.reduction_kind<sum>} : vector<16xi1> -> vector<16xi32>
        %add3A_1121 = arith.addi %add3A_933, %all_reduce_population_count3A_1120 : vector<16xi32>
        %mul3A_1122 = arith.mulf %bitcast3A_246, %get3A_1069 : vector<16xf32>
        %mul3A_1123 = arith.mulf %bitcast3A_261, %get3A_1071 : vector<16xf32>
        %add3A_1124 = arith.addf %mul3A_1122, %mul3A_1123 : vector<16xf32>
        %mul3A_1125 = arith.mulf %bitcast3A_276, %get3A_1073 : vector<16xf32>
        %add3A_1126 = arith.addf %add3A_1124, %mul3A_1125 : vector<16xf32>
        %mul3A_1127 = arith.constant -2.000000e+00 : f32
        %mul3A_1128 = vector.broadcast %mul3A_1127 : f32 to vector<16xf32>
        %mul3A_1129 = arith.mulf %mul3A_1128, %add3A_1126 : vector<16xf32>
        %add3A_1130 = arith.addf %mul3A_1129, %add3A_219 : vector<16xf32>
        %add3A_1131 = arith.addf %add3A_1130, %get3A_1075 : vector<16xf32>
        %le3A_1132 = arith.constant 4.000000e-02 : f32
        %le3A_1133 = vector.broadcast %le3A_1132 : f32 to vector<16xf32>
        %le3A_1134 = arith.cmpf ole, %add3A_1131, %le3A_1133 : vector<16xf32>
        %masked_cumsum3A_1135 = tpu.scan <sum>, %broadcast_in_dim3A_35 masked %le3A_1134 : vector<16xi32>, vector<16xi1> -> vector<16xi32>
        %add3A_1136 = arith.addi %add3A_955, %masked_cumsum3A_1135 : vector<16xi32>
        %le3A_1137 = arith.constant 32 : i32
        %le3A_1138 = vector.broadcast %le3A_1137 : i32 to vector<16xi32>
        %le3A_1139 = arith.cmpi sle, %add3A_1136, %le3A_1138 : vector<16xi32>
        %and3A_1140 = arith.andi %le3A_1134, %le3A_1139 : vector<16xi1>
        %add3A_1141 = arith.addi %add3A_1136, %add3A_231 : vector<16xi32>
        tpu.vector_store_idx %arg7[%add3A_1141], %add3A_1077 masked %and3A_1140 : memref<16384xi32, #tpu.memory_space<vmem>>[vector<16xi32>], vector<16xi32>, vector<16xi1>
        %all_reduce_population_count3A_1142 = tpu.all_reduce %le3A_1134 {dim = 0 : i64, kind = #tpu.reduction_kind<sum>} : vector<16xi1> -> vector<16xi32>
        %add3A_1143 = arith.addi %add3A_955, %all_reduce_population_count3A_1142 : vector<16xi32>
        %mul3A_1144 = arith.mulf %bitcast3A_323, %get3A_1069 : vector<16xf32>
        %mul3A_1145 = arith.mulf %bitcast3A_338, %get3A_1071 : vector<16xf32>
        %add3A_1146 = arith.addf %mul3A_1144, %mul3A_1145 : vector<16xf32>
        %mul3A_1147 = arith.mulf %bitcast3A_353, %get3A_1073 : vector<16xf32>
        %add3A_1148 = arith.addf %add3A_1146, %mul3A_1147 : vector<16xf32>
        %mul3A_1149 = arith.constant -2.000000e+00 : f32
        %mul3A_1150 = vector.broadcast %mul3A_1149 : f32 to vector<16xf32>
        %mul3A_1151 = arith.mulf %mul3A_1150, %add3A_1148 : vector<16xf32>
        %add3A_1152 = arith.addf %mul3A_1151, %add3A_296 : vector<16xf32>
        %add3A_1153 = arith.addf %add3A_1152, %get3A_1075 : vector<16xf32>
        %le3A_1154 = arith.constant 4.000000e-02 : f32
        %le3A_1155 = vector.broadcast %le3A_1154 : f32 to vector<16xf32>
        %le3A_1156 = arith.cmpf ole, %add3A_1153, %le3A_1155 : vector<16xf32>
        %masked_cumsum3A_1157 = tpu.scan <sum>, %broadcast_in_dim3A_35 masked %le3A_1156 : vector<16xi32>, vector<16xi1> -> vector<16xi32>
        %add3A_1158 = arith.addi %add3A_977, %masked_cumsum3A_1157 : vector<16xi32>
        %le3A_1159 = arith.constant 32 : i32
        %le3A_1160 = vector.broadcast %le3A_1159 : i32 to vector<16xi32>
        %le3A_1161 = arith.cmpi sle, %add3A_1158, %le3A_1160 : vector<16xi32>
        %and3A_1162 = arith.andi %le3A_1156, %le3A_1161 : vector<16xi1>
        %add3A_1163 = arith.addi %add3A_1158, %add3A_308 : vector<16xi32>
        tpu.vector_store_idx %arg7[%add3A_1163], %add3A_1077 masked %and3A_1162 : memref<16384xi32, #tpu.memory_space<vmem>>[vector<16xi32>], vector<16xi32>, vector<16xi1>
        %all_reduce_population_count3A_1164 = tpu.all_reduce %le3A_1156 {dim = 0 : i64, kind = #tpu.reduction_kind<sum>} : vector<16xi1> -> vector<16xi32>
        %add3A_1165 = arith.addi %add3A_977, %all_reduce_population_count3A_1164 : vector<16xi32>
        %mul3A_1166 = arith.mulf %bitcast3A_400, %get3A_1069 : vector<16xf32>
        %mul3A_1167 = arith.mulf %bitcast3A_415, %get3A_1071 : vector<16xf32>
        %add3A_1168 = arith.addf %mul3A_1166, %mul3A_1167 : vector<16xf32>
        %mul3A_1169 = arith.mulf %bitcast3A_430, %get3A_1073 : vector<16xf32>
        %add3A_1170 = arith.addf %add3A_1168, %mul3A_1169 : vector<16xf32>
        %mul3A_1171 = arith.constant -2.000000e+00 : f32
        %mul3A_1172 = vector.broadcast %mul3A_1171 : f32 to vector<16xf32>
        %mul3A_1173 = arith.mulf %mul3A_1172, %add3A_1170 : vector<16xf32>
        %add3A_1174 = arith.addf %mul3A_1173, %add3A_373 : vector<16xf32>
        %add3A_1175 = arith.addf %add3A_1174, %get3A_1075 : vector<16xf32>
        %le3A_1176 = arith.constant 4.000000e-02 : f32
        %le3A_1177 = vector.broadcast %le3A_1176 : f32 to vector<16xf32>
        %le3A_1178 = arith.cmpf ole, %add3A_1175, %le3A_1177 : vector<16xf32>
        %masked_cumsum3A_1179 = tpu.scan <sum>, %broadcast_in_dim3A_35 masked %le3A_1178 : vector<16xi32>, vector<16xi1> -> vector<16xi32>
        %add3A_1180 = arith.addi %add3A_999, %masked_cumsum3A_1179 : vector<16xi32>
        %le3A_1181 = arith.constant 32 : i32
        %le3A_1182 = vector.broadcast %le3A_1181 : i32 to vector<16xi32>
        %le3A_1183 = arith.cmpi sle, %add3A_1180, %le3A_1182 : vector<16xi32>
        %and3A_1184 = arith.andi %le3A_1178, %le3A_1183 : vector<16xi1>
        %add3A_1185 = arith.addi %add3A_1180, %add3A_385 : vector<16xi32>
        tpu.vector_store_idx %arg7[%add3A_1185], %add3A_1077 masked %and3A_1184 : memref<16384xi32, #tpu.memory_space<vmem>>[vector<16xi32>], vector<16xi32>, vector<16xi1>
        %all_reduce_population_count3A_1186 = tpu.all_reduce %le3A_1178 {dim = 0 : i64, kind = #tpu.reduction_kind<sum>} : vector<16xi1> -> vector<16xi32>
        %add3A_1187 = arith.addi %add3A_999, %all_reduce_population_count3A_1186 : vector<16xi32>
        %mul3A_1188 = arith.mulf %bitcast3A_477, %get3A_1069 : vector<16xf32>
        %mul3A_1189 = arith.mulf %bitcast3A_492, %get3A_1071 : vector<16xf32>
        %add3A_1190 = arith.addf %mul3A_1188, %mul3A_1189 : vector<16xf32>
        %mul3A_1191 = arith.mulf %bitcast3A_507, %get3A_1073 : vector<16xf32>
        %add3A_1192 = arith.addf %add3A_1190, %mul3A_1191 : vector<16xf32>
        %mul3A_1193 = arith.constant -2.000000e+00 : f32
        %mul3A_1194 = vector.broadcast %mul3A_1193 : f32 to vector<16xf32>
        %mul3A_1195 = arith.mulf %mul3A_1194, %add3A_1192 : vector<16xf32>
        %add3A_1196 = arith.addf %mul3A_1195, %add3A_450 : vector<16xf32>
        %add3A_1197 = arith.addf %add3A_1196, %get3A_1075 : vector<16xf32>
        %le3A_1198 = arith.constant 4.000000e-02 : f32
        %le3A_1199 = vector.broadcast %le3A_1198 : f32 to vector<16xf32>
        %le3A_1200 = arith.cmpf ole, %add3A_1197, %le3A_1199 : vector<16xf32>
        %masked_cumsum3A_1201 = tpu.scan <sum>, %broadcast_in_dim3A_35 masked %le3A_1200 : vector<16xi32>, vector<16xi1> -> vector<16xi32>
        %add3A_1202 = arith.addi %add3A_1021, %masked_cumsum3A_1201 : vector<16xi32>
        %le3A_1203 = arith.constant 32 : i32
        %le3A_1204 = vector.broadcast %le3A_1203 : i32 to vector<16xi32>
        %le3A_1205 = arith.cmpi sle, %add3A_1202, %le3A_1204 : vector<16xi32>
        %and3A_1206 = arith.andi %le3A_1200, %le3A_1205 : vector<16xi1>
        %add3A_1207 = arith.addi %add3A_1202, %add3A_462 : vector<16xi32>
        tpu.vector_store_idx %arg7[%add3A_1207], %add3A_1077 masked %and3A_1206 : memref<16384xi32, #tpu.memory_space<vmem>>[vector<16xi32>], vector<16xi32>, vector<16xi1>
        %all_reduce_population_count3A_1208 = tpu.all_reduce %le3A_1200 {dim = 0 : i64, kind = #tpu.reduction_kind<sum>} : vector<16xi1> -> vector<16xi32>
        %add3A_1209 = arith.addi %add3A_1021, %all_reduce_population_count3A_1208 : vector<16xi32>
        %mul3A_1210 = arith.mulf %bitcast3A_554, %get3A_1069 : vector<16xf32>
        %mul3A_1211 = arith.mulf %bitcast3A_569, %get3A_1071 : vector<16xf32>
        %add3A_1212 = arith.addf %mul3A_1210, %mul3A_1211 : vector<16xf32>
        %mul3A_1213 = arith.mulf %bitcast3A_584, %get3A_1073 : vector<16xf32>
        %add3A_1214 = arith.addf %add3A_1212, %mul3A_1213 : vector<16xf32>
        %mul3A_1215 = arith.constant -2.000000e+00 : f32
        %mul3A_1216 = vector.broadcast %mul3A_1215 : f32 to vector<16xf32>
        %mul3A_1217 = arith.mulf %mul3A_1216, %add3A_1214 : vector<16xf32>
        %add3A_1218 = arith.addf %mul3A_1217, %add3A_527 : vector<16xf32>
        %add3A_1219 = arith.addf %add3A_1218, %get3A_1075 : vector<16xf32>
        %le3A_1220 = arith.constant 4.000000e-02 : f32
        %le3A_1221 = vector.broadcast %le3A_1220 : f32 to vector<16xf32>
        %le3A_1222 = arith.cmpf ole, %add3A_1219, %le3A_1221 : vector<16xf32>
        %masked_cumsum3A_1223 = tpu.scan <sum>, %broadcast_in_dim3A_35 masked %le3A_1222 : vector<16xi32>, vector<16xi1> -> vector<16xi32>
        %add3A_1224 = arith.addi %add3A_1043, %masked_cumsum3A_1223 : vector<16xi32>
        %le3A_1225 = arith.constant 32 : i32
        %le3A_1226 = vector.broadcast %le3A_1225 : i32 to vector<16xi32>
        %le3A_1227 = arith.cmpi sle, %add3A_1224, %le3A_1226 : vector<16xi32>
        %and3A_1228 = arith.andi %le3A_1222, %le3A_1227 : vector<16xi1>
        %add3A_1229 = arith.addi %add3A_1224, %add3A_539 : vector<16xi32>
        tpu.vector_store_idx %arg7[%add3A_1229], %add3A_1077 masked %and3A_1228 : memref<16384xi32, #tpu.memory_space<vmem>>[vector<16xi32>], vector<16xi32>, vector<16xi1>
        %all_reduce_population_count3A_1230 = tpu.all_reduce %le3A_1222 {dim = 0 : i64, kind = #tpu.reduction_kind<sum>} : vector<16xi1> -> vector<16xi32>
        %add3A_1231 = arith.addi %add3A_1043, %all_reduce_population_count3A_1230 : vector<16xi32>
        %mul3A_1232 = arith.mulf %bitcast3A_631, %get3A_1069 : vector<16xf32>
        %mul3A_1233 = arith.mulf %bitcast3A_646, %get3A_1071 : vector<16xf32>
        %add3A_1234 = arith.addf %mul3A_1232, %mul3A_1233 : vector<16xf32>
        %mul3A_1235 = arith.mulf %bitcast3A_661, %get3A_1073 : vector<16xf32>
        %add3A_1236 = arith.addf %add3A_1234, %mul3A_1235 : vector<16xf32>
        %mul3A_1237 = arith.constant -2.000000e+00 : f32
        %mul3A_1238 = vector.broadcast %mul3A_1237 : f32 to vector<16xf32>
        %mul3A_1239 = arith.mulf %mul3A_1238, %add3A_1236 : vector<16xf32>
        %add3A_1240 = arith.addf %mul3A_1239, %add3A_604 : vector<16xf32>
        %add3A_1241 = arith.addf %add3A_1240, %get3A_1075 : vector<16xf32>
        %le3A_1242 = arith.constant 4.000000e-02 : f32
        %le3A_1243 = vector.broadcast %le3A_1242 : f32 to vector<16xf32>
        %le3A_1244 = arith.cmpf ole, %add3A_1241, %le3A_1243 : vector<16xf32>
        %masked_cumsum3A_1245 = tpu.scan <sum>, %broadcast_in_dim3A_35 masked %le3A_1244 : vector<16xi32>, vector<16xi1> -> vector<16xi32>
        %add3A_1246 = arith.addi %add3A_1065, %masked_cumsum3A_1245 : vector<16xi32>
        %le3A_1247 = arith.constant 32 : i32
        %le3A_1248 = vector.broadcast %le3A_1247 : i32 to vector<16xi32>
        %le3A_1249 = arith.cmpi sle, %add3A_1246, %le3A_1248 : vector<16xi32>
        %and3A_1250 = arith.andi %le3A_1244, %le3A_1249 : vector<16xi1>
        %add3A_1251 = arith.addi %add3A_1246, %add3A_616 : vector<16xi32>
        tpu.vector_store_idx %arg7[%add3A_1251], %add3A_1077 masked %and3A_1250 : memref<16384xi32, #tpu.memory_space<vmem>>[vector<16xi32>], vector<16xi32>, vector<16xi1>
        %all_reduce_population_count3A_1252 = tpu.all_reduce %le3A_1244 {dim = 0 : i64, kind = #tpu.reduction_kind<sum>} : vector<16xi1> -> vector<16xi32>
        %add3A_1253 = arith.addi %add3A_1065, %all_reduce_population_count3A_1252 : vector<16xi32>
        %ge3A = arith.constant 32 : i32
        %ge3A_1254 = vector.broadcast %ge3A : i32 to vector<16xi32>
        %ge3A_1255 = arith.cmpi sge, %add3A_1099, %ge3A_1254 : vector<16xi32>
        %reduce_or3A = arith.constant 1.000000e+00 : f32
        %reduce_or3A_1256 = arith.constant 0.000000e+00 : f32
        %reduce_or3A_1257 = vector.broadcast %reduce_or3A : f32 to vector<16xf32>
        %reduce_or3A_1258 = vector.broadcast %reduce_or3A_1256 : f32 to vector<16xf32>
        %reduce_or3A_1259 = arith.select %ge3A_1255, %reduce_or3A_1257, %reduce_or3A_1258 : vector<16xi1>, vector<16xf32>
        %reduce_or3A_1260 = arith.constant true
        %reduce_or3A_1261 = vector.broadcast %reduce_or3A_1260 : i1 to vector<16xi1>
        %reduce_or3A_1262 = tpu.scan <max>, %reduce_or3A_1259 masked %reduce_or3A_1261 : vector<16xf32>, vector<16xi1> -> vector<16xf32>
        %reduce_or3A_1263 = vector.extract %reduce_or3A_1262[15] : f32 from vector<16xf32>
        %reduce_or3A_1264 = arith.constant 0.000000e+00 : f32
        %reduce_or3A_1265 = arith.cmpf ogt, %reduce_or3A_1263, %reduce_or3A_1264 : f32
        %ge3A_1266 = arith.constant 32 : i32
        %ge3A_1267 = vector.broadcast %ge3A_1266 : i32 to vector<16xi32>
        %ge3A_1268 = arith.cmpi sge, %add3A_1121, %ge3A_1267 : vector<16xi32>
        %reduce_or3A_1269 = arith.constant 1.000000e+00 : f32
        %reduce_or3A_1270 = arith.constant 0.000000e+00 : f32
        %reduce_or3A_1271 = vector.broadcast %reduce_or3A_1269 : f32 to vector<16xf32>
        %reduce_or3A_1272 = vector.broadcast %reduce_or3A_1270 : f32 to vector<16xf32>
        %reduce_or3A_1273 = arith.select %ge3A_1268, %reduce_or3A_1271, %reduce_or3A_1272 : vector<16xi1>, vector<16xf32>
        %reduce_or3A_1274 = arith.constant true
        %reduce_or3A_1275 = vector.broadcast %reduce_or3A_1274 : i1 to vector<16xi1>
        %reduce_or3A_1276 = tpu.scan <max>, %reduce_or3A_1273 masked %reduce_or3A_1275 : vector<16xf32>, vector<16xi1> -> vector<16xf32>
        %reduce_or3A_1277 = vector.extract %reduce_or3A_1276[15] : f32 from vector<16xf32>
        %reduce_or3A_1278 = arith.constant 0.000000e+00 : f32
        %reduce_or3A_1279 = arith.cmpf ogt, %reduce_or3A_1277, %reduce_or3A_1278 : f32
        %and3A_1280 = arith.andi %reduce_or3A_1265, %reduce_or3A_1279 : i1
        %ge3A_1281 = arith.constant 32 : i32
        %ge3A_1282 = vector.broadcast %ge3A_1281 : i32 to vector<16xi32>
        %ge3A_1283 = arith.cmpi sge, %add3A_1143, %ge3A_1282 : vector<16xi32>
        %reduce_or3A_1284 = arith.constant 1.000000e+00 : f32
        %reduce_or3A_1285 = arith.constant 0.000000e+00 : f32
        %reduce_or3A_1286 = vector.broadcast %reduce_or3A_1284 : f32 to vector<16xf32>
        %reduce_or3A_1287 = vector.broadcast %reduce_or3A_1285 : f32 to vector<16xf32>
        %reduce_or3A_1288 = arith.select %ge3A_1283, %reduce_or3A_1286, %reduce_or3A_1287 : vector<16xi1>, vector<16xf32>
        %reduce_or3A_1289 = arith.constant true
        %reduce_or3A_1290 = vector.broadcast %reduce_or3A_1289 : i1 to vector<16xi1>
        %reduce_or3A_1291 = tpu.scan <max>, %reduce_or3A_1288 masked %reduce_or3A_1290 : vector<16xf32>, vector<16xi1> -> vector<16xf32>
        %reduce_or3A_1292 = vector.extract %reduce_or3A_1291[15] : f32 from vector<16xf32>
        %reduce_or3A_1293 = arith.constant 0.000000e+00 : f32
        %reduce_or3A_1294 = arith.cmpf ogt, %reduce_or3A_1292, %reduce_or3A_1293 : f32
        %and3A_1295 = arith.andi %and3A_1280, %reduce_or3A_1294 : i1
        %ge3A_1296 = arith.constant 32 : i32
        %ge3A_1297 = vector.broadcast %ge3A_1296 : i32 to vector<16xi32>
        %ge3A_1298 = arith.cmpi sge, %add3A_1165, %ge3A_1297 : vector<16xi32>
        %reduce_or3A_1299 = arith.constant 1.000000e+00 : f32
        %reduce_or3A_1300 = arith.constant 0.000000e+00 : f32
        %reduce_or3A_1301 = vector.broadcast %reduce_or3A_1299 : f32 to vector<16xf32>
        %reduce_or3A_1302 = vector.broadcast %reduce_or3A_1300 : f32 to vector<16xf32>
        %reduce_or3A_1303 = arith.select %ge3A_1298, %reduce_or3A_1301, %reduce_or3A_1302 : vector<16xi1>, vector<16xf32>
        %reduce_or3A_1304 = arith.constant true
        %reduce_or3A_1305 = vector.broadcast %reduce_or3A_1304 : i1 to vector<16xi1>
        %reduce_or3A_1306 = tpu.scan <max>, %reduce_or3A_1303 masked %reduce_or3A_1305 : vector<16xf32>, vector<16xi1> -> vector<16xf32>
        %reduce_or3A_1307 = vector.extract %reduce_or3A_1306[15] : f32 from vector<16xf32>
        %reduce_or3A_1308 = arith.constant 0.000000e+00 : f32
        %reduce_or3A_1309 = arith.cmpf ogt, %reduce_or3A_1307, %reduce_or3A_1308 : f32
        %and3A_1310 = arith.andi %and3A_1295, %reduce_or3A_1309 : i1
        %ge3A_1311 = arith.constant 32 : i32
        %ge3A_1312 = vector.broadcast %ge3A_1311 : i32 to vector<16xi32>
        %ge3A_1313 = arith.cmpi sge, %add3A_1187, %ge3A_1312 : vector<16xi32>
        %reduce_or3A_1314 = arith.constant 1.000000e+00 : f32
        %reduce_or3A_1315 = arith.constant 0.000000e+00 : f32
        %reduce_or3A_1316 = vector.broadcast %reduce_or3A_1314 : f32 to vector<16xf32>
        %reduce_or3A_1317 = vector.broadcast %reduce_or3A_1315 : f32 to vector<16xf32>
        %reduce_or3A_1318 = arith.select %ge3A_1313, %reduce_or3A_1316, %reduce_or3A_1317 : vector<16xi1>, vector<16xf32>
        %reduce_or3A_1319 = arith.constant true
        %reduce_or3A_1320 = vector.broadcast %reduce_or3A_1319 : i1 to vector<16xi1>
        %reduce_or3A_1321 = tpu.scan <max>, %reduce_or3A_1318 masked %reduce_or3A_1320 : vector<16xf32>, vector<16xi1> -> vector<16xf32>
        %reduce_or3A_1322 = vector.extract %reduce_or3A_1321[15] : f32 from vector<16xf32>
        %reduce_or3A_1323 = arith.constant 0.000000e+00 : f32
        %reduce_or3A_1324 = arith.cmpf ogt, %reduce_or3A_1322, %reduce_or3A_1323 : f32
        %and3A_1325 = arith.andi %and3A_1310, %reduce_or3A_1324 : i1
        %ge3A_1326 = arith.constant 32 : i32
        %ge3A_1327 = vector.broadcast %ge3A_1326 : i32 to vector<16xi32>
        %ge3A_1328 = arith.cmpi sge, %add3A_1209, %ge3A_1327 : vector<16xi32>
        %reduce_or3A_1329 = arith.constant 1.000000e+00 : f32
        %reduce_or3A_1330 = arith.constant 0.000000e+00 : f32
        %reduce_or3A_1331 = vector.broadcast %reduce_or3A_1329 : f32 to vector<16xf32>
        %reduce_or3A_1332 = vector.broadcast %reduce_or3A_1330 : f32 to vector<16xf32>
        %reduce_or3A_1333 = arith.select %ge3A_1328, %reduce_or3A_1331, %reduce_or3A_1332 : vector<16xi1>, vector<16xf32>
        %reduce_or3A_1334 = arith.constant true
        %reduce_or3A_1335 = vector.broadcast %reduce_or3A_1334 : i1 to vector<16xi1>
        %reduce_or3A_1336 = tpu.scan <max>, %reduce_or3A_1333 masked %reduce_or3A_1335 : vector<16xf32>, vector<16xi1> -> vector<16xf32>
        %reduce_or3A_1337 = vector.extract %reduce_or3A_1336[15] : f32 from vector<16xf32>
        %reduce_or3A_1338 = arith.constant 0.000000e+00 : f32
        %reduce_or3A_1339 = arith.cmpf ogt, %reduce_or3A_1337, %reduce_or3A_1338 : f32
        %and3A_1340 = arith.andi %and3A_1325, %reduce_or3A_1339 : i1
        %ge3A_1341 = arith.constant 32 : i32
        %ge3A_1342 = vector.broadcast %ge3A_1341 : i32 to vector<16xi32>
        %ge3A_1343 = arith.cmpi sge, %add3A_1231, %ge3A_1342 : vector<16xi32>
        %reduce_or3A_1344 = arith.constant 1.000000e+00 : f32
        %reduce_or3A_1345 = arith.constant 0.000000e+00 : f32
        %reduce_or3A_1346 = vector.broadcast %reduce_or3A_1344 : f32 to vector<16xf32>
        %reduce_or3A_1347 = vector.broadcast %reduce_or3A_1345 : f32 to vector<16xf32>
        %reduce_or3A_1348 = arith.select %ge3A_1343, %reduce_or3A_1346, %reduce_or3A_1347 : vector<16xi1>, vector<16xf32>
        %reduce_or3A_1349 = arith.constant true
        %reduce_or3A_1350 = vector.broadcast %reduce_or3A_1349 : i1 to vector<16xi1>
        %reduce_or3A_1351 = tpu.scan <max>, %reduce_or3A_1348 masked %reduce_or3A_1350 : vector<16xf32>, vector<16xi1> -> vector<16xf32>
        %reduce_or3A_1352 = vector.extract %reduce_or3A_1351[15] : f32 from vector<16xf32>
        %reduce_or3A_1353 = arith.constant 0.000000e+00 : f32
        %reduce_or3A_1354 = arith.cmpf ogt, %reduce_or3A_1352, %reduce_or3A_1353 : f32
        %and3A_1355 = arith.andi %and3A_1340, %reduce_or3A_1354 : i1
        %ge3A_1356 = arith.constant 32 : i32
        %ge3A_1357 = vector.broadcast %ge3A_1356 : i32 to vector<16xi32>
        %ge3A_1358 = arith.cmpi sge, %add3A_1253, %ge3A_1357 : vector<16xi32>
        %reduce_or3A_1359 = arith.constant 1.000000e+00 : f32
        %reduce_or3A_1360 = arith.constant 0.000000e+00 : f32
        %reduce_or3A_1361 = vector.broadcast %reduce_or3A_1359 : f32 to vector<16xf32>
        %reduce_or3A_1362 = vector.broadcast %reduce_or3A_1360 : f32 to vector<16xf32>
        %reduce_or3A_1363 = arith.select %ge3A_1358, %reduce_or3A_1361, %reduce_or3A_1362 : vector<16xi1>, vector<16xf32>
        %reduce_or3A_1364 = arith.constant true
        %reduce_or3A_1365 = vector.broadcast %reduce_or3A_1364 : i1 to vector<16xi1>
        %reduce_or3A_1366 = tpu.scan <max>, %reduce_or3A_1363 masked %reduce_or3A_1365 : vector<16xf32>, vector<16xi1> -> vector<16xf32>
        %reduce_or3A_1367 = vector.extract %reduce_or3A_1366[15] : f32 from vector<16xf32>
        %reduce_or3A_1368 = arith.constant 0.000000e+00 : f32
        %reduce_or3A_1369 = arith.cmpf ogt, %reduce_or3A_1367, %reduce_or3A_1368 : f32
        %and3A_1370 = arith.andi %and3A_1355, %reduce_or3A_1369 : i1
        %add3A_1371 = arith.constant 32 : i32
        %add3A_1372 = arith.addi %while3A_871, %add3A_1371 : i32
        scf.yield %add3A_1372, %add3A_1099, %add3A_1121, %add3A_1143, %add3A_1165, %add3A_1187, %add3A_1209, %add3A_1231, %add3A_1253, %and3A_1370 : i32, vector<16xi32>, vector<16xi32>, vector<16xi32>, vector<16xi32>, vector<16xi32>, vector<16xi32>, vector<16xi32>, vector<16xi32>, i1
      }
      %mul3A_680 = arith.constant 8 : i32
      %mul3A_681 = arith.muli %mul3A_680, %scan3A_49 : i32
      %add3A_682 = arith.constant 0 : i32
      %add3A_683 = arith.addi %mul3A_681, %add3A_682 : i32
      %mul3A_684 = arith.constant 32 : i32
      %mul3A_685 = arith.muli %add3A_683, %mul3A_684 : i32
      %broadcast_in_dim3A_686 = vector.broadcast %mul3A_685 : i32 to vector<16xi32>
      %gather3A_687 = tpu.vector_load_idx %arg7[%broadcast_in_dim3A_686] : memref<16384xi32, #tpu.memory_space<vmem>>[vector<16xi32>], vector<16xi32>,
      %get3A = arith.index_cast %mul3A_685 : i32 to index
      %get3A_688 = tpu.vector_load %arg7[%get3A] {strides = array<i32>} : memref<16384xi32, #tpu.memory_space<vmem>>, vector<16xi32>,
      %add3A_689 = arith.constant 16 : i32
      %add3A_690 = arith.addi %mul3A_685, %add3A_689 : i32
      %get3A_691 = arith.index_cast %add3A_690 : i32 to index
      %get3A_692 = tpu.vector_load %arg7[%get3A_691] {strides = array<i32>} : memref<16384xi32, #tpu.memory_space<vmem>>, vector<16xi32>,
      %eq3A_693 = arith.cmpi eq, %get3A_688, %broadcast_in_dim3A_33 : vector<16xi32>
      %select_n3A_694 = arith.select %eq3A_693, %gather3A_687, %get3A_688 : vector<16xi1>, vector<16xi32>
      %swap3A_695 = arith.index_cast %mul3A_685 : i32 to index
      %swap3A_696 = tpu.vector_load %arg7[%swap3A_695] {strides = array<i32>} : memref<16384xi32, #tpu.memory_space<vmem>>, vector<16xi32>,
      tpu.vector_store %arg7[%swap3A_695], %select_n3A_694 {strides = array<i32>} : memref<16384xi32, #tpu.memory_space<vmem>>, vector<16xi32>,
      %eq3A_697 = arith.cmpi eq, %get3A_692, %broadcast_in_dim3A_33 : vector<16xi32>
      %select_n3A_698 = arith.select %eq3A_697, %gather3A_687, %get3A_692 : vector<16xi1>, vector<16xi32>
      %add3A_699 = arith.constant 16 : i32
      %add3A_700 = arith.addi %mul3A_685, %add3A_699 : i32
      %swap3A_701 = arith.index_cast %add3A_700 : i32 to index
      %swap3A_702 = tpu.vector_load %arg7[%swap3A_701] {strides = array<i32>} : memref<16384xi32, #tpu.memory_space<vmem>>, vector<16xi32>,
      tpu.vector_store %arg7[%swap3A_701], %select_n3A_698 {strides = array<i32>} : memref<16384xi32, #tpu.memory_space<vmem>>, vector<16xi32>,
      %mul3A_703 = arith.constant 8 : i32
      %mul3A_704 = arith.muli %mul3A_703, %scan3A_49 : i32
      %add3A_705 = arith.constant 1 : i32
      %add3A_706 = arith.addi %mul3A_704, %add3A_705 : i32
      %mul3A_707 = arith.constant 32 : i32
      %mul3A_708 = arith.muli %add3A_706, %mul3A_707 : i32
      %broadcast_in_dim3A_709 = vector.broadcast %mul3A_708 : i32 to vector<16xi32>
      %gather3A_710 = tpu.vector_load_idx %arg7[%broadcast_in_dim3A_709] : memref<16384xi32, #tpu.memory_space<vmem>>[vector<16xi32>], vector<16xi32>,
      %get3A_711 = arith.index_cast %mul3A_708 : i32 to index
      %get3A_712 = tpu.vector_load %arg7[%get3A_711] {strides = array<i32>} : memref<16384xi32, #tpu.memory_space<vmem>>, vector<16xi32>,
      %add3A_713 = arith.constant 16 : i32
      %add3A_714 = arith.addi %mul3A_708, %add3A_713 : i32
      %get3A_715 = arith.index_cast %add3A_714 : i32 to index
      %get3A_716 = tpu.vector_load %arg7[%get3A_715] {strides = array<i32>} : memref<16384xi32, #tpu.memory_space<vmem>>, vector<16xi32>,
      %eq3A_717 = arith.cmpi eq, %get3A_712, %broadcast_in_dim3A_33 : vector<16xi32>
      %select_n3A_718 = arith.select %eq3A_717, %gather3A_710, %get3A_712 : vector<16xi1>, vector<16xi32>
      %swap3A_719 = arith.index_cast %mul3A_708 : i32 to index
      %swap3A_720 = tpu.vector_load %arg7[%swap3A_719] {strides = array<i32>} : memref<16384xi32, #tpu.memory_space<vmem>>, vector<16xi32>,
      tpu.vector_store %arg7[%swap3A_719], %select_n3A_718 {strides = array<i32>} : memref<16384xi32, #tpu.memory_space<vmem>>, vector<16xi32>,
      %eq3A_721 = arith.cmpi eq, %get3A_716, %broadcast_in_dim3A_33 : vector<16xi32>
      %select_n3A_722 = arith.select %eq3A_721, %gather3A_710, %get3A_716 : vector<16xi1>, vector<16xi32>
      %add3A_723 = arith.constant 16 : i32
      %add3A_724 = arith.addi %mul3A_708, %add3A_723 : i32
      %swap3A_725 = arith.index_cast %add3A_724 : i32 to index
      %swap3A_726 = tpu.vector_load %arg7[%swap3A_725] {strides = array<i32>} : memref<16384xi32, #tpu.memory_space<vmem>>, vector<16xi32>,
      tpu.vector_store %arg7[%swap3A_725], %select_n3A_722 {strides = array<i32>} : memref<16384xi32, #tpu.memory_space<vmem>>, vector<16xi32>,
      %mul3A_727 = arith.constant 8 : i32
      %mul3A_728 = arith.muli %mul3A_727, %scan3A_49 : i32
      %add3A_729 = arith.constant 2 : i32
      %add3A_730 = arith.addi %mul3A_728, %add3A_729 : i32
      %mul3A_731 = arith.constant 32 : i32
      %mul3A_732 = arith.muli %add3A_730, %mul3A_731 : i32
      %broadcast_in_dim3A_733 = vector.broadcast %mul3A_732 : i32 to vector<16xi32>
      %gather3A_734 = tpu.vector_load_idx %arg7[%broadcast_in_dim3A_733] : memref<16384xi32, #tpu.memory_space<vmem>>[vector<16xi32>], vector<16xi32>,
      %get3A_735 = arith.index_cast %mul3A_732 : i32 to index
      %get3A_736 = tpu.vector_load %arg7[%get3A_735] {strides = array<i32>} : memref<16384xi32, #tpu.memory_space<vmem>>, vector<16xi32>,
      %add3A_737 = arith.constant 16 : i32
      %add3A_738 = arith.addi %mul3A_732, %add3A_737 : i32
      %get3A_739 = arith.index_cast %add3A_738 : i32 to index
      %get3A_740 = tpu.vector_load %arg7[%get3A_739] {strides = array<i32>} : memref<16384xi32, #tpu.memory_space<vmem>>, vector<16xi32>,
      %eq3A_741 = arith.cmpi eq, %get3A_736, %broadcast_in_dim3A_33 : vector<16xi32>
      %select_n3A_742 = arith.select %eq3A_741, %gather3A_734, %get3A_736 : vector<16xi1>, vector<16xi32>
      %swap3A_743 = arith.index_cast %mul3A_732 : i32 to index
      %swap3A_744 = tpu.vector_load %arg7[%swap3A_743] {strides = array<i32>} : memref<16384xi32, #tpu.memory_space<vmem>>, vector<16xi32>,
      tpu.vector_store %arg7[%swap3A_743], %select_n3A_742 {strides = array<i32>} : memref<16384xi32, #tpu.memory_space<vmem>>, vector<16xi32>,
      %eq3A_745 = arith.cmpi eq, %get3A_740, %broadcast_in_dim3A_33 : vector<16xi32>
      %select_n3A_746 = arith.select %eq3A_745, %gather3A_734, %get3A_740 : vector<16xi1>, vector<16xi32>
      %add3A_747 = arith.constant 16 : i32
      %add3A_748 = arith.addi %mul3A_732, %add3A_747 : i32
      %swap3A_749 = arith.index_cast %add3A_748 : i32 to index
      %swap3A_750 = tpu.vector_load %arg7[%swap3A_749] {strides = array<i32>} : memref<16384xi32, #tpu.memory_space<vmem>>, vector<16xi32>,
      tpu.vector_store %arg7[%swap3A_749], %select_n3A_746 {strides = array<i32>} : memref<16384xi32, #tpu.memory_space<vmem>>, vector<16xi32>,
      %mul3A_751 = arith.constant 8 : i32
      %mul3A_752 = arith.muli %mul3A_751, %scan3A_49 : i32
      %add3A_753 = arith.constant 3 : i32
      %add3A_754 = arith.addi %mul3A_752, %add3A_753 : i32
      %mul3A_755 = arith.constant 32 : i32
      %mul3A_756 = arith.muli %add3A_754, %mul3A_755 : i32
      %broadcast_in_dim3A_757 = vector.broadcast %mul3A_756 : i32 to vector<16xi32>
      %gather3A_758 = tpu.vector_load_idx %arg7[%broadcast_in_dim3A_757] : memref<16384xi32, #tpu.memory_space<vmem>>[vector<16xi32>], vector<16xi32>,
      %get3A_759 = arith.index_cast %mul3A_756 : i32 to index
      %get3A_760 = tpu.vector_load %arg7[%get3A_759] {strides = array<i32>} : memref<16384xi32, #tpu.memory_space<vmem>>, vector<16xi32>,
      %add3A_761 = arith.constant 16 : i32
      %add3A_762 = arith.addi %mul3A_756, %add3A_761 : i32
      %get3A_763 = arith.index_cast %add3A_762 : i32 to index
      %get3A_764 = tpu.vector_load %arg7[%get3A_763] {strides = array<i32>} : memref<16384xi32, #tpu.memory_space<vmem>>, vector<16xi32>,
      %eq3A_765 = arith.cmpi eq, %get3A_760, %broadcast_in_dim3A_33 : vector<16xi32>
      %select_n3A_766 = arith.select %eq3A_765, %gather3A_758, %get3A_760 : vector<16xi1>, vector<16xi32>
      %swap3A_767 = arith.index_cast %mul3A_756 : i32 to index
      %swap3A_768 = tpu.vector_load %arg7[%swap3A_767] {strides = array<i32>} : memref<16384xi32, #tpu.memory_space<vmem>>, vector<16xi32>,
      tpu.vector_store %arg7[%swap3A_767], %select_n3A_766 {strides = array<i32>} : memref<16384xi32, #tpu.memory_space<vmem>>, vector<16xi32>,
      %eq3A_769 = arith.cmpi eq, %get3A_764, %broadcast_in_dim3A_33 : vector<16xi32>
      %select_n3A_770 = arith.select %eq3A_769, %gather3A_758, %get3A_764 : vector<16xi1>, vector<16xi32>
      %add3A_771 = arith.constant 16 : i32
      %add3A_772 = arith.addi %mul3A_756, %add3A_771 : i32
      %swap3A_773 = arith.index_cast %add3A_772 : i32 to index
      %swap3A_774 = tpu.vector_load %arg7[%swap3A_773] {strides = array<i32>} : memref<16384xi32, #tpu.memory_space<vmem>>, vector<16xi32>,
      tpu.vector_store %arg7[%swap3A_773], %select_n3A_770 {strides = array<i32>} : memref<16384xi32, #tpu.memory_space<vmem>>, vector<16xi32>,
      %mul3A_775 = arith.constant 8 : i32
      %mul3A_776 = arith.muli %mul3A_775, %scan3A_49 : i32
      %add3A_777 = arith.constant 4 : i32
      %add3A_778 = arith.addi %mul3A_776, %add3A_777 : i32
      %mul3A_779 = arith.constant 32 : i32
      %mul3A_780 = arith.muli %add3A_778, %mul3A_779 : i32
      %broadcast_in_dim3A_781 = vector.broadcast %mul3A_780 : i32 to vector<16xi32>
      %gather3A_782 = tpu.vector_load_idx %arg7[%broadcast_in_dim3A_781] : memref<16384xi32, #tpu.memory_space<vmem>>[vector<16xi32>], vector<16xi32>,
      %get3A_783 = arith.index_cast %mul3A_780 : i32 to index
      %get3A_784 = tpu.vector_load %arg7[%get3A_783] {strides = array<i32>} : memref<16384xi32, #tpu.memory_space<vmem>>, vector<16xi32>,
      %add3A_785 = arith.constant 16 : i32
      %add3A_786 = arith.addi %mul3A_780, %add3A_785 : i32
      %get3A_787 = arith.index_cast %add3A_786 : i32 to index
      %get3A_788 = tpu.vector_load %arg7[%get3A_787] {strides = array<i32>} : memref<16384xi32, #tpu.memory_space<vmem>>, vector<16xi32>,
      %eq3A_789 = arith.cmpi eq, %get3A_784, %broadcast_in_dim3A_33 : vector<16xi32>
      %select_n3A_790 = arith.select %eq3A_789, %gather3A_782, %get3A_784 : vector<16xi1>, vector<16xi32>
      %swap3A_791 = arith.index_cast %mul3A_780 : i32 to index
      %swap3A_792 = tpu.vector_load %arg7[%swap3A_791] {strides = array<i32>} : memref<16384xi32, #tpu.memory_space<vmem>>, vector<16xi32>,
      tpu.vector_store %arg7[%swap3A_791], %select_n3A_790 {strides = array<i32>} : memref<16384xi32, #tpu.memory_space<vmem>>, vector<16xi32>,
      %eq3A_793 = arith.cmpi eq, %get3A_788, %broadcast_in_dim3A_33 : vector<16xi32>
      %select_n3A_794 = arith.select %eq3A_793, %gather3A_782, %get3A_788 : vector<16xi1>, vector<16xi32>
      %add3A_795 = arith.constant 16 : i32
      %add3A_796 = arith.addi %mul3A_780, %add3A_795 : i32
      %swap3A_797 = arith.index_cast %add3A_796 : i32 to index
      %swap3A_798 = tpu.vector_load %arg7[%swap3A_797] {strides = array<i32>} : memref<16384xi32, #tpu.memory_space<vmem>>, vector<16xi32>,
      tpu.vector_store %arg7[%swap3A_797], %select_n3A_794 {strides = array<i32>} : memref<16384xi32, #tpu.memory_space<vmem>>, vector<16xi32>,
      %mul3A_799 = arith.constant 8 : i32
      %mul3A_800 = arith.muli %mul3A_799, %scan3A_49 : i32
      %add3A_801 = arith.constant 5 : i32
      %add3A_802 = arith.addi %mul3A_800, %add3A_801 : i32
      %mul3A_803 = arith.constant 32 : i32
      %mul3A_804 = arith.muli %add3A_802, %mul3A_803 : i32
      %broadcast_in_dim3A_805 = vector.broadcast %mul3A_804 : i32 to vector<16xi32>
      %gather3A_806 = tpu.vector_load_idx %arg7[%broadcast_in_dim3A_805] : memref<16384xi32, #tpu.memory_space<vmem>>[vector<16xi32>], vector<16xi32>,
      %get3A_807 = arith.index_cast %mul3A_804 : i32 to index
      %get3A_808 = tpu.vector_load %arg7[%get3A_807] {strides = array<i32>} : memref<16384xi32, #tpu.memory_space<vmem>>, vector<16xi32>,
      %add3A_809 = arith.constant 16 : i32
      %add3A_810 = arith.addi %mul3A_804, %add3A_809 : i32
      %get3A_811 = arith.index_cast %add3A_810 : i32 to index
      %get3A_812 = tpu.vector_load %arg7[%get3A_811] {strides = array<i32>} : memref<16384xi32, #tpu.memory_space<vmem>>, vector<16xi32>,
      %eq3A_813 = arith.cmpi eq, %get3A_808, %broadcast_in_dim3A_33 : vector<16xi32>
      %select_n3A_814 = arith.select %eq3A_813, %gather3A_806, %get3A_808 : vector<16xi1>, vector<16xi32>
      %swap3A_815 = arith.index_cast %mul3A_804 : i32 to index
      %swap3A_816 = tpu.vector_load %arg7[%swap3A_815] {strides = array<i32>} : memref<16384xi32, #tpu.memory_space<vmem>>, vector<16xi32>,
      tpu.vector_store %arg7[%swap3A_815], %select_n3A_814 {strides = array<i32>} : memref<16384xi32, #tpu.memory_space<vmem>>, vector<16xi32>,
      %eq3A_817 = arith.cmpi eq, %get3A_812, %broadcast_in_dim3A_33 : vector<16xi32>
      %select_n3A_818 = arith.select %eq3A_817, %gather3A_806, %get3A_812 : vector<16xi1>, vector<16xi32>
      %add3A_819 = arith.constant 16 : i32
      %add3A_820 = arith.addi %mul3A_804, %add3A_819 : i32
      %swap3A_821 = arith.index_cast %add3A_820 : i32 to index
      %swap3A_822 = tpu.vector_load %arg7[%swap3A_821] {strides = array<i32>} : memref<16384xi32, #tpu.memory_space<vmem>>, vector<16xi32>,
      tpu.vector_store %arg7[%swap3A_821], %select_n3A_818 {strides = array<i32>} : memref<16384xi32, #tpu.memory_space<vmem>>, vector<16xi32>,
      %mul3A_823 = arith.constant 8 : i32
      %mul3A_824 = arith.muli %mul3A_823, %scan3A_49 : i32
      %add3A_825 = arith.constant 6 : i32
      %add3A_826 = arith.addi %mul3A_824, %add3A_825 : i32
      %mul3A_827 = arith.constant 32 : i32
      %mul3A_828 = arith.muli %add3A_826, %mul3A_827 : i32
      %broadcast_in_dim3A_829 = vector.broadcast %mul3A_828 : i32 to vector<16xi32>
      %gather3A_830 = tpu.vector_load_idx %arg7[%broadcast_in_dim3A_829] : memref<16384xi32, #tpu.memory_space<vmem>>[vector<16xi32>], vector<16xi32>,
      %get3A_831 = arith.index_cast %mul3A_828 : i32 to index
      %get3A_832 = tpu.vector_load %arg7[%get3A_831] {strides = array<i32>} : memref<16384xi32, #tpu.memory_space<vmem>>, vector<16xi32>,
      %add3A_833 = arith.constant 16 : i32
      %add3A_834 = arith.addi %mul3A_828, %add3A_833 : i32
      %get3A_835 = arith.index_cast %add3A_834 : i32 to index
      %get3A_836 = tpu.vector_load %arg7[%get3A_835] {strides = array<i32>} : memref<16384xi32, #tpu.memory_space<vmem>>, vector<16xi32>,
      %eq3A_837 = arith.cmpi eq, %get3A_832, %broadcast_in_dim3A_33 : vector<16xi32>
      %select_n3A_838 = arith.select %eq3A_837, %gather3A_830, %get3A_832 : vector<16xi1>, vector<16xi32>
      %swap3A_839 = arith.index_cast %mul3A_828 : i32 to index
      %swap3A_840 = tpu.vector_load %arg7[%swap3A_839] {strides = array<i32>} : memref<16384xi32, #tpu.memory_space<vmem>>, vector<16xi32>,
      tpu.vector_store %arg7[%swap3A_839], %select_n3A_838 {strides = array<i32>} : memref<16384xi32, #tpu.memory_space<vmem>>, vector<16xi32>,
      %eq3A_841 = arith.cmpi eq, %get3A_836, %broadcast_in_dim3A_33 : vector<16xi32>
      %select_n3A_842 = arith.select %eq3A_841, %gather3A_830, %get3A_836 : vector<16xi1>, vector<16xi32>
      %add3A_843 = arith.constant 16 : i32
      %add3A_844 = arith.addi %mul3A_828, %add3A_843 : i32
      %swap3A_845 = arith.index_cast %add3A_844 : i32 to index
      %swap3A_846 = tpu.vector_load %arg7[%swap3A_845] {strides = array<i32>} : memref<16384xi32, #tpu.memory_space<vmem>>, vector<16xi32>,
      tpu.vector_store %arg7[%swap3A_845], %select_n3A_842 {strides = array<i32>} : memref<16384xi32, #tpu.memory_space<vmem>>, vector<16xi32>,
      %mul3A_847 = arith.constant 8 : i32
      %mul3A_848 = arith.muli %mul3A_847, %scan3A_49 : i32
      %add3A_849 = arith.constant 7 : i32
      %add3A_850 = arith.addi %mul3A_848, %add3A_849 : i32
      %mul3A_851 = arith.constant 32 : i32
      %mul3A_852 = arith.muli %add3A_850, %mul3A_851 : i32
      %broadcast_in_dim3A_853 = vector.broadcast %mul3A_852 : i32 to vector<16xi32>
      %gather3A_854 = tpu.vector_load_idx %arg7[%broadcast_in_dim3A_853] : memref<16384xi32, #tpu.memory_space<vmem>>[vector<16xi32>], vector<16xi32>,
      %get3A_855 = arith.index_cast %mul3A_852 : i32 to index
      %get3A_856 = tpu.vector_load %arg7[%get3A_855] {strides = array<i32>} : memref<16384xi32, #tpu.memory_space<vmem>>, vector<16xi32>,
      %add3A_857 = arith.constant 16 : i32
      %add3A_858 = arith.addi %mul3A_852, %add3A_857 : i32
      %get3A_859 = arith.index_cast %add3A_858 : i32 to index
      %get3A_860 = tpu.vector_load %arg7[%get3A_859] {strides = array<i32>} : memref<16384xi32, #tpu.memory_space<vmem>>, vector<16xi32>,
      %eq3A_861 = arith.cmpi eq, %get3A_856, %broadcast_in_dim3A_33 : vector<16xi32>
      %select_n3A_862 = arith.select %eq3A_861, %gather3A_854, %get3A_856 : vector<16xi1>, vector<16xi32>
      %swap3A_863 = arith.index_cast %mul3A_852 : i32 to index
      %swap3A_864 = tpu.vector_load %arg7[%swap3A_863] {strides = array<i32>} : memref<16384xi32, #tpu.memory_space<vmem>>, vector<16xi32>,
      tpu.vector_store %arg7[%swap3A_863], %select_n3A_862 {strides = array<i32>} : memref<16384xi32, #tpu.memory_space<vmem>>, vector<16xi32>,
      %eq3A_865 = arith.cmpi eq, %get3A_860, %broadcast_in_dim3A_33 : vector<16xi32>
      %select_n3A_866 = arith.select %eq3A_865, %gather3A_854, %get3A_860 : vector<16xi1>, vector<16xi32>
      %add3A_867 = arith.constant 16 : i32
      %add3A_868 = arith.addi %mul3A_852, %add3A_867 : i32
      %swap3A_869 = arith.index_cast %add3A_868 : i32 to index
      %swap3A_870 = tpu.vector_load %arg7[%swap3A_869] {strides = array<i32>} : memref<16384xi32, #tpu.memory_space<vmem>>, vector<16xi32>,
      tpu.vector_store %arg7[%swap3A_869], %select_n3A_866 {strides = array<i32>} : memref<16384xi32, #tpu.memory_space<vmem>>, vector<16xi32>,
    }
    %scan3A_46 = arith.constant 64 : i32
    %mul3A_47 = arith.constant 32 : i32
    %mul3A_48 = arith.muli %mul3A_2, %mul3A_47 : i32
    "tpu.region"() ({
      %run_scoped3A = tpu.sem_alloc : memref<!tpu.dma_semaphore, #tpu.memory_space<semaphore_mem>>
      %dma_start3A = tpu.memref_slice %arg4[%mul3A_48] : memref<524288xi32, #tpu.memory_space<hbm>> -> memref<16384xi32, #tpu.memory_space<hbm>>
      %dma_start3A_49 = tpu.memref_slice %arg4[%mul3A_48] : memref<524288xi32, #tpu.memory_space<hbm>> -> memref<16384xi32, #tpu.memory_space<hbm>>
      tpu.enqueue_dma source(%arg7 : memref<16384xi32, #tpu.memory_space<vmem>>) target(%dma_start3A_49 : memref<16384xi32, #tpu.memory_space<hbm>>) target_semaphore(%run_scoped3A : memref<!tpu.dma_semaphore, #tpu.memory_space<semaphore_mem>>)
      %dma_wait3A = tpu.memref_slice %arg4[%mul3A_48] : memref<524288xi32, #tpu.memory_space<hbm>> -> memref<16384xi32, #tpu.memory_space<hbm>>
      %dma_wait3A_50 = tpu.memref_slice %arg4[%mul3A_48] : memref<524288xi32, #tpu.memory_space<hbm>> -> memref<16384xi32, #tpu.memory_space<hbm>>
      tpu.wait_dma2 semaphore(%run_scoped3A : memref<!tpu.dma_semaphore, #tpu.memory_space<semaphore_mem>>) src(%arg7 : memref<16384xi32, #tpu.memory_space<vmem>>) dst(%dma_wait3A_50 : memref<16384xi32, #tpu.memory_space<hbm>>)
      tpu.yield
    }) : () -> ()
    return
  }
}

</mosaic_0001>

<sc_bundles>
// kernel: gather_offload_async_start.1
scs
__scs_entry_jumppad:
0x0: {  	(pc) =	sbr.rel $0x88, $3  }
0x1: {  	(tag) =	ssettag $0x0;
	lr =	simm.s32 $0x1  }
0x2: {  	[smem:$0x3F9F] =	sst lr;
	_ =	strace $0xD0000000  }
0x3: {  	_ = 	snop  }
0x4: {  	_ = 	snop  }
0x5: {  	_ = 	snop  }
0x6: {  	_ = 	snop  }
0x7: {  	_ = 	snop  }
__scs_overlays_trampoline_lowered:
0x8: {  	[smem:$0x3FAE] =	sst s0  }
0x9: {  	[smem:$0x3FAF] =	sst s1  }
0xa: {  	[smem:$0x3FB0] =	sst s2  }
0xb: {  	[smem:$0x3FB1] =	sst s3  }
0xc: {  	[smem:$0x3FB2] =	sst s4  }
0xd: {  	[smem:$0x3FB3] =	sst s5  }
0xe: {  	[smem:$0x3FB4] =	sst s6  }
0xf: {  	[smem:$0x3FB5] =	sst s7  }
0x10: {  	[smem:$0x3FB6] =	sst s8  }
0x11: {  	[smem:$0x3FB7] =	sst s9;
	s0 =	simm.s32 @!p0 $0x0  }
0x12: {  	s1 =	sld [smem:$0x3F9D];
	s0 =	simm.s32 @p0 $0x1  }
0x13: {  	[smem:$0x3FB8] =	sst s0;
	s0 =	simm.s32 @!p1 $0x0  }
0x14: {  	s2 =	sld [smem:$0x3F9C];
	s0 =	simm.s32 @p1 $0x1  }
0x15: {  	[smem:$0x3FB9] =	sst s0;
	s0 =	simm.s32 @!p2 $0x0  }
0x16: {  	s3 =	sld [smem:$0x3FDB];
	s0 =	simm.s32 @p2 $0x1  }
0x17: {  	s4 =	simm.s32 $0x1BF5;
	[smem:$0x3FBB] =	sst s0  }
0x18: {  	s0 =	sld [smem:$0x3F9E];
	_ =	swait.ge [sflag:s4], $0x0  }
0x19: {  	s7 =	sld [smem:$0x3F9F]  }
0x1a: {  	s8 =	sadd.s32 $0xFFFFE003, lr  }
0x1b: {  	s9 =	sadd.s32 $0xFFFFFEF7, lr;
	s5 =	simm.s32 $0xFFFFFFFF;
	p2 =	slt.u32 s8, $0xFFFFF086  }
0x1c: {  	p1 =	slt.u32 s9, $0xF7A;
	s5 =	simm.s32 @!p2 $0x0  }
0x1d: {  	s5 =	simm.s32 @p1 $0x1;
	p0 =	seq.s32 s7, s2  }
0x1e: {  	s7 =	smul.u32 @!p0 $0xF7A, s2;
	p2 =	seq.s32 @!p0 s5, $0x0  }
0x1f: {  	s9 =	smul.u32 $0xF7A, s1;
	s8 =	simm.s32 @!p0 $0x1BF5;
	p2 =	por !p2, p0  }
0x20: {  	[sflag:s8] =	ssyncset.s32 @!p0 $0xFFFFF086;
	s6 =	sadd.s32 @!p0 s3, s7;
	s7 =	simm.s32 @!p0 $0x108  }
0x21: {  	s3 =	sadd.s32 s3, s9;
	s6 =	sadd.s32 @!p0 $0x88, s6;
	s7 =	simm.s32 @p2 $0x1082  }
0x22: {  	[simem:s7], [sflag:s8] =	dma.local @!p0 [hbm:s6], $0xF7A  }
0x23: {  	s9 =	sor.u32 $0xD0000000, s2;
	s6 =	simm.s32 $0x108;
	_ =	swait.ge @!p0 [sflag:s8], $0x0  }
0x24: {  	s3 =	sadd.s32 $0x88, s3;
	s6 =	simm.s32 @!p1 $0x1082;
	[sflag:s4] =	ssyncset.s32 $0xFFFFF086  }
0x25: {  	[simem:s6], [sflag:s4] =	dma.local [hbm:s3], $0xF7A  }
0x26: {  	[smem:$0x3F9F] =	sst s1;
	(tag) =	ssettag s2;
	_ =	strace s9  }
0x27: {  	s1 =	sld [smem:$0x3FAF]  }
0x28: {  	s2 =	sld [smem:$0x3FB0]  }
0x29: {  	s4 =	sld [smem:$0x3FB2]  }
0x2a: {  	p0 =	seq.s32 s5, $0x0;
	s5 =	sld [smem:$0x3FB3]  }
0x2b: {  	s6 =	sld [smem:$0x3FB4]  }
0x2c: {  	s7 =	sld [smem:$0x3FB5]  }
0x2d: {  	s3 =	simm.s32 $0x108;
	s8 =	sld [smem:$0x3FB6]  }
0x2e: {  	s3 =	simm.s32 @!p0 $0x1082;
	s9 =	sld [smem:$0x3FB7]  }
0x2f: {  	lr =	sadd.s32 s0, s3;
	s0 =	sld [smem:$0x3FAE]  }
0x30: {  	s3 =	sld [smem:$0x3FB1]  }
0x31: {  	[smem:$0x3FBA] =	sst s10  }
0x32: {  	s10 =	sld [smem:$0x3FB8];
	_ =	sdelay $0x3  }
0x33: {  	p0 =	seq.s32 s10, $0x1;
	s10 =	sld [smem:$0x3FBA];
	_ =	sdelay $0x3  }
0x34: {  	[smem:$0x3FBA] =	sst s10  }
0x35: {  	s10 =	sld [smem:$0x3FB9];
	_ =	sdelay $0x3  }
0x36: {  	p1 =	seq.s32 s10, $0x1;
	s10 =	sld [smem:$0x3FBA];
	_ =	sdelay $0x3  }
0x37: {  	[smem:$0x3FBA] =	sst s10  }
0x38: {  	s10 =	sld [smem:$0x3FBB]  }
0x39: {  	_ = 	snop;
	(pc) =	sbr.ind lr, $3  }
0x3a: {  	_ = 	snop  }
0x3b: {  	_ = 	snop  }
0x3c: {  	p2 =	seq.s32 s10, $0x1;
	s10 =	sld [smem:$0x3FBA]  }
0x3d: {  	_ =	shalt  }
0x3e: {  	_ =	shalt  }
0x3f: {  	_ =	shalt  }
0x40: {  	_ =	shalt  }
0x41: {  	_ =	shalt  }
0x42: {  	_ =	shalt  }
0x43: {  	_ =	shalt  }
0x44: {  	_ =	shalt  }
0x45: {  	_ =	shalt  }
0x46: {  	_ =	shalt  }
0x47: {  	_ =	shalt  }
0x48: {  	_ =	shalt  }
0x49: {  	_ =	shalt  }
0x4a: {  	_ =	shalt  }
0x4b: {  	_ =	shalt  }
0x4c: {  	_ =	shalt  }
0x4d: {  	_ =	shalt  }
0x4e: {  	_ =	shalt  }
0x4f: {  	_ =	shalt  }
0x50: {  	_ =	shalt  }
0x51: {  	_ =	shalt  }
0x52: {  	_ =	shalt  }
0x53: {  	_ =	shalt  }
0x54: {  	_ =	shalt  }
0x55: {  	_ =	shalt  }
0x56: {  	_ =	shalt  }
0x57: {  	_ =	shalt  }
0x58: {  	_ =	shalt  }
0x59: {  	_ =	shalt  }
0x5a: {  	_ =	shalt  }
0x5b: {  	_ =	shalt  }
0x5c: {  	_ =	shalt  }
0x5d: {  	_ =	shalt  }
0x5e: {  	_ =	shalt  }
0x5f: {  	_ =	shalt  }
0x60: {  	_ =	shalt  }
0x61: {  	_ =	shalt  }
0x62: {  	_ =	shalt  }
0x63: {  	_ =	shalt  }
0x64: {  	_ =	shalt  }
0x65: {  	_ =	shalt  }
0x66: {  	_ =	shalt  }
0x67: {  	_ =	shalt  }
0x68: {  	_ =	shalt  }
0x69: {  	_ =	shalt  }
0x6a: {  	_ =	shalt  }
0x6b: {  	_ =	shalt  }
0x6c: {  	_ =	shalt  }
0x6d: {  	_ =	shalt  }
0x6e: {  	_ =	shalt  }
0x6f: {  	_ =	shalt  }
0x70: {  	_ =	shalt  }
0x71: {  	_ =	shalt  }
0x72: {  	_ =	shalt  }
0x73: {  	_ =	shalt  }
0x74: {  	_ =	shalt  }
0x75: {  	_ =	shalt  }
0x76: {  	_ =	shalt  }
0x77: {  	_ =	shalt  }
0x78: {  	_ =	shalt  }
0x79: {  	_ =	shalt  }
0x7a: {  	_ =	shalt  }
0x7b: {  	_ =	shalt  }
0x7c: {  	_ =	shalt  }
0x7d: {  	_ =	shalt  }
0x7e: {  	_ =	shalt  }
0x7f: {  	_ =	shalt  }
0x80: {  	_ =	shalt  }
0x81: {  	_ =	shalt  }
0x82: {  	_ =	shalt  }
0x83: {  	_ =	shalt  }
0x84: {  	_ =	shalt  }
0x85: {  	_ =	shalt  }
0x86: {  	_ =	shalt  }
0x87: {  	_ =	shalt  }
.Lfunc_end0:
.L_simem_size_0:
called_computation.1_lowered:
.L_overlay_start_0:
0x88: {  	s2 =	sld [smem:$0x3FD9]  }
0x89: {  	s3 =	sld [smem:$0x3FFE];
	_ =	sdelay $0x1  }
0x8a: {  	s1 =	srdreg.scid  }
0x8b: {  	s0 =	sand.u32 $0x1, s1  }
0x8c: {  	s16 =	sshll.u32 s0, $0xA;
	s2 =	sadd.s32 s3, s2  }
0x8d: {  	s2 =	sadd.s32 s2, s16  }
0x8e: {  	[smem:$0x3FC6] =	sst s2  }
0x8f: {  	_ = 	snop  }
0x90: {  	(tm) =	ssettm $0x1  }
0x91: {  	s17 =	sld [smem:$0x3FFB];
	_ =	sdelay $0x3  }
0x92: {  	_ =	strace s17  }
0x93: {  	s2 =	sld [smem:$0x3FFC];
	_ =	sdelay $0x3  }
0x94: {  	_ =	strace s2  }
0x95: {  	s2 =	sld [smem:$0x3FFD];
	_ =	sdelay $0x3  }
0x96: {  	_ =	strace s2  }
0x97: {  	_ =	strace $0x8FFFFFFF  }
0x98: {  	s18 =	sld [smem:$0x3FDB];
	_ =	sdelay $0x1  }
0x99: {  	s19 =	simm.s32 $_scs_section_size  }
0x9a: {  	s4 =	simm.s32 $_size__tile_overlayer_lowered;
	s5 =	simm.s32 $_tile_overlayer_lowered  }
0x9b: {  	s22 =	simm.s32 $0x1BFF;
	s21 =	sshll.u32 s5, $0x1;
	s2 =	sadd.s32 s19, s18  }
0x9c: {  	s6 =	simm.s32 $0x0;
	s20 =	sshll.u32 s4, $0x1;
	s4 =	sadd.s32 s21, s2  }
0x9d: {  	[timem:s6], [sflag:s22] =	dma.local [hbm:s4], s20  }
0x9e: {  	_ =	swait.ge [sflag:s22], s20  }
0x9f: {  	s3 =	ssub.s32 $0x0, s20;
	[sflag:s22] =	ssyncset.done $0x0  }
0xa0: {  	[sflag:s22] =	ssyncadd.s32 s3;
	_ =	sdelay $0x1  }
0xa1: {  	s23 =	simm.s32 $0x1B8B  }
0xa2: {  	_ =	swait.ge [sflag:s23], $0x1  }
0xa3: {  	[sflag:s23] =	ssyncset.done $0x0  }
0xa4: {  	s25 =	simm.s32 $0x1B8E;
	s24 =	sld [smem:$0x3FFE];
	[sflag:s23] =	ssyncadd.s32 $0xFFFFFFFF  }
0xa5: {  	s26 =	simm.s32 $execute0_lowered;
	[smem:$0x3FD2] =	sst s25  }
0xa6: {  	s4 =	sshll.u32 s26, $0x1;
	_ =	strace $0x8000004C;
	[dreg:$0x1] =	wrdreg $0xFFFFFFFF  }
0xa7: {  	s28 =	simm.s32 $_size_execute0_lowered;
	s2 =	sadd.s32 s2, s4;
	[dreg:$0x0] =	wrdreg $0x0  }
0xa8: {  	s4 =	sshll.u32 s28, $0x1;
	[dreg:$0x2] =	wrdreg s2  }
0xa9: {  	[dreg:$0x3] =	wrdreg s4  }
0xaa: {  	[dreg:$0x4] =	wrdreg $0xC0  }
0xab: {  	_ =	task [dreg:s6], $0x5FFFF  }
0xac: {  	[dreg:$0x1] =	wrdreg $0xFFFFFFFF  }
0xad: {  	[dreg:$0x0] =	wrdreg $0x60  }
0xae: {  	[dreg:$0x2] =	wrdreg s24  }
0xaf: {  	[dreg:$0x3] =	wrdreg $0x9  }
0xb0: {  	_ =	task.clear_ibuf [dreg:s6], $0x4FFFF;
	_ =	strace $0x9000004C  }
0xb1: {  	s29 =	simm.s32 $0x9;
	_ =	strace $0x8000004E  }
0xb2: {  	_ =	swait.ge [sflag:s29], $0x1  }
0xb3: {  	[sflag:s29] =	ssyncadd.s32 $0xFFFFFFFF  }
0xb4: {  	_ =	strace $0x9000004E  }
0xb5: {  	_ =	sfence  }
0xb6: {  	s30 =	sld [smem:$0x0];
	_ =	sdelay $0x2  }
0xb7: {  	s31 =	sshll.u32 s1, $0xD;
	s1 =	sshrl.u32 s1, $0x2  }
0xb8: {  	s3 =	sand.u32 $0x4000, s31;
	s1 =	sadd.s32 s1, s30  }
0xb9: {  	s0 =	sor.u32 s3, s0;
	s1 =	sshll.u32 s1, $0x11  }
0xba: {  	s0 =	sor.u32 s1, s0  }
0xbb: {  	s0 =	sadd.s32 $0x8F2B, s0  }
0xbc: {  	[sflag:s0] =	ssyncadd.remote.s32 $0x1  }
0xbd: {  	_ =	sfence.sel $0xFFFF  }
0xbe: {  	[dreg:$0x0] =	wrdreg $0xFFFFFFFF;
	(pc) =	sbr.abs _section_cstart, $3  }
0xbf: {  	[dreg:$0x1] =	wrdreg $0xFFFFFFFF  }
0xc0: {  	_ =	task.clear_ibuf [dreg:s6], $0x2FFFF;
	_ =	strace $0x9FFFFFFF  }
0xc1: {  	(tm) =	ssettm $0x7FFFFFFF  }
tec
execute0_lowered:
.L_overlay_start_1:
0x0: {  	(tag) =	ssettag $0x1  }
0x1: {  	s7 =	rddreg [dreg:$0x0]  }
0x2: {  	s0 =	rddreg [dreg:$0x1];
	_ =	strace $0x8000004D  }
0x3: {  	s1 =	srdreg.scid;
	s4 =	simm.s32 $0x1;
	s9 =	simm.s32 $0x3  }
0x4: {  	s11 =	simm.s32 $0x0;
	p0 =	por $0x0, $0x0;
	s5 =	sshll.u32 s1, $0x4  }
.Ltmp0:
0x5: {  	s1 =	stileid.u32;
	s5 =	sand.u32 $0x10, s5;
	(pc) =	sbr.rel .LBB2_1-.Ltmp0, $4  }
0x6: {  	s2 =	sadd.s32 $0x2000, s7;
	s3 =	sadd.s32 $0x1800, s7;
	s6 =	sor.u32 s1, s5  }
0x7: {  	[sflag:s4] =	ssyncpa.u1 $0x0;
	s5 =	simm.s32 $0x2;
	s6 =	sshll.u32 s6, $0x9  }
0x8: {  	s7 =	sadd.s32 $0x42000, s7;
	[sflag:s5] =	ssyncpa.u1 $0x0;
	s8 =	sadd.s32 $0x200, s6  }
0x9: {  	vm0 =	vmmov $0xff;
	vm1 =	vcmask $0x3F20;
	[sflag:s9] =	ssyncpa.u1 $0x0;
	s10 =	smov.u32 s6;
	s9 =	simm.s32 $0x0  }
.LBB2_7:
0xa: {  	p1 =	slt.u32 s9, $0x2;
	s11 =	sadd.s32 $0x100, s10  }
0xb: {  	s13 =	smov.u32 s6;
	s9 =	sadd.s32 $0x1, s9;
	p2 =	slt.s32 s11, s8  }
0xc: {  	s13 =	smov.u32 @p2 s11;
	p2 =	sne.s32 s9, $0x4  }
.Ltmp1:
0xd: {  	_ = 	snop;
	(pc) =	sbr.rel @!p2 .LBB2_8-.Ltmp1, $4  }
0xe: {  	s12 =	simm.s32 @!p1 $0x3  }
0xf: {  	_ =	swait.ge @!p1 [sflag:s12], $0x8000  }
0x10: {  	p0 =	por !p0, !p0;
	[sflag:s12] =	ssyncset.done @!p1 $0x0  }
0x11: {  	s11 =	smov.u32 s10;
	s10 =	smov.u32 s13;
	[sflag:s12] =	ssyncadd.s32 @!p1 $0xFFFF8000  }
.LBB2_1:
0x12: {  	p1 =	sgt.u32 s9, $0x1  }
0x13: {  	s12 =	sshll.u32 @!p1 s9, $0x8;
	s13 =	sshrl.u32 @!p1 s10, $0x3  }
0x14: {  	s14 =	sand.u32 @!p1 $0x7, s10;
	s12 =	sxor.u32 @!p1 $0x100, s12;
	s13 =	sadd.s32 @!p1 s3, s13  }
0x15: {  	[tilespmem:s12], [sflag:$0x2] =	stream.linear.gather @!p1 [hbm4b:s13+s14], $0x100, $0x38;
	[tilespmem:$0x10200] =	vst v63  }
0x16: {  	p1 =	seq.s32 s9, $0x0  }
0x17: {  	p2 =	seq.s32 @!p1 s9, $0x3  }
0x18: {  	p1 =	por p1, p2  }
.Ltmp2:
0x19: {  	_ = 	snop;
	(pc) =	sbr.rel @p1 .LBB2_7-.Ltmp2, $1  }
0x1a: {  	_ =	sdelay $0x3  }
0x1b: {  	s12 =	simm.s32 $0x1  }
0x1c: {  	_ =	swait.ge [sflag:s5], $0x100;
	s12 =	simm.s32 @!p0 $0x0  }
0x1d: {  	[sflag:s5] =	ssyncset.done $0x0;
	s14 =	sshll.u32 s12, $0x8  }
0x1e: {  	[sflag:s5] =	ssyncadd.s32 $0xFFFFFF00;
	s13 =	sadd.s32 $0x0, s14  }
0x1f: {  	v0 =	vld.msk [tilespmem:s13+$0x0 ss:$0x1], $0xffff;
	_ =	sdelay $0x4  }
0x20: {  	v1 =	vshll.u32 v0, $0x3  }
0x21: {  	vm2 =	veq.s32 v0, $0x80000000;
	v0 =	vshll.u32 v0, $0x11;
	v1 =	vand.u32 $0x1FF80, v1  }
0x22: {  	v0 =	vand.u32 $0x1E0000, v0;
	v1 =	vsel vm2, $0xFFFFFF80, v1  }
0x23: {  	v0 =	vsel vm2, $0xFFFE0000, v0;
	v2 =	vand.u32 $0xFFFFFC00, v1  }
0x24: {  	v1 =	vand.u32 $0x380, v1;
	v0 =	vadd.s32 v0, v2  }
0x25: {  	v0 =	vor.u32 v1, v0  }
0x26: {  	v0 =	vshrl.u32 v0, $0x3;
	_ =	sdelay $0x2  }
0x27: {  	s12 =	sshll.u32 s12, $0xF  }
0x28: {  	s12 =	sor.u32 $0x200, s12  }
0x29: {  	[tilespmem:s12], [sflag:$0x1] =	stream.indirect_vreg.gather [hbm:s2], $0x80, v0, vm0, $0x38;
	[tilespmem:$0x10200] =	vst v63  }
0x2a: {  	s15 =	sadd.s32 $0x10, s14;
	s13 =	sadd.s32 $0x400, s12  }
0x2b: {  	[tilespmem:s13], [sflag:$0x1] =	stream.indirect_vreg.gather [hbm:s2], $0x80, v0, vm1, $0x38;
	[tilespmem:$0x10200] =	vst v63  }
0x2c: {  	s16 =	simm.s32 $0x80;
	v0 =	vld.msk [tilespmem:s15+$0x0 ss:$0x1], $0xffff;
	s15 =	smov.u32 s12  }
.LBB2_3:
0x2d: {  	p1 =	sne.s32 s16, $0x3C0;
	_ =	sdelay $0x4  }
0x2e: {  	v1 =	vshll.u32 v0, $0x3  }
0x2f: {  	vm2 =	veq.s32 v0, $0x80000000;
	v0 =	vshll.u32 v0, $0x11;
	v1 =	vand.u32 $0x1FF80, v1  }
0x30: {  	v0 =	vand.u32 $0x1E0000, v0;
	v1 =	vsel vm2, $0xFFFFFF80, v1  }
0x31: {  	v0 =	vsel vm2, $0xFFFE0000, v0;
	v2 =	vand.u32 $0xFFFFFC00, v1  }
0x32: {  	v1 =	vand.u32 $0x380, v1;
	v0 =	vadd.s32 v0, v2  }
0x33: {  	v0 =	vor.u32 v1, v0  }
0x34: {  	v0 =	vshrl.u32 v0, $0x3;
	_ =	sdelay $0x3  }
.Ltmp3:
0x35: {  	s17 =	sshra.s32 s16, $0x2;
	s15 =	sadd.s32 $0x800, s15;
	(pc) =	sbr.rel @p1 .LBB2_3-.Ltmp3, $4  }
0x36: {  	[tilespmem:s15], [sflag:$0x1] =	stream.indirect_vreg.gather [hbm:s2], $0x80, v0, vm0, $0x38;
	[tilespmem:$0x10200] =	vst v63  }
0x37: {  	s17 =	sadd.s32 s17, s14;
	s18 =	sadd.s32 $0x400, s15  }
0x38: {  	[tilespmem:s18], [sflag:$0x1] =	stream.indirect_vreg.gather [hbm:s2], $0x80, v0, vm1, $0x38;
	[tilespmem:$0x10200] =	vst v63  }
0x39: {  	s16 =	sadd.s32 $0x40, s16;
	v0 =	vld.msk [tilespmem:s17+$0x0 ss:$0x1], $0xffff  }
0x3a: {  	_ =	sdelay $0x3  }
0x3b: {  	v1 =	vshll.u32 v0, $0x3  }
0x3c: {  	vm2 =	veq.s32 v0, $0x80000000;
	v63 =	vshll.u32 v0, $0x11;
	v1 =	vand.u32 $0x1FF80, v1  }
0x3d: {  	v0 =	vand.u32 $0x1E0000, v63;
	v1 =	vsel vm2, $0xFFFFFF80, v1  }
0x3e: {  	v0 =	vsel vm2, $0xFFFE0000, v0;
	v2 =	vand.u32 $0xFFFFFC00, v1  }
0x3f: {  	v1 =	vand.u32 $0x380, v1;
	v0 =	vadd.s32 v0, v2  }
0x40: {  	v0 =	vor.u32 v1, v0  }
0x41: {  	v0 =	vshrl.u32 v0, $0x3;
	_ =	sdelay $0x3  }
0x42: {  	s14 =	sadd.s32 $0x800, s15  }
0x43: {  	[tilespmem:s14], [sflag:$0x1] =	stream.indirect_vreg.gather [hbm:s2], $0x80, v0, vm0, $0x38;
	[tilespmem:$0x10200] =	vst v63  }
0x44: {  	s14 =	sadd.s32 $0x400, s14  }
0x45: {  	[tilespmem:s14], [sflag:$0x1] =	stream.indirect_vreg.gather [hbm:s2], $0x80, v0, vm1, $0x38;
	[tilespmem:$0x10200] =	vst v63  }
0x46: {  	s11 =	sshll.u32 s11, $0x4;
	_ =	swait.ge [sflag:s4], $0x8000  }
0x47: {  	s11 =	sadd.s32 s11, s7;
	[sflag:s4] =	ssyncset.done $0x0  }
0x48: {  	s15 =	sadd.s32 $0x0, s11;
	s14 =	simm.s32 $0x80;
	[sflag:s4] =	ssyncadd.s32 $0xFFFF8000  }
.LBB2_5:
0x49: {  	[hbm:s15] =	stream.linear.scatter [tilespmem:s12], [sflag:$0x3], $0x400, $0x38;
	[tilespmem:$0x10200] =	vst v63  }
0x4a: {  	s15 =	smov.u32 s14;
	s12 =	smov.u32 s13;
	p1 =	sne.s32 s14, $0xF80  }
.Ltmp4:
0x4b: {  	s14 =	sadd.s32 $0x80, s14;
	(pc) =	sbr.rel @p1 .LBB2_5-.Ltmp4, $2  }
0x4c: {  	_ =	sdelay $0x2  }
0x4d: {  	s13 =	sadd.s32 $0x400, s13;
	s15 =	sadd.s32 s15, s11  }
.Ltmp5:
0x4e: {  	(pc) =	sbr.rel .LBB2_7-.Ltmp5, $2  }
0x4f: {  	_ =	sdelay $0x2  }
0x50: {  	[hbm:s15] =	stream.linear.scatter [tilespmem:s12], [sflag:$0x3], $0x400, $0x38;
	[tilespmem:$0x10200] =	vst v63  }
.LBB2_8:
0x51: {  	_ =	sfence.sel $0x180000  }
0x52: {  	s2 =	simm.s32 $0x2;
	[bflag:$0x0] =	sbarrier.arrive $0xFFFF  }
0x53: {  	s30 =	simm.s32 $0x3;
	[sflag:s2] =	ssyncpa.u1 $0x1  }
0x54: {  	s31 =	simm.s32 $0x1;
	[sflag:s30] =	ssyncpa.u1 $0x1  }
0x55: {  	[sflag:s31] =	ssyncpa.u1 $0x1  }
0x56: {  	p0 =	sne.s32 s1, $0x0;
	_ =	strace $0x9000004D  }
0x57: {  	s0 =	sadd.s32 @!p0 $0x100000, s0;
	[bflag:$0x2] =	sbarrier.arrive $0xFFFF  }
0x58: {  	[sflag:s0] =	ssyncadd.tile.s32 @!p0 $0x1;
	_ =	shalt  }
.Lfunc_end2:
_tile_overlayer_lowered:
.L_overlay_start_2:
0x59: {  	(tag) =	ssettag $0x2  }
0x5a: {  	s0 =	rddreg [dreg:$0x0];
	s2 =	stileid.u32  }
0x5b: {  	s1 =	rddreg [dreg:$0x1];
	p0 =	sne.s32 s2, $0x0  }
0x5c: {  	s3 =	rddreg [dreg:$0x2];
	[bflag:$0x3] =	sbarrier.arrive $0xFFFF;
	s2 =	simm.s32 @!p0 $0x1C01  }
0x5d: {  	[timem:s3], [sflag:s2] =	dma.local @!p0 [hbm:s0], s1  }
0x5e: {  	s0 =	simm.s32 @!p0 $0x1  }
0x5f: {  	_ =	swait.ge @!p0 [sflag:s0], s1  }
0x60: {  	s1 =	ssub.s32 @!p0 $0x0, s1;
	[sflag:s0] =	ssyncset.done @!p0 $0x0  }
0x61: {  	[sflag:s0] =	ssyncadd.s32 @!p0 s1  }
0x62: {  	[bflag:$0x3] =	sbarrier.arrive $0xFFFF  }
0x63: {  	_ =	shalt  }

// kernel: gather_offload_async_start
scs
__scs_entry_jumppad:
0x0: {  	(pc) =	sbr.rel $0x88, $3  }
0x1: {  	(tag) =	ssettag $0x0;
	lr =	simm.s32 $0x1  }
0x2: {  	[smem:$0x3F9F] =	sst lr;
	_ =	strace $0xD0000000  }
0x3: {  	_ = 	snop  }
0x4: {  	_ = 	snop  }
0x5: {  	_ = 	snop  }
0x6: {  	_ = 	snop  }
0x7: {  	_ = 	snop  }
__scs_overlays_trampoline_lowered:
0x8: {  	[smem:$0x3FAE] =	sst s0  }
0x9: {  	[smem:$0x3FAF] =	sst s1  }
0xa: {  	[smem:$0x3FB0] =	sst s2  }
0xb: {  	[smem:$0x3FB1] =	sst s3  }
0xc: {  	[smem:$0x3FB2] =	sst s4  }
0xd: {  	[smem:$0x3FB3] =	sst s5  }
0xe: {  	[smem:$0x3FB4] =	sst s6  }
0xf: {  	[smem:$0x3FB5] =	sst s7  }
0x10: {  	[smem:$0x3FB6] =	sst s8  }
0x11: {  	[smem:$0x3FB7] =	sst s9;
	s0 =	simm.s32 @!p0 $0x0  }
0x12: {  	s1 =	sld [smem:$0x3F9D];
	s0 =	simm.s32 @p0 $0x1  }
0x13: {  	[smem:$0x3FB8] =	sst s0;
	s0 =	simm.s32 @!p1 $0x0  }
0x14: {  	s2 =	sld [smem:$0x3F9C];
	s0 =	simm.s32 @p1 $0x1  }
0x15: {  	[smem:$0x3FB9] =	sst s0;
	s0 =	simm.s32 @!p2 $0x0  }
0x16: {  	s3 =	sld [smem:$0x3FDB];
	s0 =	simm.s32 @p2 $0x1  }
0x17: {  	s4 =	simm.s32 $0x1BF5;
	[smem:$0x3FBB] =	sst s0  }
0x18: {  	s0 =	sld [smem:$0x3F9E];
	_ =	swait.ge [sflag:s4], $0x0  }
0x19: {  	s7 =	sld [smem:$0x3F9F]  }
0x1a: {  	s8 =	sadd.s32 $0xFFFFE003, lr  }
0x1b: {  	s9 =	sadd.s32 $0xFFFFFEF7, lr;
	s5 =	simm.s32 $0xFFFFFFFF;
	p2 =	slt.u32 s8, $0xFFFFF086  }
0x1c: {  	p1 =	slt.u32 s9, $0xF7A;
	s5 =	simm.s32 @!p2 $0x0  }
0x1d: {  	s5 =	simm.s32 @p1 $0x1;
	p0 =	seq.s32 s7, s2  }
0x1e: {  	s7 =	smul.u32 @!p0 $0xF7A, s2;
	p2 =	seq.s32 @!p0 s5, $0x0  }
0x1f: {  	s9 =	smul.u32 $0xF7A, s1;
	s8 =	simm.s32 @!p0 $0x1BF5;
	p2 =	por !p2, p0  }
0x20: {  	[sflag:s8] =	ssyncset.s32 @!p0 $0xFFFFF086;
	s6 =	sadd.s32 @!p0 s3, s7;
	s7 =	simm.s32 @!p0 $0x108  }
0x21: {  	s3 =	sadd.s32 s3, s9;
	s6 =	sadd.s32 @!p0 $0x88, s6;
	s7 =	simm.s32 @p2 $0x1082  }
0x22: {  	[simem:s7], [sflag:s8] =	dma.local @!p0 [hbm:s6], $0xF7A  }
0x23: {  	s9 =	sor.u32 $0xD0000000, s2;
	s6 =	simm.s32 $0x108;
	_ =	swait.ge @!p0 [sflag:s8], $0x0  }
0x24: {  	s3 =	sadd.s32 $0x88, s3;
	s6 =	simm.s32 @!p1 $0x1082;
	[sflag:s4] =	ssyncset.s32 $0xFFFFF086  }
0x25: {  	[simem:s6], [sflag:s4] =	dma.local [hbm:s3], $0xF7A  }
0x26: {  	[smem:$0x3F9F] =	sst s1;
	(tag) =	ssettag s2;
	_ =	strace s9  }
0x27: {  	s1 =	sld [smem:$0x3FAF]  }
0x28: {  	s2 =	sld [smem:$0x3FB0]  }
0x29: {  	s4 =	sld [smem:$0x3FB2]  }
0x2a: {  	p0 =	seq.s32 s5, $0x0;
	s5 =	sld [smem:$0x3FB3]  }
0x2b: {  	s6 =	sld [smem:$0x3FB4]  }
0x2c: {  	s7 =	sld [smem:$0x3FB5]  }
0x2d: {  	s3 =	simm.s32 $0x108;
	s8 =	sld [smem:$0x3FB6]  }
0x2e: {  	s3 =	simm.s32 @!p0 $0x1082;
	s9 =	sld [smem:$0x3FB7]  }
0x2f: {  	lr =	sadd.s32 s0, s3;
	s0 =	sld [smem:$0x3FAE]  }
0x30: {  	s3 =	sld [smem:$0x3FB1]  }
0x31: {  	[smem:$0x3FBA] =	sst s10  }
0x32: {  	s10 =	sld [smem:$0x3FB8];
	_ =	sdelay $0x3  }
0x33: {  	p0 =	seq.s32 s10, $0x1;
	s10 =	sld [smem:$0x3FBA];
	_ =	sdelay $0x3  }
0x34: {  	[smem:$0x3FBA] =	sst s10  }
0x35: {  	s10 =	sld [smem:$0x3FB9];
	_ =	sdelay $0x3  }
0x36: {  	p1 =	seq.s32 s10, $0x1;
	s10 =	sld [smem:$0x3FBA];
	_ =	sdelay $0x3  }
0x37: {  	[smem:$0x3FBA] =	sst s10  }
0x38: {  	s10 =	sld [smem:$0x3FBB]  }
0x39: {  	_ = 	snop;
	(pc) =	sbr.ind lr, $3  }
0x3a: {  	_ = 	snop  }
0x3b: {  	_ = 	snop  }
0x3c: {  	p2 =	seq.s32 s10, $0x1;
	s10 =	sld [smem:$0x3FBA]  }
0x3d: {  	_ =	shalt  }
0x3e: {  	_ =	shalt  }
0x3f: {  	_ =	shalt  }
0x40: {  	_ =	shalt  }
0x41: {  	_ =	shalt  }
0x42: {  	_ =	shalt  }
0x43: {  	_ =	shalt  }
0x44: {  	_ =	shalt  }
0x45: {  	_ =	shalt  }
0x46: {  	_ =	shalt  }
0x47: {  	_ =	shalt  }
0x48: {  	_ =	shalt  }
0x49: {  	_ =	shalt  }
0x4a: {  	_ =	shalt  }
0x4b: {  	_ =	shalt  }
0x4c: {  	_ =	shalt  }
0x4d: {  	_ =	shalt  }
0x4e: {  	_ =	shalt  }
0x4f: {  	_ =	shalt  }
0x50: {  	_ =	shalt  }
0x51: {  	_ =	shalt  }
0x52: {  	_ =	shalt  }
0x53: {  	_ =	shalt  }
0x54: {  	_ =	shalt  }
0x55: {  	_ =	shalt  }
0x56: {  	_ =	shalt  }
0x57: {  	_ =	shalt  }
0x58: {  	_ =	shalt  }
0x59: {  	_ =	shalt  }
0x5a: {  	_ =	shalt  }
0x5b: {  	_ =	shalt  }
0x5c: {  	_ =	shalt  }
0x5d: {  	_ =	shalt  }
0x5e: {  	_ =	shalt  }
0x5f: {  	_ =	shalt  }
0x60: {  	_ =	shalt  }
0x61: {  	_ =	shalt  }
0x62: {  	_ =	shalt  }
0x63: {  	_ =	shalt  }
0x64: {  	_ =	shalt  }
0x65: {  	_ =	shalt  }
0x66: {  	_ =	shalt  }
0x67: {  	_ =	shalt  }
0x68: {  	_ =	shalt  }
0x69: {  	_ =	shalt  }
0x6a: {  	_ =	shalt  }
0x6b: {  	_ =	shalt  }
0x6c: {  	_ =	shalt  }
0x6d: {  	_ =	shalt  }
0x6e: {  	_ =	shalt  }
0x6f: {  	_ =	shalt  }
0x70: {  	_ =	shalt  }
0x71: {  	_ =	shalt  }
0x72: {  	_ =	shalt  }
0x73: {  	_ =	shalt  }
0x74: {  	_ =	shalt  }
0x75: {  	_ =	shalt  }
0x76: {  	_ =	shalt  }
0x77: {  	_ =	shalt  }
0x78: {  	_ =	shalt  }
0x79: {  	_ =	shalt  }
0x7a: {  	_ =	shalt  }
0x7b: {  	_ =	shalt  }
0x7c: {  	_ =	shalt  }
0x7d: {  	_ =	shalt  }
0x7e: {  	_ =	shalt  }
0x7f: {  	_ =	shalt  }
0x80: {  	_ =	shalt  }
0x81: {  	_ =	shalt  }
0x82: {  	_ =	shalt  }
0x83: {  	_ =	shalt  }
0x84: {  	_ =	shalt  }
0x85: {  	_ =	shalt  }
0x86: {  	_ =	shalt  }
0x87: {  	_ =	shalt  }
.Lfunc_end0:
.L_simem_size_0:
called_computation_lowered:
.L_overlay_start_0:
0x88: {  	s2 =	sld [smem:$0x3FD9]  }
0x89: {  	s3 =	sld [smem:$0x3FFE];
	_ =	sdelay $0x1  }
0x8a: {  	s1 =	srdreg.scid  }
0x8b: {  	s0 =	sand.u32 $0x1, s1  }
0x8c: {  	s17 =	sshll.u32 s0, $0xA;
	s2 =	sadd.s32 s3, s2  }
0x8d: {  	s2 =	sadd.s32 s2, s17  }
0x8e: {  	[smem:$0x3FC6] =	sst s2  }
0x8f: {  	_ = 	snop  }
0x90: {  	s2 =	sld [smem:$0x3FD0];
	(tm) =	ssettm $0x1  }
0x91: {  	s18 =	sld [smem:$0x3FFB];
	_ =	sdelay $0x3  }
0x92: {  	_ =	strace s18  }
0x93: {  	s3 =	sld [smem:$0x3FFC];
	_ =	sdelay $0x3  }
0x94: {  	_ =	strace s3  }
0x95: {  	s3 =	sld [smem:$0x3FFD];
	_ =	sdelay $0x3  }
0x96: {  	_ =	strace s3  }
0x97: {  	_ =	strace $0x8FFFFFFF  }
0x98: {  	s19 =	sld [smem:$0x3FDB];
	_ =	sdelay $0x1  }
0x99: {  	s4 =	simm.s32 $_scs_section_size  }
0x9a: {  	s5 =	simm.s32 $_size__tile_overlayer_lowered;
	s6 =	simm.s32 $_tile_overlayer_lowered  }
0x9b: {  	s22 =	simm.s32 $0x1BFF;
	s21 =	sshll.u32 s6, $0x1;
	s3 =	sadd.s32 s4, s19  }
0x9c: {  	s7 =	simm.s32 $0x0;
	s20 =	sshll.u32 s5, $0x1;
	s5 =	sadd.s32 s21, s3  }
0x9d: {  	[timem:s7], [sflag:s22] =	dma.local [hbm:s5], s20  }
0x9e: {  	_ =	swait.ge [sflag:s22], s20  }
0x9f: {  	s4 =	ssub.s32 $0x0, s20;
	[sflag:s22] =	ssyncset.done $0x0  }
0xa0: {  	[sflag:s22] =	ssyncadd.s32 s4;
	_ =	sdelay $0x1  }
0xa1: {  	s23 =	simm.s32 $0x1B8B  }
0xa2: {  	_ =	swait.ge [sflag:s23], $0x1  }
0xa3: {  	[sflag:s23] =	ssyncset.done $0x0  }
0xa4: {  	s25 =	simm.s32 $0x1B8E;
	s24 =	sld [smem:$0x3FFE];
	[sflag:s23] =	ssyncadd.s32 $0xFFFFFFFF  }
0xa5: {  	s26 =	simm.s32 $execute0_lowered;
	[smem:$0x3FD2] =	sst s25  }
0xa6: {  	s5 =	sshll.u32 s26, $0x1;
	_ =	strace $0x80000046;
	[dreg:$0x1] =	wrdreg $0xFFFFFFFF  }
0xa7: {  	s28 =	simm.s32 $_size_execute0_lowered;
	s3 =	sadd.s32 s3, s5;
	[dreg:$0x0] =	wrdreg $0x0  }
0xa8: {  	s5 =	sshll.u32 s28, $0x1;
	[dreg:$0x2] =	wrdreg s3  }
0xa9: {  	[dreg:$0x3] =	wrdreg s5  }
0xaa: {  	[dreg:$0x4] =	wrdreg $0xC0  }
0xab: {  	_ =	task [dreg:s7], $0x5FFFF  }
0xac: {  	[dreg:$0x1] =	wrdreg $0xFFFFFFFF  }
0xad: {  	[dreg:$0x0] =	wrdreg $0x60  }
0xae: {  	[dreg:$0x2] =	wrdreg s24  }
0xaf: {  	[dreg:$0x3] =	wrdreg s2  }
0xb0: {  	[dreg:$0x4] =	wrdreg $0x9  }
0xb1: {  	_ =	task.clear_ibuf [dreg:s7], $0x5FFFF;
	_ =	strace $0x90000046  }
0xb2: {  	s29 =	simm.s32 $0x9;
	_ =	strace $0x80000048  }
0xb3: {  	_ =	swait.ge [sflag:s29], $0x1  }
0xb4: {  	[sflag:s29] =	ssyncadd.s32 $0xFFFFFFFF  }
0xb5: {  	_ =	strace $0x90000048  }
0xb6: {  	_ =	sfence  }
0xb7: {  	s30 =	sld [smem:$0x0];
	_ =	sdelay $0x2  }
0xb8: {  	s31 =	sshll.u32 s1, $0xD;
	s1 =	sshrl.u32 s1, $0x2  }
0xb9: {  	s3 =	sand.u32 $0x4000, s31;
	s1 =	sadd.s32 s1, s30  }
0xba: {  	s0 =	sor.u32 s3, s0;
	s1 =	sshll.u32 s1, $0x11  }
0xbb: {  	s0 =	sor.u32 s1, s0  }
0xbc: {  	s0 =	sadd.s32 $0x8F2B, s0  }
0xbd: {  	[sflag:s0] =	ssyncadd.remote.s32 $0x1  }
0xbe: {  	_ =	sfence.sel $0xFFFF  }
0xbf: {  	[dreg:$0x0] =	wrdreg $0xFFFFFFFF;
	(pc) =	sbr.abs _section_cstart, $3  }
0xc0: {  	[dreg:$0x1] =	wrdreg $0xFFFFFFFF  }
0xc1: {  	_ =	task.clear_ibuf [dreg:s7], $0x2FFFF;
	_ =	strace $0x9FFFFFFF  }
0xc2: {  	(tm) =	ssettm $0x7FFFFFFF  }
0xc3: {  	_ =	shalt  }
tec
execute0_lowered:
.L_overlay_start_1:
0x0: {  	(tag) =	ssettag $0x1  }
0x1: {  	s2 =	rddreg [dreg:$0x0]  }
0x2: {  	s3 =	rddreg [dreg:$0x1]  }
0x3: {  	s0 =	rddreg [dreg:$0x2];
	s1 =	srdreg.scid;
	_ =	strace $0x80000047  }
0x4: {  	s4 =	simm.s32 $0x1;
	s9 =	simm.s32 $0x3;
	s5 =	sshll.u32 s1, $0x4  }
.Ltmp0:
0x5: {  	s1 =	stileid.u32;
	s5 =	sand.u32 $0x10, s5;
	(pc) =	sbr.rel .LBB2_1-.Ltmp0, $4  }
0x6: {  	s11 =	simm.s32 $0x0;
	p0 =	por $0x0, $0x0;
	s6 =	sor.u32 s1, s5  }
0x7: {  	[sflag:s4] =	ssyncpa.u1 $0x0;
	s5 =	simm.s32 $0x2;
	s6 =	sshll.u32 s6, $0x9  }
0x8: {  	s7 =	sadd.s32 $0x40000, s2;
	[sflag:s5] =	ssyncpa.u1 $0x0;
	s8 =	sadd.s32 $0x200, s6  }
0x9: {  	vm0 =	vmmov $0xff;
	vm1 =	vcmask $0x3F20;
	[sflag:s9] =	ssyncpa.u1 $0x0;
	s10 =	smov.u32 s6;
	s9 =	simm.s32 $0x0  }
.LBB2_7:
0xa: {  	p1 =	slt.u32 s9, $0x2;
	s11 =	sadd.s32 $0x100, s10  }
0xb: {  	s13 =	smov.u32 s6;
	s9 =	sadd.s32 $0x1, s9;
	p2 =	slt.s32 s11, s8  }
0xc: {  	s13 =	smov.u32 @p2 s11;
	p2 =	sne.s32 s9, $0x4  }
.Ltmp1:
0xd: {  	_ = 	snop;
	(pc) =	sbr.rel @!p2 .LBB2_8-.Ltmp1, $4  }
0xe: {  	s12 =	simm.s32 @!p1 $0x3  }
0xf: {  	_ =	swait.ge @!p1 [sflag:s12], $0x8000  }
0x10: {  	p0 =	por !p0, !p0;
	[sflag:s12] =	ssyncset.done @!p1 $0x0  }
0x11: {  	s11 =	smov.u32 s10;
	s10 =	smov.u32 s13;
	[sflag:s12] =	ssyncadd.s32 @!p1 $0xFFFF8000  }
.LBB2_1:
0x12: {  	p1 =	sgt.u32 s9, $0x1  }
0x13: {  	s12 =	sshll.u32 @!p1 s9, $0x8;
	s13 =	sshrl.u32 @!p1 s10, $0x3  }
0x14: {  	s14 =	sand.u32 @!p1 $0x7, s10;
	s12 =	sxor.u32 @!p1 $0x100, s12;
	s13 =	sadd.s32 @!p1 s3, s13  }
0x15: {  	[tilespmem:s12], [sflag:$0x2] =	stream.linear.gather @!p1 [hbm4b:s13+s14], $0x100, $0x38;
	[tilespmem:$0x10200] =	vst v63  }
0x16: {  	p1 =	seq.s32 s9, $0x0  }
0x17: {  	p2 =	seq.s32 @!p1 s9, $0x3  }
0x18: {  	p1 =	por p1, p2  }
.Ltmp2:
0x19: {  	_ = 	snop;
	(pc) =	sbr.rel @p1 .LBB2_7-.Ltmp2, $1  }
0x1a: {  	_ =	sdelay $0x3  }
0x1b: {  	s12 =	simm.s32 $0x1  }
0x1c: {  	_ =	swait.ge [sflag:s5], $0x100;
	s12 =	simm.s32 @!p0 $0x0  }
0x1d: {  	[sflag:s5] =	ssyncset.done $0x0;
	s14 =	sshll.u32 s12, $0x8  }
0x1e: {  	[sflag:s5] =	ssyncadd.s32 $0xFFFFFF00;
	s13 =	sadd.s32 $0x0, s14  }
0x1f: {  	v0 =	vld.msk [tilespmem:s13+$0x0 ss:$0x1], $0xffff;
	_ =	sdelay $0x4  }
0x20: {  	v1 =	vshll.u32 v0, $0x3  }
0x21: {  	vm2 =	veq.s32 v0, $0x80000000;
	v0 =	vshll.u32 v0, $0x11;
	v1 =	vand.u32 $0x1FF80, v1  }
0x22: {  	v0 =	vand.u32 $0x1E0000, v0;
	v1 =	vsel vm2, $0xFFFFFF80, v1  }
0x23: {  	v0 =	vsel vm2, $0xFFFE0000, v0;
	v2 =	vand.u32 $0xFFFFFC00, v1  }
0x24: {  	v1 =	vand.u32 $0x380, v1;
	v0 =	vadd.s32 v0, v2  }
0x25: {  	v0 =	vor.u32 v1, v0  }
0x26: {  	v0 =	vshrl.u32 v0, $0x3;
	_ =	sdelay $0x2  }
0x27: {  	s12 =	sshll.u32 s12, $0xF  }
0x28: {  	s12 =	sor.u32 $0x200, s12  }
0x29: {  	[tilespmem:s12], [sflag:$0x1] =	stream.indirect_vreg.gather [hbm:s2], $0x80, v0, vm0, $0x38;
	[tilespmem:$0x10200] =	vst v63  }
0x2a: {  	s15 =	sadd.s32 $0x10, s14;
	s13 =	sadd.s32 $0x400, s12  }
0x2b: {  	[tilespmem:s13], [sflag:$0x1] =	stream.indirect_vreg.gather [hbm:s2], $0x80, v0, vm1, $0x38;
	[tilespmem:$0x10200] =	vst v63  }
0x2c: {  	s16 =	simm.s32 $0x80;
	v0 =	vld.msk [tilespmem:s15+$0x0 ss:$0x1], $0xffff;
	s15 =	smov.u32 s12  }
.LBB2_3:
0x2d: {  	p1 =	sne.s32 s16, $0x3C0;
	_ =	sdelay $0x4  }
0x2e: {  	v1 =	vshll.u32 v0, $0x3  }
0x2f: {  	vm2 =	veq.s32 v0, $0x80000000;
	v0 =	vshll.u32 v0, $0x11;
	v1 =	vand.u32 $0x1FF80, v1  }
0x30: {  	v0 =	vand.u32 $0x1E0000, v0;
	v1 =	vsel vm2, $0xFFFFFF80, v1  }
0x31: {  	v0 =	vsel vm2, $0xFFFE0000, v0;
	v2 =	vand.u32 $0xFFFFFC00, v1  }
0x32: {  	v1 =	vand.u32 $0x380, v1;
	v0 =	vadd.s32 v0, v2  }
0x33: {  	v0 =	vor.u32 v1, v0  }
0x34: {  	v0 =	vshrl.u32 v0, $0x3;
	_ =	sdelay $0x3  }
.Ltmp3:
0x35: {  	s17 =	sshra.s32 s16, $0x2;
	s15 =	sadd.s32 $0x800, s15;
	(pc) =	sbr.rel @p1 .LBB2_3-.Ltmp3, $4  }
0x36: {  	[tilespmem:s15], [sflag:$0x1] =	stream.indirect_vreg.gather [hbm:s2], $0x80, v0, vm0, $0x38;
	[tilespmem:$0x10200] =	vst v63  }
0x37: {  	s17 =	sadd.s32 s17, s14;
	s18 =	sadd.s32 $0x400, s15  }
0x38: {  	[tilespmem:s18], [sflag:$0x1] =	stream.indirect_vreg.gather [hbm:s2], $0x80, v0, vm1, $0x38;
	[tilespmem:$0x10200] =	vst v63  }
0x39: {  	s16 =	sadd.s32 $0x40, s16;
	v0 =	vld.msk [tilespmem:s17+$0x0 ss:$0x1], $0xffff  }
0x3a: {  	_ =	sdelay $0x3  }
0x3b: {  	v1 =	vshll.u32 v0, $0x3  }
0x3c: {  	vm2 =	veq.s32 v0, $0x80000000;
	v63 =	vshll.u32 v0, $0x11;
	v1 =	vand.u32 $0x1FF80, v1  }
0x3d: {  	v0 =	vand.u32 $0x1E0000, v63;
	v1 =	vsel vm2, $0xFFFFFF80, v1  }
0x3e: {  	v0 =	vsel vm2, $0xFFFE0000, v0;
	v2 =	vand.u32 $0xFFFFFC00, v1  }
0x3f: {  	v1 =	vand.u32 $0x380, v1;
	v0 =	vadd.s32 v0, v2  }
0x40: {  	v0 =	vor.u32 v1, v0  }
0x41: {  	v0 =	vshrl.u32 v0, $0x3;
	_ =	sdelay $0x3  }
0x42: {  	s14 =	sadd.s32 $0x800, s15  }
0x43: {  	[tilespmem:s14], [sflag:$0x1] =	stream.indirect_vreg.gather [hbm:s2], $0x80, v0, vm0, $0x38;
	[tilespmem:$0x10200] =	vst v63  }
0x44: {  	s14 =	sadd.s32 $0x400, s14  }
0x45: {  	[tilespmem:s14], [sflag:$0x1] =	stream.indirect_vreg.gather [hbm:s2], $0x80, v0, vm1, $0x38;
	[tilespmem:$0x10200] =	vst v63  }
0x46: {  	s11 =	sshll.u32 s11, $0x4;
	_ =	swait.ge [sflag:s4], $0x8000  }
0x47: {  	s11 =	sadd.s32 s11, s7;
	[sflag:s4] =	ssyncset.done $0x0  }
0x48: {  	s15 =	sadd.s32 $0x0, s11;
	s14 =	simm.s32 $0x80;
	[sflag:s4] =	ssyncadd.s32 $0xFFFF8000  }
.LBB2_5:
0x49: {  	[hbm:s15] =	stream.linear.scatter [tilespmem:s12], [sflag:$0x3], $0x400, $0x38;
	[tilespmem:$0x10200] =	vst v63  }
0x4a: {  	s15 =	smov.u32 s14;
	s12 =	smov.u32 s13;
	p1 =	sne.s32 s14, $0xF80  }
.Ltmp4:
0x4b: {  	s14 =	sadd.s32 $0x80, s14;
	(pc) =	sbr.rel @p1 .LBB2_5-.Ltmp4, $2  }
0x4c: {  	_ =	sdelay $0x2  }
0x4d: {  	s13 =	sadd.s32 $0x400, s13;
	s15 =	sadd.s32 s15, s11  }
.Ltmp5:
0x4e: {  	(pc) =	sbr.rel .LBB2_7-.Ltmp5, $2  }
0x4f: {  	_ =	sdelay $0x2  }
0x50: {  	[hbm:s15] =	stream.linear.scatter [tilespmem:s12], [sflag:$0x3], $0x400, $0x38;
	[tilespmem:$0x10200] =	vst v63  }
.LBB2_8:
0x51: {  	_ =	sfence.sel $0x180000  }
0x52: {  	s2 =	simm.s32 $0x2;
	[bflag:$0x0] =	sbarrier.arrive $0xFFFF  }
0x53: {  	s30 =	simm.s32 $0x3;
	[sflag:s2] =	ssyncpa.u1 $0x1  }
0x54: {  	s31 =	simm.s32 $0x1;
	[sflag:s30] =	ssyncpa.u1 $0x1  }
0x55: {  	[sflag:s31] =	ssyncpa.u1 $0x1  }
0x56: {  	p0 =	sne.s32 s1, $0x0;
	_ =	strace $0x90000047  }
0x57: {  	s0 =	sadd.s32 @!p0 $0x100000, s0;
	[bflag:$0x2] =	sbarrier.arrive $0xFFFF  }
0x58: {  	[sflag:s0] =	ssyncadd.tile.s32 @!p0 $0x1;
	_ =	shalt  }
.Lfunc_end2:
_tile_overlayer_lowered:
.L_overlay_start_2:
0x59: {  	(tag) =	ssettag $0x2  }
0x5a: {  	s0 =	rddreg [dreg:$0x0];
	s2 =	stileid.u32  }
0x5b: {  	s1 =	rddreg [dreg:$0x1];
	p0 =	sne.s32 s2, $0x0  }
0x5c: {  	s3 =	rddreg [dreg:$0x2];
	[bflag:$0x3] =	sbarrier.arrive $0xFFFF;
	s2 =	simm.s32 @!p0 $0x1C01  }
0x5d: {  	[timem:s3], [sflag:s2] =	dma.local @!p0 [hbm:s0], s1  }
0x5e: {  	s0 =	simm.s32 @!p0 $0x1  }
0x5f: {  	_ =	swait.ge @!p0 [sflag:s0], s1  }
0x60: {  	s1 =	ssub.s32 @!p0 $0x0, s1;
	[sflag:s0] =	ssyncset.done @!p0 $0x0  }
0x61: {  	[sflag:s0] =	ssyncadd.s32 @!p0 s1  }
0x62: {  	[bflag:$0x3] =	sbarrier.arrive $0xFFFF  }
0x63: {  	_ =	shalt  }

// kernel: kernel.3.cloned.1.call-start
scs
__scs_entry_jumppad:
0x0: {  	(pc) =	sbr.rel $0x88, $3  }
0x1: {  	(tag) =	ssettag $0x0;
	lr =	simm.s32 $0x1  }
0x2: {  	[smem:$0x3F9F] =	sst lr;
	_ =	strace $0xD0000000  }
0x3: {  	_ = 	snop  }
0x4: {  	_ = 	snop  }
0x5: {  	_ = 	snop  }
0x6: {  	_ = 	snop  }
0x7: {  	_ = 	snop  }
__scs_overlays_trampoline_lowered:
0x8: {  	[smem:$0x3FAE] =	sst s0  }
0x9: {  	[smem:$0x3FAF] =	sst s1  }
0xa: {  	[smem:$0x3FB0] =	sst s2  }
0xb: {  	[smem:$0x3FB1] =	sst s3  }
0xc: {  	[smem:$0x3FB2] =	sst s4  }
0xd: {  	[smem:$0x3FB3] =	sst s5  }
0xe: {  	[smem:$0x3FB4] =	sst s6  }
0xf: {  	[smem:$0x3FB5] =	sst s7  }
0x10: {  	[smem:$0x3FB6] =	sst s8  }
0x11: {  	[smem:$0x3FB7] =	sst s9;
	s0 =	simm.s32 @!p0 $0x0  }
0x12: {  	s1 =	sld [smem:$0x3F9D];
	s0 =	simm.s32 @p0 $0x1  }
0x13: {  	[smem:$0x3FB8] =	sst s0;
	s0 =	simm.s32 @!p1 $0x0  }
0x14: {  	s2 =	sld [smem:$0x3F9C];
	s0 =	simm.s32 @p1 $0x1  }
0x15: {  	[smem:$0x3FB9] =	sst s0;
	s0 =	simm.s32 @!p2 $0x0  }
0x16: {  	s3 =	sld [smem:$0x3FDB];
	s0 =	simm.s32 @p2 $0x1  }
0x17: {  	s4 =	simm.s32 $0x1BF5;
	[smem:$0x3FBB] =	sst s0  }
0x18: {  	s0 =	sld [smem:$0x3F9E];
	_ =	swait.ge [sflag:s4], $0x0  }
0x19: {  	s7 =	sld [smem:$0x3F9F]  }
0x1a: {  	s8 =	sadd.s32 $0xFFFFE003, lr  }
0x1b: {  	s9 =	sadd.s32 $0xFFFFFEF7, lr;
	s5 =	simm.s32 $0xFFFFFFFF;
	p2 =	slt.u32 s8, $0xFFFFF086  }
0x1c: {  	p1 =	slt.u32 s9, $0xF7A;
	s5 =	simm.s32 @!p2 $0x0  }
0x1d: {  	s5 =	simm.s32 @p1 $0x1;
	p0 =	seq.s32 s7, s2  }
0x1e: {  	s7 =	smul.u32 @!p0 $0xF7A, s2;
	p2 =	seq.s32 @!p0 s5, $0x0  }
0x1f: {  	s9 =	smul.u32 $0xF7A, s1;
	s8 =	simm.s32 @!p0 $0x1BF5;
	p2 =	por !p2, p0  }
0x20: {  	[sflag:s8] =	ssyncset.s32 @!p0 $0xFFFFF086;
	s6 =	sadd.s32 @!p0 s3, s7;
	s7 =	simm.s32 @!p0 $0x108  }
0x21: {  	s3 =	sadd.s32 s3, s9;
	s6 =	sadd.s32 @!p0 $0x88, s6;
	s7 =	simm.s32 @p2 $0x1082  }
0x22: {  	[simem:s7], [sflag:s8] =	dma.local @!p0 [hbm:s6], $0xF7A  }
0x23: {  	s9 =	sor.u32 $0xD0000000, s2;
	s6 =	simm.s32 $0x108;
	_ =	swait.ge @!p0 [sflag:s8], $0x0  }
0x24: {  	s3 =	sadd.s32 $0x88, s3;
	s6 =	simm.s32 @!p1 $0x1082;
	[sflag:s4] =	ssyncset.s32 $0xFFFFF086  }
0x25: {  	[simem:s6], [sflag:s4] =	dma.local [hbm:s3], $0xF7A  }
0x26: {  	[smem:$0x3F9F] =	sst s1;
	(tag) =	ssettag s2;
	_ =	strace s9  }
0x27: {  	s1 =	sld [smem:$0x3FAF]  }
0x28: {  	s2 =	sld [smem:$0x3FB0]  }
0x29: {  	s4 =	sld [smem:$0x3FB2]  }
0x2a: {  	p0 =	seq.s32 s5, $0x0;
	s5 =	sld [smem:$0x3FB3]  }
0x2b: {  	s6 =	sld [smem:$0x3FB4]  }
0x2c: {  	s7 =	sld [smem:$0x3FB5]  }
0x2d: {  	s3 =	simm.s32 $0x108;
	s8 =	sld [smem:$0x3FB6]  }
0x2e: {  	s3 =	simm.s32 @!p0 $0x1082;
	s9 =	sld [smem:$0x3FB7]  }
0x2f: {  	lr =	sadd.s32 s0, s3;
	s0 =	sld [smem:$0x3FAE]  }
0x30: {  	s3 =	sld [smem:$0x3FB1]  }
0x31: {  	[smem:$0x3FBA] =	sst s10  }
0x32: {  	s10 =	sld [smem:$0x3FB8];
	_ =	sdelay $0x3  }
0x33: {  	p0 =	seq.s32 s10, $0x1;
	s10 =	sld [smem:$0x3FBA];
	_ =	sdelay $0x3  }
0x34: {  	[smem:$0x3FBA] =	sst s10  }
0x35: {  	s10 =	sld [smem:$0x3FB9];
	_ =	sdelay $0x3  }
0x36: {  	p1 =	seq.s32 s10, $0x1;
	s10 =	sld [smem:$0x3FBA];
	_ =	sdelay $0x3  }
0x37: {  	[smem:$0x3FBA] =	sst s10  }
0x38: {  	s10 =	sld [smem:$0x3FBB]  }
0x39: {  	_ = 	snop;
	(pc) =	sbr.ind lr, $3  }
0x3a: {  	_ = 	snop  }
0x3b: {  	_ = 	snop  }
0x3c: {  	p2 =	seq.s32 s10, $0x1;
	s10 =	sld [smem:$0x3FBA]  }
0x3d: {  	_ =	shalt  }
0x3e: {  	_ =	shalt  }
0x3f: {  	_ =	shalt  }
0x40: {  	_ =	shalt  }
0x41: {  	_ =	shalt  }
0x42: {  	_ =	shalt  }
0x43: {  	_ =	shalt  }
0x44: {  	_ =	shalt  }
0x45: {  	_ =	shalt  }
0x46: {  	_ =	shalt  }
0x47: {  	_ =	shalt  }
0x48: {  	_ =	shalt  }
0x49: {  	_ =	shalt  }
0x4a: {  	_ =	shalt  }
0x4b: {  	_ =	shalt  }
0x4c: {  	_ =	shalt  }
0x4d: {  	_ =	shalt  }
0x4e: {  	_ =	shalt  }
0x4f: {  	_ =	shalt  }
0x50: {  	_ =	shalt  }
0x51: {  	_ =	shalt  }
0x52: {  	_ =	shalt  }
0x53: {  	_ =	shalt  }
0x54: {  	_ =	shalt  }
0x55: {  	_ =	shalt  }
0x56: {  	_ =	shalt  }
0x57: {  	_ =	shalt  }
0x58: {  	_ =	shalt  }
0x59: {  	_ =	shalt  }
0x5a: {  	_ =	shalt  }
0x5b: {  	_ =	shalt  }
0x5c: {  	_ =	shalt  }
0x5d: {  	_ =	shalt  }
0x5e: {  	_ =	shalt  }
0x5f: {  	_ =	shalt  }
0x60: {  	_ =	shalt  }
0x61: {  	_ =	shalt  }
0x62: {  	_ =	shalt  }
0x63: {  	_ =	shalt  }
0x64: {  	_ =	shalt  }
0x65: {  	_ =	shalt  }
0x66: {  	_ =	shalt  }
0x67: {  	_ =	shalt  }
0x68: {  	_ =	shalt  }
0x69: {  	_ =	shalt  }
0x6a: {  	_ =	shalt  }
0x6b: {  	_ =	shalt  }
0x6c: {  	_ =	shalt  }
0x6d: {  	_ =	shalt  }
0x6e: {  	_ =	shalt  }
0x6f: {  	_ =	shalt  }
0x70: {  	_ =	shalt  }
0x71: {  	_ =	shalt  }
0x72: {  	_ =	shalt  }
0x73: {  	_ =	shalt  }
0x74: {  	_ =	shalt  }
0x75: {  	_ =	shalt  }
0x76: {  	_ =	shalt  }
0x77: {  	_ =	shalt  }
0x78: {  	_ =	shalt  }
0x79: {  	_ =	shalt  }
0x7a: {  	_ =	shalt  }
0x7b: {  	_ =	shalt  }
0x7c: {  	_ =	shalt  }
0x7d: {  	_ =	shalt  }
0x7e: {  	_ =	shalt  }
0x7f: {  	_ =	shalt  }
0x80: {  	_ =	shalt  }
0x81: {  	_ =	shalt  }
0x82: {  	_ =	shalt  }
0x83: {  	_ =	shalt  }
0x84: {  	_ =	shalt  }
0x85: {  	_ =	shalt  }
0x86: {  	_ =	shalt  }
0x87: {  	_ =	shalt  }
.Lfunc_end0:
.L_simem_size_0:
called_computation.2_lowered:
.L_overlay_start_0:
0x88: {  	s2 =	sld [smem:$0x3FD9]  }
0x89: {  	s3 =	sld [smem:$0x3FFE];
	_ =	sdelay $0x1  }
0x8a: {  	s1 =	srdreg.scid  }
0x8b: {  	s0 =	sand.u32 $0x1, s1  }
0x8c: {  	s17 =	sshll.u32 s0, $0xA;
	s2 =	sadd.s32 s3, s2  }
0x8d: {  	s2 =	sadd.s32 s2, s17  }
0x8e: {  	[smem:$0x3FC6] =	sst s2  }
0x8f: {  	_ = 	snop  }
0x90: {  	s2 =	sld [smem:$0x3FD0];
	(tm) =	ssettm $0x1  }
0x91: {  	s18 =	sld [smem:$0x3FFB];
	_ =	sdelay $0x3  }
0x92: {  	_ =	strace s18  }
0x93: {  	s3 =	sld [smem:$0x3FFC];
	_ =	sdelay $0x3  }
0x94: {  	_ =	strace s3  }
0x95: {  	s3 =	sld [smem:$0x3FFD];
	_ =	sdelay $0x3  }
0x96: {  	_ =	strace s3  }
0x97: {  	_ =	strace $0x8FFFFFFF  }
0x98: {  	s19 =	sld [smem:$0x3FDB];
	_ =	sdelay $0x1  }
0x99: {  	s4 =	simm.s32 $_scs_section_size  }
0x9a: {  	s5 =	simm.s32 $_size__tile_overlayer_lowered;
	s6 =	simm.s32 $_tile_overlayer_lowered  }
0x9b: {  	s22 =	simm.s32 $0x1BFF;
	s21 =	sshll.u32 s6, $0x1;
	s3 =	sadd.s32 s4, s19  }
0x9c: {  	s7 =	simm.s32 $0x0;
	s20 =	sshll.u32 s5, $0x1;
	s5 =	sadd.s32 s21, s3  }
0x9d: {  	[timem:s7], [sflag:s22] =	dma.local [hbm:s5], s20  }
0x9e: {  	_ =	swait.ge [sflag:s22], s20  }
0x9f: {  	s4 =	ssub.s32 $0x0, s20;
	[sflag:s22] =	ssyncset.done $0x0  }
0xa0: {  	[sflag:s22] =	ssyncadd.s32 s4;
	_ =	sdelay $0x1  }
0xa1: {  	s23 =	simm.s32 $0x1B8B  }
0xa2: {  	_ =	swait.ge [sflag:s23], $0x1  }
0xa3: {  	[sflag:s23] =	ssyncset.done $0x0  }
0xa4: {  	s25 =	simm.s32 $0x1B8E;
	s24 =	sld [smem:$0x3FFE];
	[sflag:s23] =	ssyncadd.s32 $0xFFFFFFFF  }
0xa5: {  	s26 =	simm.s32 $execute0_lowered;
	[smem:$0x3FD2] =	sst s25  }
0xa6: {  	s5 =	sshll.u32 s26, $0x1;
	_ =	strace $0x80000049;
	[dreg:$0x1] =	wrdreg $0xFFFFFFFF  }
0xa7: {  	s28 =	simm.s32 $_size_execute0_lowered;
	s3 =	sadd.s32 s3, s5;
	[dreg:$0x0] =	wrdreg $0x0  }
0xa8: {  	s5 =	sshll.u32 s28, $0x1;
	[dreg:$0x2] =	wrdreg s3  }
0xa9: {  	[dreg:$0x3] =	wrdreg s5  }
0xaa: {  	[dreg:$0x4] =	wrdreg $0xC0  }
0xab: {  	_ =	task [dreg:s7], $0x5FFFF  }
0xac: {  	[dreg:$0x1] =	wrdreg $0xFFFFFFFF  }
0xad: {  	[dreg:$0x0] =	wrdreg $0x60  }
0xae: {  	[dreg:$0x2] =	wrdreg s24  }
0xaf: {  	[dreg:$0x3] =	wrdreg s2  }
0xb0: {  	[dreg:$0x4] =	wrdreg $0x9  }
0xb1: {  	_ =	task.clear_ibuf [dreg:s7], $0x5FFFF;
	_ =	strace $0x90000049  }
0xb2: {  	s29 =	simm.s32 $0x9;
	_ =	strace $0x8000004B  }
0xb3: {  	_ =	swait.ge [sflag:s29], $0x1  }
0xb4: {  	[sflag:s29] =	ssyncadd.s32 $0xFFFFFFFF  }
0xb5: {  	_ =	strace $0x9000004B  }
0xb6: {  	_ =	sfence  }
0xb7: {  	s30 =	sld [smem:$0x0];
	_ =	sdelay $0x2  }
0xb8: {  	s31 =	sshll.u32 s1, $0xD;
	s1 =	sshrl.u32 s1, $0x2  }
0xb9: {  	s3 =	sand.u32 $0x4000, s31;
	s1 =	sadd.s32 s1, s30  }
0xba: {  	s0 =	sor.u32 s3, s0;
	s1 =	sshll.u32 s1, $0x11  }
0xbb: {  	s0 =	sor.u32 s1, s0  }
0xbc: {  	s0 =	sadd.s32 $0x8F2B, s0  }
0xbd: {  	[sflag:s0] =	ssyncadd.remote.s32 $0x1  }
0xbe: {  	_ =	sfence.sel $0xFFFF  }
0xbf: {  	[dreg:$0x0] =	wrdreg $0xFFFFFFFF;
	(pc) =	sbr.abs _section_cstart, $3  }
0xc0: {  	[dreg:$0x1] =	wrdreg $0xFFFFFFFF  }
0xc1: {  	_ =	task.clear_ibuf [dreg:s7], $0x2FFFF;
	_ =	strace $0x9FFFFFFF  }
0xc2: {  	(tm) =	ssettm $0x7FFFFFFF  }
0xc3: {  	_ =	shalt  }
tec
execute0_lowered:
.L_overlay_start_1:
0x0: {  	(tag) =	ssettag $0x1  }
0x1: {  	s0 =	rddreg [dreg:$0x0]  }
0x2: {  	s1 =	rddreg [dreg:$0x1]  }
0x3: {  	s2 =	simm.s32 $0x0;
	s9 =	stileid.u32;
	s3 =	srdreg.scid  }
0x4: {  	s11 =	simm.s32 $0x4000;
	s12 =	simm.s32 $0x4C00;
	s13 =	simm.s32 $0x0  }
0x5: {  	[smem:$0x7FF] =	sst s2;
	s4 =	sshll.u32 s9, $0xB;
	s5 =	sand.u32 $0x1, s3  }
0x6: {  	s6 =	sshrl.u32 s9, $0x3;
	s8 =	sshll.u32 s9, $0x7;
	s31 =	sshll.u32 s9, $0xC  }
0x7: {  	_ =	strace $0x8000004A;
	s4 =	sadd.s32 s4, s0;
	s3 =	ssub.s32 $0x2, s5  }
0x8: {  	s6 =	smul.u32 $0x6000, s6;
	s8 =	sand.u32 $0x380, s8;
	s7 =	sshrl.u32 s3, $0x1  }
0x9: {  	s4 =	sadd.s32 $0x80000, s4;
	s7 =	ssub.s32 s3, s7;
	s3 =	sshll.u32 s5, $0x9  }
0xa: {  	[dreg:$0x3] =	wrdreg s4;
	s6 =	sor.u32 s8, s6;
	s5 =	sshll.u32 s5, $0xB  }
0xb: {  	s8 =	simm.s32 $0x1;
	s6 =	sshrl.u32 s6, $0x3;
	s1 =	sadd.s32 s1, s5  }
0xc: {  	v2 =	vimm.s32 $0x1;
	s7 =	smax.u32 s7, $0x1;
	s5 =	sadd.s32 s0, s6;
	s6 =	sadd.s32 s31, s1  }
.LBB2_1:
0xd: {  	s0 =	rddreg [dreg:$0x3]  }
0xe: {  	[tilespmem:s2], [sflag:$0x1] =	stream.linear.gather [hbm4b:s0+s2], $0x4000, $0x38;
	[tilespmem:$0xCC00] =	vst v63  }
0xf: {  	_ =	swait.ge [sflag:s8], $0x4000  }
0x10: {  	[sflag:s8] =	ssyncset.done $0x0  }
0x11: {  	s29 =	simm.s32 $0x80;
	s1 =	simm.s32 $0x400;
	[sflag:s8] =	ssyncadd.s32 $0xFFFFC000  }
0x12: {  	[tilespmem:s11], [sflag:$0x1] =	stream.strided.gather [hbm4b:s5+s29], $0xC00, s1, s29, $0x38;
	[tilespmem:$0xCC00] =	vst v63  }
0x13: {  	_ =	swait.ge [sflag:s8], $0xC00  }
0x14: {  	s30 =	sand.u32 $0x70, s2;
	s31 =	sand.u32 $0x3E00, s2;
	[sflag:s8] =	ssyncset.done $0x0  }
0x15: {  	s0 =	sor.u32 s30, s31;
	[sflag:s8] =	ssyncadd.s32 $0xFFFFF400  }
0x16: {  	v5 =	vld [tilespmem:s0+$0x100]  }
0x17: {  	v6 =	vld [tilespmem:s0+$0x0]  }
0x18: {  	v7 =	vld [tilespmem:s0+$0x80];
	_ =	sdelay $0x3  }
0x19: {  	v8 =	vshrl.u32 v5, $0x10;
	v4 =	vmul.f32 v5, v5  }
0x1a: {  	v9 =	vshrl.u32 v6, $0x10;
	v10 =	vmul.f32 v6, v6;
	v11 =	vshrl.u32 v7, $0x10  }
0x1b: {  	v12 =	vmul.f32 v7, v7;
	v8 =	vand.u32 $0x1, v8;
	v9 =	vand.u32 $0x1, v9  }
0x1c: {  	v6 =	vadd.s32 v9, v6;
	v9 =	vand.u32 $0x1, v11;
	v5 =	vadd.s32 v8, v5  }
0x1d: {  	v7 =	vadd.s32 v9, v7;
	v8 =	vadd.s32 $0x7FFF, v5;
	v5 =	vadd.f32 v12, v10  }
0x1e: {  	s9 =	simm.s32 $0x0;
	s1 =	simm.s32 $0x0;
	s0 =	simm.s32 $0x10;
	v6 =	vadd.s32 $0x7FFF, v6;
	v7 =	vadd.s32 $0x7FFF, v7;
	v8 =	vand.u32 $0xFFFF0000, v8  }
.LBB2_2:
0x1f: {  	p0 =	sne.s32 s0, $0xFF0  }
0x20: {  	v6 =	vand.u32 $0xFFFF0000, v6;
	v7 =	vand.u32 $0xFFFF0000, v7;
	[tilespmem:s9+$0xAC00] =	vst v8;
	v4 =	vadd.f32 v4, v5;
	s1 =	sadd.s32 $0x40, s1;
	s14 =	smov.u32 s0;
	s0 =	sadd.s32 $0x10, s0  }
0x21: {  	[tilespmem:s9+$0x9C00] =	vst v7  }
0x22: {  	s14 =	sand.u32 $0x70, s14;
	s15 =	sand.u32 $0x3E00, s1;
	[tilespmem:s9+$0xBC00] =	vst v4  }
0x23: {  	s14 =	sor.u32 s14, s15;
	[tilespmem:s9+$0x8C00] =	vst v6  }
0x24: {  	v5 =	vld [tilespmem:s14+$0x100]  }
0x25: {  	v6 =	vld [tilespmem:s14+$0x0]  }
0x26: {  	v7 =	vld [tilespmem:s14+$0x80];
	_ =	sdelay $0x2  }
0x27: {  	v8 =	vshrl.u32 v5, $0x10;
	v4 =	vmul.f32 v5, v5  }
.Ltmp0:
0x28: {  	v9 =	vshrl.u32 v6, $0x10;
	v8 =	vand.u32 $0x1, v8;
	v10 =	vmul.f32 v6, v6;
	(pc) =	sbr.rel @p0 .LBB2_2-.Ltmp0, $4  }
0x29: {  	v9 =	vand.u32 $0x1, v9;
	v11 =	vshrl.u32 v7, $0x10;
	v12 =	vmul.f32 v7, v7  }
0x2a: {  	v5 =	vadd.s32 v8, v5;
	v6 =	vadd.s32 v9, v6;
	v9 =	vand.u32 $0x1, v11  }
0x2b: {  	v8 =	vadd.s32 $0x7FFF, v5;
	v7 =	vadd.s32 v9, v7;
	v5 =	vadd.f32 v12, v10  }
0x2c: {  	s9 =	sshra.s32 s1, $0x2;
	s14 =	simm.s32 $0x0;
	v6 =	vadd.s32 $0x7FFF, v6;
	v8 =	vand.u32 $0xFFFF0000, v8;
	v7 =	vadd.s32 $0x7FFF, v7  }
0x2d: {  	v7 =	vand.u32 $0xFFFF0000, v7;
	[tilespmem:s9+$0xAC00] =	vst v8  }
0x2e: {  	v4 =	vadd.f32 v4, v5;
	v63 =	vand.u32 $0xFFFF0000, v6;
	[tilespmem:s9+$0x9C00] =	vst v7  }
0x2f: {  	[tilespmem:s9+$0x8C00] =	vst v63  }
0x30: {  	[tilespmem:s9+$0xBC00] =	vst v4  }
.LBB2_4:
0x31: {  	s0 =	sshll.u32 s14, $0x3  }
0x32: {  	s1 =	sor.u32 s3, s0  }
0x33: {  	v4 =	vmov s1  }
0x34: {  	v5 =	vor.u32 $0x400, v4  }
0x35: {  	s22 =	sor.u32 $0x1, s0;
	v6 =	vor.u32 $0x800, v4  }
0x36: {  	s9 =	sor.u32 s3, s22  }
0x37: {  	v31 =	vmov s9  }
0x38: {  	v32 =	vor.u32 $0x400, v31;
	v7 =	vld.idx.msk [tilespmem:v4+s11+$0x0], $0xffff  }
0x39: {  	s15 =	sshll.u32 s14, $0x8;
	v0 =	vimm.s32 $0x1000;
	s23 =	sor.u32 $0x2, s0;
	v11 =	vor.u32 $0x800, v31;
	v8 =	vld.idx.msk [tilespmem:v5+s11+$0x0], $0xffff  }
0x3a: {  	s16 =	sor.u32 s3, s23;
	v10 =	vld.idx.msk [tilespmem:v6+s11+$0x0], $0xffff;
	[tilespmem:s15+$0x4C00] =	vst v0  }
0x3b: {  	v37 =	vmov s16;
	[tilespmem:s15+$0x4C10] =	vst v0  }
0x3c: {  	s24 =	sor.u32 $0x3, s0;
	v39 =	vor.u32 $0x400, v37;
	v13 =	vld.idx.msk [tilespmem:v31+s11+$0x0], $0xffff  }
0x3d: {  	s18 =	sor.u32 s3, s24;
	s16 =	sshll.u32 s22, $0x5;
	v20 =	vor.u32 $0x800, v37;
	v14 =	vld.idx.msk [tilespmem:v32+s11+$0x0], $0xffff  }
0x3e: {  	s25 =	sor.u32 $0x4, s0;
	v48 =	vmov s18;
	s17 =	sor.u32 $0x30, s16;
	v15 =	vld.idx.msk [tilespmem:v11+s11+$0x0], $0xffff;
	[tilespmem:s16+$0x4C00] =	vst v0  }
0x3f: {  	s26 =	sor.u32 $0x5, s0;
	s20 =	sor.u32 s3, s25;
	v25 =	vor.u32 $0x800, v48;
	[tilespmem:s17+$0x4C00] =	vst v0  }
0x40: {  	v57 =	vmov s20;
	s22 =	sor.u32 s3, s26;
	v22 =	vor.u32 $0x400, v48;
	v43 =	vld.idx.msk [tilespmem:v37+s11+$0x0], $0xffff  }
0x41: {  	s18 =	sshll.u32 s23, $0x5;
	v59 =	vor.u32 $0x400, v57;
	v30 =	vor.u32 $0x800, v57;
	v4 =	vmov s22;
	v21 =	vld.idx.msk [tilespmem:v39+s11+$0x0], $0xffff  }
0x42: {  	s10 =	sshllo.u32 s14, $0x3;
	s19 =	sor.u32 $0x50, s18;
	v6 =	vor.u32 $0x400, v4;
	v20 =	vld.idx.msk [tilespmem:v20+s11+$0x0], $0xffff;
	[tilespmem:s18+$0x4C00] =	vst v0;
	v33 =	vmul.f32 v7, v7;
	v35 =	vshrl.u32 v7, $0x10  }
0x43: {  	s23 =	sshll.u32 s26, $0x5;
	s26 =	sor.u32 s3, s10;
	[tilespmem:s19+$0x4C00] =	vst v0;
	v9 =	vmul.f32 v8, v8;
	v34 =	vmul.f32 v10, v10;
	v12 =	vshrl.u32 v8, $0x10  }
0x44: {  	v38 =	vshrl.u32 v10, $0x10;
	v29 =	vld.idx.msk [tilespmem:v25+s11+$0x0], $0xffff;
	v25 =	vmov s26;
	v36 =	vand.u32 $0x1, v12  }
0x45: {  	v17 =	vand.u32 $0x1, v38;
	v18 =	vmul.f32 v13, v13;
	v19 =	vmul.f32 v14, v14  }
0x46: {  	v42 =	vmul.f32 v15, v15;
	v44 =	vshrl.u32 v13, $0x10;
	v47 =	vshrl.u32 v14, $0x10  }
0x47: {  	v49 =	vshrl.u32 v15, $0x10;
	v5 =	vadd.f32 v9, v33;
	v9 =	vand.u32 $0x1, v35  }
0x48: {  	v26 =	vld.idx.msk [tilespmem:v48+s11+$0x0], $0xffff;
	v8 =	vadd.s32 v36, v8;
	v40 =	vadd.s32 v17, v10;
	v46 =	vand.u32 $0x1, v44  }
0x49: {  	s20 =	sshll.u32 s24, $0x5;
	v27 =	vld.idx.msk [tilespmem:v22+s11+$0x0], $0xffff;
	v35 =	vor.u32 $0x800, v4;
	v7 =	vadd.s32 v9, v7;
	v16 =	vadd.s32 $0x7FFF, v8  }
0x4a: {  	s21 =	sor.u32 $0x70, s20;
	[tilespmem:s20+$0x4C00] =	vst v0;
	v41 =	vadd.f32 v19, v18;
	v13 =	vadd.s32 v46, v13;
	v23 =	vmul.f32 v43, v43  }
0x4b: {  	[tilespmem:s21+$0x4C00] =	vst v0;
	v18 =	vand.u32 $0x1, v49;
	v24 =	vmul.f32 v21, v21;
	v53 =	vmul.f32 v20, v20  }
0x4c: {  	v33 =	vld.idx.msk [tilespmem:v57+s11+$0x0], $0xffff;
	v54 =	vshrl.u32 v43, $0x10;
	v56 =	vshrl.u32 v21, $0x10;
	v58 =	vshrl.u32 v20, $0x10  }
0x4d: {  	s22 =	sshll.u32 s25, $0x5;
	v62 =	vld.idx.msk [tilespmem:v59+s11+$0x0], $0xffff;
	v1 =	vadd.f32 v34, v5;
	v7 =	vadd.s32 $0x7FFF, v7;
	v13 =	vadd.s32 $0x7FFF, v13  }
0x4e: {  	v15 =	vadd.s32 v18, v15;
	v55 =	vand.u32 $0x1, v54;
	v22 =	vand.u32 $0x1, v56;
	v34 =	vld.idx.msk [tilespmem:v30+s11+$0x0], $0xffff;
	[tilespmem:s22+$0x4C00] =	vst v0  }
0x4f: {  	[tilespmem:s22+$0x4C10] =	vst v0;
	v45 =	vadd.f32 v42, v41;
	v51 =	vadd.s32 $0x7FFF, v15;
	v52 =	vadd.f32 v24, v23  }
0x50: {  	v19 =	vadd.s32 v55, v43;
	v21 =	vadd.s32 v22, v21;
	[tilespmem:$0x1FD60] =	vst v1;
	v1 =	vmov s15  }
0x51: {  	s0 =	sor.u32 $0x6, s0;
	v22 =	vand.u32 $0x1, v58;
	v60 =	vmul.f32 v26, v26;
	v28 =	vmul.f32 v27, v27;
	[tilespmem:$0x1FD70] =	vst v1  }
0x52: {  	s4 =	sor.u32 s3, s0;
	v32 =	vmul.f32 v29, v29;
	v61 =	vshrl.u32 v26, $0x10;
	v39 =	vld.idx.msk [tilespmem:v4+s11+$0x0], $0xffff;
	v1 =	vadd.s32 $0xFFFFFFFF, v1;
	[tilespmem:$0x1FDC0] =	vst v45  }
0x53: {  	v63 =	vshrl.u32 v27, $0x10;
	v15 =	vmov s4;
	v55 =	vimm.s32 $0x0;
	v41 =	vld.idx.msk [tilespmem:v35+s11+$0x0], $0xffff;
	[tilespmem:$0x1FD80] =	vst v1  }
0x54: {  	v19 =	vadd.s32 $0x7FFF, v19;
	v1 =	vand.u32 $0xFFFF0000, v7;
	v7 =	vadd.s32 $0x7FFF, v40;
	v40 =	vld.idx.msk [tilespmem:v6+s11+$0x0], $0xffff;
	[tilespmem:s23+$0x4C00] =	vst v0  }
0x55: {  	s24 =	sor.u32 $0x30, s23;
	v21 =	vadd.s32 $0x7FFF, v21;
	v20 =	vadd.s32 v22, v20;
	v5 =	vand.u32 $0x1, v63;
	[tilespmem:$0x1FD90] =	vst v1  }
0x56: {  	v43 =	vor.u32 $0x800, v15;
	v31 =	vadd.s32 $0x7FFF, v20;
	v1 =	vand.u32 $0xFFFF0000, v16;
	[tilespmem:s24+$0x4C00] =	vst v0  }
0x57: {  	v37 =	vmul.f32 v33, v33;
	v16 =	vand.u32 $0x1, v47;
	[tilespmem:$0x1FDA0] =	vst v1;
	v1 =	vand.u32 $0xFFFF0000, v7  }
0x58: {  	v38 =	vmul.f32 v62, v62;
	v16 =	vadd.s32 v16, v14;
	[tilespmem:$0x1FDB0] =	vst v1;
	v1 =	vmov s16  }
0x59: {  	v50 =	vadd.s32 $0x7FFF, v16;
	v16 =	vor.u32 $0x400, v15;
	[tilespmem:$0x1FDD0] =	vst v1;
	v1 =	vadd.s32 $0xFFFFFFFF, v1  }
0x5a: {  	v28 =	vadd.f32 v28, v60;
	v11 =	vshrl.u32 v33, $0x10;
	[tilespmem:$0x1FDE0] =	vst v1;
	v1 =	vand.u32 $0xFFFF0000, v13  }
0x5b: {  	v9 =	vadd.f32 v38, v37;
	v10 =	vmul.f32 v34, v34;
	[tilespmem:$0x1FDF0] =	vst v1;
	v1 =	vand.u32 $0xFFFF0000, v50  }
0x5c: {  	v17 =	vshrl.u32 v34, $0x10;
	v7 =	vshrl.u32 v29, $0x10;
	v23 =	vld.idx.msk [tilespmem:v15+s11+$0x0], $0xffff;
	[tilespmem:$0x1FE00] =	vst v1;
	v1 =	vand.u32 $0xFFFF0000, v51  }
0x5d: {  	s25 =	sshll.u32 s0, $0x5;
	v14 =	vshrl.u32 v62, $0x10;
	v18 =	vmul.f32 v39, v39;
	v46 =	vld.idx.msk [tilespmem:v43+s11+$0x0], $0xffff;
	[tilespmem:$0x1FE10] =	vst v1;
	v1 =	vadd.f32 v53, v52  }
0x5e: {  	v24 =	vshrl.u32 v39, $0x10;
	v36 =	vand.u32 $0x1, v7;
	v12 =	vadd.f32 v10, v9;
	v44 =	vld.idx.msk [tilespmem:v16+s11+$0x0], $0xffff;
	[tilespmem:s25+$0x4C00] =	vst v0  }
0x5f: {  	v8 =	vadd.s32 v36, v29;
	v20 =	vmul.f32 v41, v41;
	[tilespmem:$0x1FE20] =	vst v1;
	v1 =	vmov s18  }
0x60: {  	v29 =	vor.u32 $0x800, v25;
	v42 =	vmul.f32 v40, v40;
	[tilespmem:$0x1FE30] =	vst v1;
	v1 =	vadd.s32 $0xFFFFFFFF, v1  }
0x61: {  	v13 =	vand.u32 $0x1, v11;
	v45 =	vshrl.u32 v40, $0x10;
	[tilespmem:$0x1FE40] =	vst v1;
	v1 =	vand.u32 $0xFFFF0000, v19  }
0x62: {  	v37 =	vadd.f32 v42, v18;
	v43 =	vshrl.u32 v46, $0x10;
	[tilespmem:$0x1FE50] =	vst v1;
	v1 =	vand.u32 $0xFFFF0000, v21  }
0x63: {  	v47 =	vmul.f32 v23, v23;
	v58 =	vand.u32 $0x1, v43;
	[tilespmem:$0x1FE60] =	vst v1;
	v1 =	vand.u32 $0xFFFF0000, v31  }
0x64: {  	s26 =	sor.u32 $0x50, s25;
	v38 =	vmul.f32 v46, v46;
	v46 =	vadd.s32 v58, v46;
	[tilespmem:$0x1FE70] =	vst v1;
	v1 =	vadd.f32 v32, v28  }
0x65: {  	[tilespmem:s26+$0x4C00] =	vst v0;
	v58 =	vimm.s32 $0x0;
	v60 =	vadd.s32 $0x7FFF, v46;
	v21 =	vand.u32 $0x1, v61  }
0x66: {  	v19 =	vand.u32 $0x1, v17;
	v21 =	vadd.s32 v21, v26;
	[tilespmem:$0x1FE80] =	vst v1;
	v1 =	vmov s20  }
0x67: {  	v26 =	vadd.s32 v5, v27;
	v21 =	vadd.s32 $0x7FFF, v21;
	[tilespmem:$0x1FE90] =	vst v1;
	v1 =	vadd.s32 $0xFFFFFFFF, v1  }
0x68: {  	v46 =	vand.u32 $0xFFFF0000, v60;
	v26 =	vadd.s32 $0x7FFF, v26;
	[tilespmem:$0x1FEA0] =	vst v1;
	v1 =	vand.u32 $0xFFFF0000, v21  }
0x69: {  	v34 =	vadd.s32 v19, v34;
	v21 =	vadd.s32 $0x7FFF, v8;
	[tilespmem:$0x1FEB0] =	vst v1;
	v1 =	vand.u32 $0xFFFF0000, v26  }
0x6a: {  	v50 =	vld.idx.msk [tilespmem:v25+s11+$0x0], $0xffff;
	v48 =	vmul.f32 v44, v44;
	v22 =	vadd.s32 $0x7FFF, v34;
	[tilespmem:$0x1FEC0] =	vst v1;
	v1 =	vand.u32 $0xFFFF0000, v21  }
0x6b: {  	v26 =	vadd.s32 v13, v33;
	v33 =	vand.u32 $0x1, v14;
	[tilespmem:$0x1FED0] =	vst v1;
	v1 =	vmov s22  }
0x6c: {  	v26 =	vadd.s32 $0x7FFF, v26;
	v32 =	vadd.s32 v33, v62;
	[tilespmem:$0x1FEF0] =	vst v1;
	v1 =	vadd.s32 $0xFFFFFFFF, v1  }
0x6d: {  	v21 =	vadd.s32 $0x7FFF, v32;
	[tilespmem:$0x1FF00] =	vst v1;
	v1 =	vand.u32 $0xFFFF0000, v26;
	v26 =	vor.u32 $0x400, v25  }
0x6e: {  	v27 =	vand.u32 $0x1, v45;
	v28 =	vshrl.u32 v41, $0x10;
	[tilespmem:$0x1FF10] =	vst v1;
	v1 =	vand.u32 $0xFFFF0000, v21  }
0x6f: {  	v56 =	vmul.f32 v50, v50;
	v32 =	vand.u32 $0x1, v24;
	[tilespmem:$0x1FF20] =	vst v1;
	v1 =	vand.u32 $0xFFFF0000, v22  }
0x70: {  	v61 =	vshrl.u32 v50, $0x10;
	v32 =	vadd.s32 v32, v39;
	[tilespmem:$0x1FF30] =	vst v1;
	v1 =	vadd.f32 v20, v37  }
0x71: {  	v39 =	vadd.s32 v27, v40;
	v40 =	vand.u32 $0x1, v28;
	v32 =	vadd.s32 $0x7FFF, v32  }
0x72: {  	v49 =	vadd.s32 $0x7FFF, v39;
	v35 =	vadd.s32 v40, v41;
	[tilespmem:$0x1FF40] =	vst v1;
	v1 =	vmov s23;
	v51 =	vld.idx.msk [tilespmem:v26+s11+$0x0], $0xffff  }
0x73: {  	v39 =	vshrl.u32 v23, $0x10;
	v40 =	vshrl.u32 v44, $0x10;
	[tilespmem:$0x1FF50] =	vst v1;
	v1 =	vadd.s32 $0xFFFFFFFF, v1  }
0x74: {  	v41 =	vadd.s32 $0x7FFF, v35;
	v42 =	vand.u32 $0x1, v39;
	[tilespmem:$0x1FF60] =	vst v1;
	v1 =	vand.u32 $0xFFFF0000, v32  }
0x75: {  	v37 =	vadd.f32 v48, v47;
	v47 =	vand.u32 $0x1, v40;
	[tilespmem:$0x1FF70] =	vst v1;
	v1 =	vand.u32 $0xFFFF0000, v49  }
0x76: {  	v34 =	vadd.s32 v42, v23;
	v44 =	vadd.s32 v47, v44;
	[tilespmem:$0x1FF80] =	vst v1;
	v1 =	vand.u32 $0xFFFF0000, v41  }
0x77: {  	v41 =	vld.idx.msk [tilespmem:v29+s11+$0x0], $0xffff;
	[tilespmem:$0x1FF90] =	vst v1;
	v1 =	vadd.f32 v38, v37;
	v57 =	vmul.f32 v51, v51;
	v53 =	vshrl.u32 v51, $0x10  }
0x78: {  	v34 =	vadd.s32 $0x7FFF, v34;
	v52 =	vadd.s32 $0x7FFF, v44;
	v53 =	vand.u32 $0x1, v53  }
0x79: {  	[tilespmem:$0x1FFA0] =	vst v1;
	v1 =	vmov s25;
	v47 =	vadd.f32 v57, v56;
	v51 =	vadd.s32 v53, v51  }
0x7a: {  	v53 =	vimm.s32 $0x0;
	v56 =	vimm.s32 $0x0;
	[tilespmem:$0x1FFB0] =	vst v1;
	v1 =	vadd.s32 $0xFFFFFFFF, v1  }
0x7b: {  	v57 =	vimm.s32 $0x0;
	v51 =	vadd.s32 $0x7FFF, v51;
	[tilespmem:$0x1FFC0] =	vst v1;
	v1 =	vand.u32 $0xFFFF0000, v34  }
0x7c: {  	v59 =	vmul.f32 v41, v41;
	v54 =	vshrl.u32 v41, $0x10;
	[tilespmem:$0x1FFD0] =	vst v1;
	v1 =	vand.u32 $0xFFFF0000, v52  }
0x7d: {  	s28 =	sshll.u32 s10, $0x5;
	[tilespmem:$0x1FEE0] =	vst v12;
	v52 =	vand.u32 $0x1, v61;
	v62 =	vand.u32 $0x1, v54;
	v54 =	vimm.s32 $0x0  }
0x7e: {  	[tilespmem:$0x1FFE0] =	vst v1;
	v47 =	vadd.f32 v59, v47;
	v1 =	vmov s28;
	v50 =	vadd.s32 v52, v50  }
0x7f: {  	s29 =	sor.u32 $0x70, s28;
	[tilespmem:s28+$0x4C00] =	vst v0;
	v52 =	vadd.s32 v62, v41;
	v59 =	vimm.s32 $0x0;
	v48 =	vadd.s32 $0xFFFFFFFF, v1  }
0x80: {  	s30 =	simm.s32 $0x8C10;
	s31 =	simm.s32 $0x9C10;
	[tilespmem:s29+$0x4C00] =	vst v0;
	v50 =	vadd.s32 $0x7FFF, v50;
	v63 =	vadd.s32 $0x7FFF, v52;
	v52 =	vimm.s32 $0x0  }
0x81: {  	s1 =	simm.s32 $0xBC10;
	s9 =	simm.s32 $0x0;
	s0 =	simm.s32 $0xAC10;
	[tilespmem:$0x1FFF0] =	vst v1;
	v49 =	vand.u32 $0xFFFF0000, v50;
	v50 =	vand.u32 $0xFFFF0000, v51;
	v51 =	vand.u32 $0xFFFF0000, v63  }
.LBB2_5:
0x82: {  	v60 =	vld [tilespmem:s30+$0xFFFFFFF0]  }
0x83: {  	v61 =	vld [tilespmem:s31+$0xFFFFFFF0]  }
0x84: {  	v62 =	vld [tilespmem:s0+$0xFFFFFFF0]  }
0x85: {  	v8 =	vld [tilespmem:$0x1FD90]  }
0x86: {  	v9 =	vld [tilespmem:$0x1FDA0]  }
0x87: {  	v10 =	vld [tilespmem:$0x1FDB0]  }
0x88: {  	v15 =	vld [tilespmem:$0x1FDF0]  }
0x89: {  	v16 =	vld [tilespmem:$0x1FE00]  }
0x8a: {  	v22 =	vld [tilespmem:$0x1FE50]  }
0x8b: {  	v23 =	vld [tilespmem:$0x1FE60]  }
0x8c: {  	v17 =	vld [tilespmem:$0x1FE10]  }
0x8d: {  	v24 =	vld [tilespmem:$0x1FE70]  }
0x8e: {  	v26 =	vld [tilespmem:s1+$0xFFFFFFF0]  }
0x8f: {  	v28 =	vld [tilespmem:$0x1FEB0]  }
0x90: {  	v29 =	vld [tilespmem:$0x1FEC0]  }
0x91: {  	v30 =	vld [tilespmem:$0x1FED0]  }
0x92: {  	v6 =	vld [tilespmem:$0x1FD60]  }
0x93: {  	v12 =	vld [tilespmem:$0x1FDC0];
	v63 =	vmul.f32 v8, v60;
	v4 =	vmul.f32 v9, v61  }
0x94: {  	v36 =	vld [tilespmem:$0x1FF20];
	v39 =	vmul.f32 v10, v62;
	v7 =	vmul.f32 v15, v60  }
0x95: {  	v35 =	vld [tilespmem:$0x1FF10];
	v13 =	vmul.f32 v16, v61;
	v40 =	vmul.f32 v22, v60  }
0x96: {  	v18 =	vld [tilespmem:$0x1FE20];
	v19 =	vmul.f32 v23, v61;
	v41 =	vmul.f32 v17, v62  }
0x97: {  	v25 =	vld [tilespmem:$0x1FE80];
	v21 =	vmul.f32 v24, v62;
	v42 =	vmul.f32 v28, v60  }
0x98: {  	v37 =	vld [tilespmem:$0x1FF30];
	v32 =	vmul.f32 v29, v61;
	v45 =	vmul.f32 v30, v62;
	v4 =	vadd.f32 v4, v63  }
0x99: {  	v3 =	vld [tilespmem:$0x1FFE0];
	v11 =	vmul.f32 v36, v61;
	v7 =	vadd.f32 v13, v7;
	v19 =	vadd.f32 v19, v40  }
0x9a: {  	v44 =	vadd.f32 v32, v42;
	v63 =	vmul.f32 v35, v60;
	v40 =	vld [tilespmem:$0x1FF70];
	v4 =	vadd.f32 v39, v4  }
0x9b: {  	v42 =	vld [tilespmem:$0x1FF90];
	v7 =	vadd.f32 v41, v7;
	v43 =	vadd.f32 v21, v19  }
0x9c: {  	v19 =	vadd.f32 v45, v44;
	v21 =	vadd.f32 v11, v63;
	v41 =	vld [tilespmem:$0x1FF80]  }
0x9d: {  	v27 =	vmul.f32 v37, v62;
	v45 =	vld [tilespmem:$0x1FFD0];
	v4 =	vadd.f32 v4, v4;
	v7 =	vadd.f32 v7, v7  }
0x9e: {  	v1 =	vmul.f32 v3, v61;
	v13 =	vadd.f32 v43, v43;
	v19 =	vadd.f32 v19, v19  }
0x9f: {  	v21 =	vadd.f32 v27, v21;
	v38 =	vmul.f32 v40, v60;
	v4 =	vsub.f32 v6, v4  }
0xa0: {  	v0 =	vmul.f32 v42, v62;
	v7 =	vsub.f32 v12, v7;
	v13 =	vsub.f32 v18, v13  }
0xa1: {  	v19 =	vsub.f32 v25, v19;
	v21 =	vadd.f32 v21, v21;
	v34 =	vmul.f32 v41, v61  }
0xa2: {  	v44 =	vmul.f32 v45, v60;
	v60 =	vmul.f32 v49, v60;
	v4 =	vadd.f32 v4, v26  }
0xa3: {  	v31 =	vld [tilespmem:$0x1FEE0];
	v61 =	vmul.f32 v50, v61;
	v7 =	vadd.f32 v7, v26;
	v34 =	vadd.f32 v34, v38  }
0xa4: {  	v11 =	vmul.f32 v46, v62;
	v13 =	vadd.f32 v13, v26;
	v1 =	vadd.f32 v1, v44;
	v38 =	vld [tilespmem:$0x1FF40]  }
0xa5: {  	v20 =	vmul.f32 v51, v62;
	v43 =	vld [tilespmem:$0x1FFA0];
	v14 =	vadd.f32 v61, v60;
	v0 =	vadd.f32 v0, v34  }
0xa6: {  	v19 =	vadd.f32 v19, v26;
	vm7 =	vle.f32 v4, $3.999999910e-02;
	v1 =	vadd.f32 v11, v1  }
0xa7: {  	vm5 =	vle.f32 v7, $3.999999910e-02;
	(xrf0) =	vadd.scan.msk.s32 vm7, v2;
	v27 =	vadd.f32 v20, v14;
	v0 =	vadd.f32 v0, v0  }
0xa8: {  	v21 =	vsub.f32 v31, v21;
	(xrf0) =	vadd.scan.msk.s32 vm5, v2;
	v1 =	vadd.f32 v1, v1  }
0xa9: {  	vm6 =	vle.f32 v13, $3.999999910e-02;
	v7 =	vadd.f32 v27, v27;
	v0 =	vsub.f32 v38, v0  }
0xaa: {  	v4 =	vadd.f32 v21, v26;
	vm4 =	vle.f32 v19, $3.999999910e-02;
	(xrf0) =	vadd.scan.msk.s32 vm6, v2;
	v1 =	vsub.f32 v43, v1  }
0xab: {  	v11 =	vld [tilespmem:$0x1FD80];
	(xrf0) =	vadd.scan.msk.s32 vm4, v2;
	v32 =	vsub.f32 v47, v7;
	v0 =	vadd.f32 v0, v26  }
0xac: {  	v14 =	vld [tilespmem:$0x1FDE0];
	vm3 =	vle.f32 v4, $3.999999910e-02;
	v1 =	vadd.f32 v1, v26  }
0xad: {  	(xrf0) =	vadd.scan.msk.s32 vm3, v2;
	v33, _, _ =	vpop (xrf0);
	vm2 =	vle.f32 v0, $3.999999910e-02;
	v0 =	vadd.f32 v32, v26  }
0xae: {  	v5 =	vlaneseq.u32;
	v20 =	vld [tilespmem:$0x1FE40];
	v34 =	vadd.s32 v58, v33;
	v39, _, _ =	vpop (xrf0);
	vm1 =	vle.f32 v1, $3.999999910e-02;
	(xrf0) =	vadd.scan.msk.s32 vm2, v2  }
0xaf: {  	v27 =	vld [tilespmem:$0x1FEA0];
	vm8 =	vlt.s32 v34, $0x21;
	v1 =	vadd.s32 v57, v39;
	(xrf0) =	vadd.scan.msk.s32 vm1, v2;
	vm0 =	vle.f32 v0, $3.999999910e-02  }
0xb0: {  	v33 =	vld [tilespmem:$0x1FF00];
	v44, _, _ =	vpop (xrf0);
	v4 =	vadd.s32 v11, v34;
	vm8 =	vmand vm7, vm8;
	vm9 =	vlt.s32 v1, $0x21;
	(xrf0) =	vadd.scan.msk.s32 vm0, v2  }
0xb1: {  	v7 =	vadd.s32 v59, v44;
	v60, _, _ =	vpop (xrf0);
	v1 =	vadd.s32 v14, v1;
	v0 =	vor.u32 s9, v5  }
0xb2: {  	vm9 =	vmand vm5, vm9;
	vm10 =	vlt.s32 v7, $0x21;
	v13 =	vadd.s32 v55, v60  }
0xb3: {  	v39 =	vld [tilespmem:$0x1FF60];
	v61, _, _ =	vpop (xrf0);
	v7 =	vadd.s32 v20, v7;
	vm10 =	vmand vm6, vm10;
	vm11 =	vlt.s32 v13, $0x21  }
0xb4: {  	v44 =	vld [tilespmem:$0x1FFC0];
	v19 =	vadd.s32 v54, v61;
	v13 =	vadd.s32 v27, v13;
	vm11 =	vmand vm4, vm11;
	v62, _, _ =	vpop (xrf0)  }
0xb5: {  	vm12 =	vlt.s32 v19, $0x21;
	v19 =	vadd.s32 v33, v19;
	v21 =	vadd.s32 v56, v62;
	v63, _, _ =	vpop (xrf0)  }
0xb6: {  	vm12 =	vmand vm3, vm12;
	vm13 =	vlt.s32 v21, $0x21;
	v26 =	vadd.s32 v53, v63;
	v5, _, _ =	vpop (xrf0)  }
0xb7: {  	vm13 =	vmand vm2, vm13;
	vm14 =	vlt.s32 v26, $0x21;
	v32 =	vadd.s32 v52, v5  }
0xb8: {  	[tilespmem:v4+s12+$0x0] =	vst.idx.msk vm8, v0;
	v21 =	vadd.s32 v39, v21;
	vm8 =	vmand vm1, vm14;
	vm14 =	vlt.s32 v32, $0x21  }
0xb9: {  	[tilespmem:v1+s12+$0x0] =	vst.idx.msk vm9, v0;
	v1 =	vadd.s32 v44, v26;
	vm15 =	vmand vm0, vm14  }
0xba: {  	[tilespmem:v7+s12+$0x0] =	vst.idx.msk vm10, v0;
	v32 =	vadd.s32 v48, v32  }
0xbb: {  	[tilespmem:v13+s12+$0x0] =	vst.idx.msk vm11, v0  }
0xbc: {  	[tilespmem:v19+s12+$0x0] =	vst.idx.msk vm12, v0  }
0xbd: {  	[tilespmem:v21+s12+$0x0] =	vst.idx.msk vm13, v0  }
0xbe: {  	[tilespmem:v1+s12+$0x0] =	vst.idx.msk vm8, v0  }
0xbf: {  	[tilespmem:v32+s12+$0x0] =	vst.idx.msk vm15, v0  }
0xc0: {  	v0 =	vld [tilespmem:s30+$0x0]  }
0xc1: {  	v1 =	vld [tilespmem:s31+$0x0]  }
0xc2: {  	v4 =	vld [tilespmem:s0+$0x0];
	_ =	sdelay $0x2  }
0xc3: {  	v7 =	vmpcnt.ones.xlane vm7;
	v34 =	vmul.f32 v8, v0  }
0xc4: {  	v60 =	vmul.f32 v9, v1;
	v61 =	vmul.f32 v15, v0  }
0xc5: {  	v62 =	vmul.f32 v16, v1;
	v63 =	vmul.f32 v10, v4  }
0xc6: {  	v5 =	vmul.f32 v17, v4;
	v8 =	vmul.f32 v22, v0  }
0xc7: {  	v9 =	vmul.f32 v23, v1;
	v10 =	vmul.f32 v28, v0  }
0xc8: {  	v28 =	vmul.f32 v29, v1;
	v29 =	vmul.f32 v24, v4;
	v13 =	vadd.f32 v60, v34  }
0xc9: {  	v30 =	vmul.f32 v30, v4;
	v21 =	vadd.f32 v62, v61;
	v26 =	vadd.f32 v9, v8  }
0xca: {  	v19 =	vadd.f32 v28, v10;
	v10 =	vmpcnt.ones.xlane vm5;
	v28 =	vmul.f32 v35, v0  }
0xcb: {  	v13 =	vadd.f32 v63, v13;
	v9 =	vadd.f32 v29, v26;
	v29 =	vmul.f32 v36, v1  }
0xcc: {  	v21 =	vadd.f32 v5, v21;
	v36 =	vmul.f32 v37, v4;
	v37 =	vmul.f32 v40, v0  }
0xcd: {  	v19 =	vadd.f32 v30, v19;
	v40 =	vmul.f32 v41, v1;
	v41 =	vmul.f32 v42, v4  }
0xce: {  	v42 =	vmul.f32 v45, v0;
	v45 =	vmul.f32 v3, v1;
	v13 =	vadd.f32 v13, v13  }
0xcf: {  	v0 =	vmul.f32 v49, v0;
	v62 =	vadd.f32 v21, v21;
	v21 =	vadd.f32 v9, v9  }
0xd0: {  	v1 =	vmul.f32 v50, v1;
	v19 =	vadd.f32 v19, v19;
	v26 =	vadd.f32 v29, v28  }
0xd1: {  	v63 =	vld [tilespmem:s1+$0x0];
	v61 =	vadd.s32 v57, v10;
	v57 =	vadd.f32 v40, v37;
	v5 =	vadd.f32 v45, v42  }
0xd2: {  	v60 =	vadd.s32 v58, v7;
	v0 =	vadd.f32 v1, v0;
	v13 =	vsub.f32 v6, v13  }
0xd3: {  	v8 =	vmul.f32 v46, v4;
	v7 =	vsub.f32 v12, v62;
	v21 =	vsub.f32 v18, v21  }
0xd4: {  	v1 =	vmul.f32 v51, v4;
	v19 =	vsub.f32 v25, v19;
	v26 =	vadd.f32 v36, v26  }
0xd5: {  	v9 =	vadd.f32 v41, v57;
	v5 =	vadd.f32 v8, v5  }
0xd6: {  	v24 =	vmpcnt.ones.xlane vm6;
	v0 =	vadd.f32 v1, v0;
	v13 =	vadd.f32 v13, v63  }
0xd7: {  	v17 =	vmpcnt.ones.xlane vm0;
	v7 =	vadd.f32 v7, v63;
	v21 =	vadd.f32 v21, v63  }
0xd8: {  	v3 =	vimm.f32 $0.0e+00;
	v19 =	vadd.f32 v19, v63;
	v26 =	vadd.f32 v26, v26  }
0xd9: {  	v10 =	vmpcnt.ones.xlane vm4;
	v23 =	vadd.f32 v9, v9;
	v5 =	vadd.f32 v5, v5  }
0xda: {  	v0 =	vadd.f32 v0, v0;
	vm7 =	vle.f32 v13, $3.999999910e-02;
	v26 =	vsub.f32 v31, v26  }
0xdb: {  	vm9 =	vle.f32 v7, $3.999999910e-02;
	v25 =	vsub.f32 v38, v23;
	v5 =	vsub.f32 v43, v5;
	(xrf0) =	vadd.scan.msk.s32 vm7, v2  }
0xdc: {  	vm10 =	vle.f32 v21, $3.999999910e-02;
	v0 =	vsub.f32 v47, v0;
	(xrf0) =	vadd.scan.msk.s32 vm9, v2;
	v26 =	vadd.f32 v26, v63  }
0xdd: {  	vm6 =	vle.f32 v19, $3.999999910e-02;
	v1 =	vmpcnt.ones.xlane vm7;
	v7 =	vadd.f32 v25, v63;
	(xrf0) =	vadd.scan.msk.s32 vm10, v2  }
0xde: {  	v5 =	vadd.f32 v5, v63;
	v0 =	vadd.f32 v0, v63;
	(xrf0) =	vadd.scan.msk.s32 vm6, v2;
	vm8 =	vle.f32 v26, $3.999999910e-02  }
0xdf: {  	v29 =	vmpcnt.ones.xlane vm3;
	v28 =	vmpcnt.ones.xlane vm9;
	vm4 =	vle.f32 v7, $3.999999910e-02;
	(xrf0) =	vadd.scan.msk.s32 vm8, v2  }
0xe0: {  	v35 =	vmpcnt.ones.xlane vm10;
	v58 =	vadd.s32 v60, v1;
	vm5 =	vle.f32 v5, $3.999999910e-02;
	(xrf0) =	vadd.scan.msk.s32 vm4, v2  }
0xe1: {  	v57 =	vadd.s32 v61, v28;
	vm3 =	vle.f32 v0, $3.999999910e-02;
	vm12 =	vgt.s32 v58, $0x1F;
	v1, _, _ =	vpop (xrf0);
	(xrf0) =	vadd.scan.msk.s32 vm5, v2  }
0xe2: {  	v62 =	vadd.s32 v59, v24;
	vm13 =	vgt.s32 v57, $0x1F;
	v37 =	vsel vm12, $0x3F800000, v3;
	v0, _, _ =	vpop (xrf0);
	(xrf0) =	vadd.scan.msk.s32 vm3, v2  }
0xe3: {  	v36 =	vmpcnt.ones.xlane vm6;
	v59 =	vadd.s32 v62, v35;
	v38 =	vsel vm13, $0x3F800000, v3;
	v26, _, _ =	vpop (xrf0);
	(xrf0) =	vmax.scan.msk.f32 $0xffff, v37  }
0xe4: {  	v4 =	vadd.s32 v55, v10;
	v40 =	vmpcnt.ones.xlane vm2;
	vm14 =	vgt.s32 v59, $0x1F;
	v19, _, _ =	vpop (xrf0);
	(xrf0) =	vmax.scan.msk.f32 $0xffff, v38  }
0xe5: {  	v55 =	vadd.s32 v4, v36;
	v41 =	vmpcnt.ones.xlane vm8;
	v42 =	vsel vm14, $0x3F800000, v3;
	v7, _, _ =	vpop (xrf0)  }
0xe6: {  	v43 =	vmpcnt.ones.xlane vm1;
	v13 =	vadd.s32 v54, v29;
	vm15 =	vgt.s32 v55, $0x1F;
	(xrf0) =	vmax.scan.msk.f32 $0xffff, v42;
	v12, _, _ =	vpop (xrf0)  }
0xe7: {  	v45 =	vsel vm15, $0x3F800000, v3;
	v16 =	vmpcnt.ones.xlane vm4;
	v54 =	vadd.s32 v13, v41;
	v15, _, _ =	vpop (xrf0)  }
0xe8: {  	v34 =	vadd.s32 v53, v43;
	v5 =	vadd.s32 v56, v40;
	vm11 =	vgt.s32 v54, $0x1F;
	(xrf0) =	vmax.scan.msk.f32 $0xffff, v45;
	v24, _, _ =	vpop (xrf0)  }
0xe9: {  	v18 =	vmpcnt.ones.xlane vm5;
	v56 =	vadd.s32 v5, v16;
	v28 =	vsel vm11, $0x3F800000, v3;
	v25, _, _ =	vpop (xrf0)  }
0xea: {  	v30 =	vmpcnt.ones.xlane vm3;
	vm12 =	vgt.s32 v56, $0x1F;
	(xrf0) =	vmax.scan.msk.f32 $0xffff, v28;
	(v2sf) =	vpush v25, $0xF;
	v29, _, _ =	vpop (xrf0)  }
0xeb: {  	v53 =	vadd.s32 v34, v18;
	v31 =	vsel vm12, $0x3F800000, v3;
	(v2sf) =	vpush v29, $0xF  }
0xec: {  	v8 =	vadd.s32 v52, v17;
	vm13 =	vgt.s32 v53, $0x1F;
	(xrf0) =	vmax.scan.msk.f32 $0xffff, v31;
	v35, _, _ =	vpop (xrf0)  }
0xed: {  	v52 =	vadd.s32 v8, v30;
	v36 =	vsel vm13, $0x3F800000, v3;
	(v2sf) =	vpush v35, $0xF  }
0xee: {  	vm14 =	vgt.s32 v52, $0x1F;
	v37, _, _ =	vpop (xrf0);
	(xrf0) =	vmax.scan.msk.f32 $0xffff, v36  }
0xef: {  	v38 =	vsel vm14, $0x3F800000, v3;
	(v2sf) =	vpush v37, $0xF  }
0xf0: {  	v40, _, _ =	vpop (xrf0);
	(xrf0) =	vmax.scan.msk.f32 $0xffff, v38  }
0xf1: {  	(v2sf) =	vpush v40, $0xF  }
0xf2: {  	v41, _, _ =	vpop (xrf0)  }
0xf3: {  	(v2sf) =	vpush v41, $0xF  }
0xf4: {  	v42, _, _ =	vpop (xrf0)  }
0xf5: {  	(v2sf) =	vpush v42, $0xF  }
0xf6: {  	v43, _, _ =	vpop (xrf0)  }
0xf7: {  	(v2sf) =	vpush v43, $0xF;
	_ =	sdelay $0x1  }
0xf8: {  	s10 =	spop (v2sf)  }
0xf9: {  	s4 =	spop (v2sf)  }
0xfa: {  	p0 =	sgt.f32 s10, $0.0e+00;
	p1 =	sgt.f32 s4, $0.0e+00  }
0xfb: {  	s10 =	spop (v2sf)  }
0xfc: {  	v45 =	vlaneseq.u32;
	p5 =	sgt.f32 s10, $0.0e+00;
	s10 =	sadd.s32 $0x10, s9;
	p0 =	por !p0, !p1  }
0xfd: {  	v1 =	vadd.s32 v60, v1;
	v60 =	vadd.s32 v62, v26;
	v62 =	vor.u32 s10, v45;
	s10 =	spop (v2sf);
	p0 =	por !p0, !p0  }
0xfe: {  	p6 =	sgt.f32 s10, $0.0e+00;
	p0 =	por !p0, !p5  }
0xff: {  	s10 =	spop (v2sf);
	p0 =	por !p0, !p0  }
0x100: {  	v0 =	vadd.s32 v61, v0;
	vm15 =	vlt.s32 v1, $0x21;
	v1 =	vadd.s32 v11, v1;
	p2 =	sgt.f32 s10, $0.0e+00;
	p0 =	por !p0, !p6  }
0x101: {  	vm0 =	vmand vm7, vm15;
	vm11 =	vlt.s32 v0, $0x21;
	v0 =	vadd.s32 v14, v0;
	s10 =	spop (v2sf);
	p0 =	por !p0, !p0  }
0x102: {  	v4 =	vadd.s32 v4, v19;
	vm1 =	vmand vm9, vm11;
	vm12 =	vlt.s32 v60, $0x21;
	p3 =	sgt.f32 s10, $0.0e+00;
	p0 =	por !p0, !p2  }
0x103: {  	v9 =	vadd.s32 v20, v60;
	v7 =	vadd.s32 v13, v7;
	vm2 =	vmand vm10, vm12;
	s10 =	spop (v2sf);
	p0 =	por !p0, !p0  }
0x104: {  	vm13 =	vlt.s32 v4, $0x21;
	v4 =	vadd.s32 v27, v4;
	v5 =	vadd.s32 v5, v12;
	p4 =	sgt.f32 s10, $0.0e+00;
	p0 =	por !p0, !p3  }
0x105: {  	vm6 =	vmand vm6, vm13;
	vm14 =	vlt.s32 v7, $0x21;
	v7 =	vadd.s32 v33, v7;
	s10 =	spop (v2sf);
	p0 =	por !p0, !p0  }
0x106: {  	v61 =	vadd.s32 v34, v15;
	vm7 =	vmand vm8, vm14;
	vm15 =	vlt.s32 v5, $0x21;
	p5 =	sgt.f32 s10, $0.0e+00;
	p0 =	por !p0, !p4  }
0x107: {  	v8 =	vadd.s32 v8, v24;
	vm4 =	vmand vm4, vm15;
	vm12 =	vlt.s32 v61, $0x21;
	p0 =	por !p0, !p0  }
0x108: {  	vm13 =	vmand vm5, vm12;
	vm14 =	vlt.s32 v8, $0x21;
	[tilespmem:v1+s12+$0x0] =	vst.idx.msk vm0, v62;
	v1 =	vadd.s32 v39, v5;
	p0 =	por !p0, !p5  }
0x109: {  	vm15 =	vmand vm3, vm14;
	[tilespmem:v0+s12+$0x0] =	vst.idx.msk vm1, v62;
	v0 =	vadd.s32 v44, v61;
	p6 =	sgt.u32 s9, $0xFDF;
	p0 =	por !p0, !p0  }
0x10a: {  	v63 =	vadd.s32 v48, v8;
	[tilespmem:v9+s12+$0x0] =	vst.idx.msk vm2, v62;
	p0 =	por p6, p0  }
.Ltmp1:
0x10b: {  	[tilespmem:v4+s12+$0x0] =	vst.idx.msk vm6, v62;
	(pc) =	sbr.rel @!p0 .LBB2_5-.Ltmp1, $4  }
0x10c: {  	[tilespmem:v7+s12+$0x0] =	vst.idx.msk vm7, v62  }
0x10d: {  	[tilespmem:v1+s12+$0x0] =	vst.idx.msk vm4, v62  }
0x10e: {  	s30 =	sadd.s32 $0x20, s30;
	s31 =	sadd.s32 $0x20, s31;
	[tilespmem:v0+s12+$0x0] =	vst.idx.msk vm13, v62  }
0x10f: {  	s0 =	sadd.s32 $0x20, s0;
	s1 =	sadd.s32 $0x20, s1;
	s9 =	sadd.s32 $0x20, s9;
	[tilespmem:v63+s12+$0x0] =	vst.idx.msk vm15, v62  }
0x110: {  	v0 =	vld [tilespmem:$0x1FD70];
	_ =	sdelay $0x5  }
0x111: {  	v1 =	vld [tilespmem:s15+$0x4C00]  }
0x112: {  	v4 =	vld [tilespmem:s15+$0x4C10]  }
0x113: {  	v0 =	vld.idx.msk [tilespmem:v0+s12+$0x0], $0xffff;
	_ =	sdelay $0x3  }
0x114: {  	vm0 =	veq.s32 v1, $0x1000;
	vm13 =	veq.s32 v4, $0x1000  }
0x115: {  	v1 =	vsel vm0, v0, v1;
	v0 =	vsel vm13, v0, v4  }
0x116: {  	[tilespmem:s15+$0x4C10] =	vst v0;
	v0 =	vld [tilespmem:$0x1FDD0];
	_ =	sdelay $0x4  }
0x117: {  	[tilespmem:s15+$0x4C00] =	vst v1  }
0x118: {  	v1 =	vld [tilespmem:s16+$0x4C00]  }
0x119: {  	v57 =	vld [tilespmem:s17+$0x4C00]  }
0x11a: {  	v0 =	vld.idx.msk [tilespmem:v0+s12+$0x0], $0xffff;
	_ =	sdelay $0x3  }
0x11b: {  	vm14 =	veq.s32 v1, $0x1000  }
0x11c: {  	vm15 =	veq.s32 v57, $0x1000;
	v1 =	vsel vm14, v0, v1  }
0x11d: {  	v0 =	vsel vm15, v0, v57;
	[tilespmem:s16+$0x4C00] =	vst v1  }
0x11e: {  	[tilespmem:s17+$0x4C00] =	vst v0;
	v0 =	vld [tilespmem:$0x1FE30];
	_ =	sdelay $0x5  }
0x11f: {  	v1 =	vld [tilespmem:s18+$0x4C00]  }
0x120: {  	v58 =	vld [tilespmem:s19+$0x4C00]  }
0x121: {  	v0 =	vld.idx.msk [tilespmem:v0+s12+$0x0], $0xffff;
	_ =	sdelay $0x3  }
0x122: {  	vm4 =	veq.s32 v1, $0x1000  }
0x123: {  	vm5 =	veq.s32 v58, $0x1000;
	v1 =	vsel vm4, v0, v1  }
0x124: {  	v0 =	vsel vm5, v0, v58;
	[tilespmem:s18+$0x4C00] =	vst v1  }
0x125: {  	[tilespmem:s19+$0x4C00] =	vst v0;
	v0 =	vld [tilespmem:$0x1FE90];
	_ =	sdelay $0x5  }
0x126: {  	v1 =	vld [tilespmem:s20+$0x4C00]  }
0x127: {  	v59 =	vld [tilespmem:s21+$0x4C00]  }
0x128: {  	v0 =	vld.idx.msk [tilespmem:v0+s12+$0x0], $0xffff;
	_ =	sdelay $0x3  }
0x129: {  	vm6 =	veq.s32 v1, $0x1000  }
0x12a: {  	vm7 =	veq.s32 v59, $0x1000;
	v1 =	vsel vm6, v0, v1  }
0x12b: {  	v0 =	vsel vm7, v0, v59;
	[tilespmem:s20+$0x4C00] =	vst v1  }
0x12c: {  	[tilespmem:s21+$0x4C00] =	vst v0;
	v0 =	vld [tilespmem:$0x1FEF0];
	_ =	sdelay $0x5  }
0x12d: {  	v1 =	vld [tilespmem:s22+$0x4C00]  }
0x12e: {  	v60 =	vld [tilespmem:s22+$0x4C10]  }
0x12f: {  	v0 =	vld.idx.msk [tilespmem:v0+s12+$0x0], $0xffff;
	_ =	sdelay $0x3  }
0x130: {  	vm8 =	veq.s32 v1, $0x1000;
	vm9 =	veq.s32 v60, $0x1000  }
0x131: {  	v1 =	vsel vm8, v0, v1;
	v0 =	vsel vm9, v0, v60  }
0x132: {  	[tilespmem:s22+$0x4C10] =	vst v0;
	v0 =	vld [tilespmem:$0x1FF50];
	_ =	sdelay $0x4  }
0x133: {  	[tilespmem:s22+$0x4C00] =	vst v1  }
0x134: {  	v1 =	vld [tilespmem:s23+$0x4C00]  }
0x135: {  	v61 =	vld [tilespmem:s24+$0x4C00]  }
0x136: {  	v0 =	vld.idx.msk [tilespmem:v0+s12+$0x0], $0xffff;
	_ =	sdelay $0x3  }
0x137: {  	vm10 =	veq.s32 v1, $0x1000  }
0x138: {  	vm11 =	veq.s32 v61, $0x1000;
	v1 =	vsel vm10, v0, v1  }
0x139: {  	v0 =	vsel vm11, v0, v61;
	[tilespmem:s23+$0x4C00] =	vst v1  }
0x13a: {  	[tilespmem:s24+$0x4C00] =	vst v0;
	v0 =	vld [tilespmem:$0x1FFB0];
	_ =	sdelay $0x5  }
0x13b: {  	v1 =	vld [tilespmem:s25+$0x4C00]  }
0x13c: {  	v62 =	vld [tilespmem:s26+$0x4C00]  }
0x13d: {  	v0 =	vld.idx.msk [tilespmem:v0+s12+$0x0], $0xffff;
	_ =	sdelay $0x3  }
0x13e: {  	vm12 =	veq.s32 v1, $0x1000  }
0x13f: {  	vm13 =	veq.s32 v62, $0x1000;
	v1 =	vsel vm12, v0, v1  }
0x140: {  	v0 =	vsel vm13, v0, v62;
	[tilespmem:s25+$0x4C00] =	vst v1  }
0x141: {  	[tilespmem:s26+$0x4C00] =	vst v0;
	v0 =	vld [tilespmem:$0x1FFF0];
	_ =	sdelay $0x5  }
0x142: {  	v1 =	vld [tilespmem:s28+$0x4C00]  }
0x143: {  	v63 =	vld [tilespmem:s29+$0x4C00]  }
0x144: {  	v0 =	vld.idx.msk [tilespmem:v0+s12+$0x0], $0xffff  }
0x145: {  	s14 =	sadd.s32 $0x1, s14  }
0x146: {  	p0 =	sne.s32 s14, $0x40  }
.Ltmp2:
0x147: {  	_ = 	snop;
	(pc) =	sbr.rel @p0 .LBB2_4-.Ltmp2, $4  }
0x148: {  	vm14 =	veq.s32 v1, $0x1000  }
0x149: {  	vm15 =	veq.s32 v63, $0x1000;
	v1 =	vsel vm14, v0, v1  }
0x14a: {  	v0 =	vsel vm15, v0, v63;
	[tilespmem:s28+$0x4C00] =	vst v1  }
0x14b: {  	[tilespmem:s29+$0x4C00] =	vst v0  }
0x14c: {  	s13 =	sadd.s32 $0x1, s13  }
0x14d: {  	p0 =	sne.s32 s13, s7  }
.Ltmp3:
0x14e: {  	_ = 	snop;
	(pc) =	sbr.rel @p0 .LBB2_1-.Ltmp3, $4  }
0x14f: {  	[hbm4b:s6+s2] =	stream.linear.scatter [tilespmem:s12], [sflag:$0x1], $0x4000, $0x38;
	[tilespmem:$0xCC00] =	vst v63  }
0x150: {  	_ =	swait.ge [sflag:s8], $0x4000  }
0x151: {  	[sflag:s8] =	ssyncset.done $0x0  }
0x152: {  	[sflag:s8] =	ssyncadd.s32 $0xFFFFC000  }
0x153: {  	_ =	sfence.sel $0x180000  }
0x154: {  	[bflag:$0x0] =	sbarrier.arrive $0xFFFF  }
0x155: {  	_ =	strace $0x9000004A  }
0x156: {  	s0 =	stileid.u32;
	[bflag:$0x2] =	sbarrier.arrive $0xFFFF  }
0x157: {  	p0 =	sne.s32 s0, $0x0;
	s0 =	rddreg [dreg:$0x2]  }
0x158: {  	s0 =	sadd.s32 @!p0 $0x100000, s0  }
0x159: {  	[sflag:s0] =	ssyncadd.tile.s32 @!p0 $0x1;
	_ =	shalt  }
.Lfunc_end2:
_tile_overlayer_lowered:
.L_overlay_start_2:
0x15a: {  	(tag) =	ssettag $0x2  }
0x15b: {  	s0 =	rddreg [dreg:$0x0];
	s2 =	stileid.u32  }
0x15c: {  	s1 =	rddreg [dreg:$0x1];
	p0 =	sne.s32 s2, $0x0  }
0x15d: {  	s3 =	rddreg [dreg:$0x2];
	[bflag:$0x3] =	sbarrier.arrive $0xFFFF;
	s2 =	simm.s32 @!p0 $0x1C01  }
0x15e: {  	[timem:s3], [sflag:s2] =	dma.local @!p0 [hbm:s0], s1  }
0x15f: {  	s0 =	simm.s32 @!p0 $0x1  }
0x160: {  	_ =	swait.ge @!p0 [sflag:s0], s1  }
0x161: {  	s1 =	ssub.s32 @!p0 $0x0, s1;
	[sflag:s0] =	ssyncset.done @!p0 $0x0  }
0x162: {  	[sflag:s0] =	ssyncadd.s32 @!p0 s1  }
0x163: {  	[bflag:$0x3] =	sbarrier.arrive $0xFFFF  }
0x164: {  	_ =	shalt  }

</sc_bundles>
